<compile_context>
chip_gen: v7x
topology: tpu7x:2x2x1
jax: 0.10.2.dev20260603
libtpu: 0.0.44.dev20260713+nightly
codegen_flags: <defaults>
</compile_context>

<pallas_src>
import functools

import jax
import jax.numpy as jnp
from jax import lax
from jax.experimental import pallas as pl
from jax.experimental.pallas import tpu as pltpu
from jax.experimental.pallas import tpu_sc as plsc

N = 10000
E = 160000
D = 256
H = 128
NC, NS = 2, 16
EB = 128

PROP_BATCHES = 80
DEG_BATCHES = 40
E_PAD = NS * PROP_BATCHES * EB
SINK = N
N2 = 10240
RPT = N2 // NS
DEG_PAD = 10240
DRT = DEG_PAD // NS

_sc_mesh = plsc.VectorSubcoreMesh(core_axis_name="c", subcore_axis_name="s")



@functools.partial(
    pl.kernel,
    out_type=jax.ShapeDtypeStruct((NC, DEG_PAD), jnp.float32),
    mesh=_sc_mesh,
    scratch_types=[
        pltpu.VMEM((DEG_BATCHES, EB), jnp.int32),
        pltpu.VMEM((EB,), jnp.float32),
        pltpu.VMEM_SHARED((DEG_PAD,), jnp.float32),
    ],
)
def _deg_kernel(col_hbm, zeros_hbm, out_hbm, colv, ones_v, deg_sh):
    c = lax.axis_index("c")
    s = lax.axis_index("s")
    wid = c * NS + s
    pltpu.sync_copy(zeros_hbm.at[pl.ds(s * DRT, DRT)],
                    deg_sh.at[pl.ds(s * DRT, DRT)])
    pltpu.sync_copy(col_hbm.at[wid], colv)
    for i in range(EB // 16):
        ones_v[pl.ds(i * 16, 16)] = jnp.full((16,), 1.0, jnp.float32)
    plsc.subcore_barrier()

    def body(b, carry):
        pltpu.sync_copy(ones_v, deg_sh.at[colv.at[b]], add=True)
        return carry

    lax.fori_loop(0, DEG_BATCHES, body, 0)
    plsc.subcore_barrier()
    pltpu.sync_copy(deg_sh.at[pl.ds(s * DRT, DRT)],
                    out_hbm.at[c, pl.ds(s * DRT, DRT)])


@functools.partial(
    pl.kernel,
    out_type=jax.ShapeDtypeStruct((NC * N2, H), jnp.float32),
    mesh=_sc_mesh,
    scratch_types=[
        pltpu.VMEM((PROP_BATCHES, EB), jnp.int32),
        pltpu.VMEM((2, EB), jnp.int32),
        pltpu.VMEM((2, EB), jnp.int32),
        pltpu.VMEM((2, EB, H), jnp.float32),
        pltpu.VMEM_SHARED((N2, H), jnp.float32),
        pltpu.SemaphoreType.DMA,
        pltpu.SemaphoreType.DMA,
        pltpu.SemaphoreType.DMA,
        pltpu.SemaphoreType.DMA,
    ],
)
def _prop_kernel(hp_hbm, pk_hbm, out_hbm, pkv, rowb, colb, buf,
                 acc_sh, gsem0, gsem1, ssem0, ssem1):
    c = lax.axis_index("c")
    s = lax.axis_index("s")
    wid = c * NS + s
    pltpu.sync_copy(hp_hbm.at[pl.ds(c * N2 + s * RPT, RPT)],
                    acc_sh.at[pl.ds(s * RPT, RPT)])
    pltpu.sync_copy(pk_hbm.at[wid], pkv)
    plsc.subcore_barrier()

    gsems = (gsem0, gsem1)
    ssems = (ssem0, ssem1)

    def unpack(b, k):
        pk = pkv.at[b]
        for i in range(EB // 16):
            p = pk[pl.ds(16 * i, 16)]
            rowb[k, pl.ds(16 * i, 16)] = p & 0xFFFF
            colb[k, pl.ds(16 * i, 16)] = lax.shift_right_logical(p, 16)

    unpack(0, 0)
    pltpu.async_copy(hp_hbm.at[rowb.at[0]], buf.at[0], gsems[0])

    def body(g, carry):
        for k in (0, 1):
            b = 2 * g + k
            nxt = b + 1

            @pl.when(b >= 1)
            def _():
                pltpu.make_async_copy(
                    buf.at[1 - k], acc_sh.at[colb.at[1 - k]], ssems[1 - k]
                ).wait()

            @pl.when(nxt < PROP_BATCHES)
            def _():
                unpack(nxt, 1 - k)
                pltpu.async_copy(hp_hbm.at[rowb.at[1 - k]], buf.at[1 - k],
                                 gsems[1 - k])

            pltpu.make_async_copy(hp_hbm.at[rowb.at[k]], buf.at[k],
                                  gsems[k]).wait()
            pltpu.async_copy(buf.at[k], acc_sh.at[colb.at[k]], ssems[k],
                             add=True)
        return carry

    lax.fori_loop(0, PROP_BATCHES // 2, body, 0)
    pltpu.make_async_copy(buf.at[1], acc_sh.at[colb.at[1]], ssems[1]).wait()
    plsc.subcore_barrier()
    pltpu.sync_copy(acc_sh.at[pl.ds(s * RPT, RPT)],
                    out_hbm.at[pl.ds(c * N2 + s * RPT, RPT)])



_RB = 640
_NB = 16


def _dis_body(d0_ref, d1_ref, o_ref):
    o_ref[...] = lax.rsqrt(d0_ref[...] + d1_ref[...] + 1.0)


_dis_call = pl.pallas_call(
    _dis_body,
    out_shape=jax.ShapeDtypeStruct((N, 1), jnp.float32),
)


def _lin1_body(x_ref, w_ref, b_ref, dis_ref, o_ref):
    h = lax.dot_general(x_ref[...], w_ref[...], (((1,), (1,)), ((), ())),
                        preferred_element_type=jnp.float32)
    o_ref[...] = dis_ref[...] * (h + b_ref[...][0])


_lin1_call = pl.pallas_call(
    _lin1_body,
    grid=(2, _NB),
    in_specs=[
        pl.BlockSpec((_RB, D), lambda j, i: (i, 0)),
        pl.BlockSpec((H, D), lambda j, i: (j, 0)),
        pl.BlockSpec((1, 1, H), lambda j, i: (j, 0, 0)),
        pl.BlockSpec((_RB, 1), lambda j, i: (i, 0)),
    ],
    out_specs=pl.BlockSpec((_RB, H), lambda j, i: (j * _NB + i, 0)),
    out_shape=jax.ShapeDtypeStruct((NC * N2, H), jnp.float32),
)


def _lin2_body(a0_ref, a1_ref, w_ref, b_ref, dis_ref, o_ref):
    dis = dis_ref[...]
    r0 = jnp.maximum(dis * a0_ref[...], 0.0)
    r1 = jnp.maximum(dis * a1_ref[...], 0.0)
    w = w_ref[...]
    h = (lax.dot_general(r0, w[:, :H], (((1,), (1,)), ((), ())),
                         preferred_element_type=jnp.float32)
         + lax.dot_general(r1, w[:, H:], (((1,), (1,)), ((), ())),
                           preferred_element_type=jnp.float32))
    o_ref[...] = dis * (h + b_ref[...][0])


_lin2_call = pl.pallas_call(
    _lin2_body,
    grid=(2, _NB),
    in_specs=[
        pl.BlockSpec((_RB, H), lambda j, i: (i, 0)),
        pl.BlockSpec((_RB, H), lambda j, i: (_NB + i, 0)),
        pl.BlockSpec((H, D), lambda j, i: (j, 0)),
        pl.BlockSpec((1, 1, H), lambda j, i: (j, 0, 0)),
        pl.BlockSpec((_RB, 1), lambda j, i: (i, 0)),
    ],
    out_specs=pl.BlockSpec((_RB, H), lambda j, i: (j * _NB + i, 0)),
    out_shape=jax.ShapeDtypeStruct((NC * N2, H), jnp.float32),
)


def _final_body(a0_ref, a1_ref, dis_ref, o_ref):
    dis = dis_ref[...]
    o_ref[:, :H] = dis * a0_ref[...]
    o_ref[:, H:] = dis * a1_ref[...]


_final_call = pl.pallas_call(
    _final_body,
    grid=(_NB,),
    in_specs=[
        pl.BlockSpec((_RB, H), lambda i: (i, 0)),
        pl.BlockSpec((_RB, H), lambda i: (_NB + i, 0)),
        pl.BlockSpec((_RB, 1), lambda i: (i, 0)),
    ],
    out_specs=pl.BlockSpec((_RB, D), lambda i: (i, 0)),
    out_shape=jax.ShapeDtypeStruct((N, D), jnp.float32),
)



def kernel(x, edge_index, W1, b1, W2, b2):
    ei = edge_index.astype(jnp.int32)
    row, col = ei[0], ei[1]
    row_p = jnp.concatenate([row, jnp.zeros((E_PAD - E,), jnp.int32)])
    col_p = jnp.concatenate([col, jnp.full((E_PAD - E,), SINK, jnp.int32)])

    col_deg = col_p.reshape(NC * NS, DEG_BATCHES, EB)
    packed = jnp.stack([row_p, row_p + N2]) | (col_p << 16)[None, :]
    packed = packed.reshape(NC * NS, PROP_BATCHES, EB)
    zeros_deg = jnp.zeros((DEG_PAD,), jnp.float32)
    b1r = b1.reshape(NC, 1, H)
    b2r = b2.reshape(NC, 1, H)

    degs = _deg_kernel(col_deg, zeros_deg)
    d0 = degs[0, :N, None]
    d1 = degs[1, :N, None]
    dis = _dis_call(d0, d1)

    h1p = _lin1_call(x, W1, b1r, dis)
    acc1 = _prop_kernel(h1p, packed)
    h2p = _lin2_call(acc1, acc1, W2, b2r, dis)
    acc2 = _prop_kernel(h2p, packed)
    return _final_call(acc2, acc2, dis)

# --- scband reference (transcript-rebuilt; emitter-appended) ---
"""Pipeline reference for scband-gnnstack-69063074119987 (READ-ONLY COPY).

The authoritative reference and input builder live on the scoring server;
editing this copy changes nothing except your own understanding.
"""

import jax, jax.numpy as jnp
import numpy as np

N_NODES = 10000
N_EDGES = 160000
D = 256


def setup_inputs(seed: int = 0) -> dict:
    key = jax.random.key(seed)
    k1, k2, k3, k4 = jax.random.split(key, 4)
    x = jax.random.normal(k1, (N_NODES, D), dtype=jnp.float32)
    edge_index = jax.random.randint(k2, (2, N_EDGES), 0, N_NODES, dtype=jnp.int64)
    # Glorot-ish init for linear weights of the two GCN layers
    scale = 1.0 / np.sqrt(D)
    W1 = jax.random.uniform(k3, (D, D), dtype=jnp.float32, minval=-scale, maxval=scale)
    b1 = jnp.zeros((D,), dtype=jnp.float32)
    W2 = jax.random.uniform(k4, (D, D), dtype=jnp.float32, minval=-scale, maxval=scale)
    b2 = jnp.zeros((D,), dtype=jnp.float32)
    return {"x": x, "edge_index": edge_index, "W1": W1, "b1": b1, "W2": W2, "b2": b2}


def _gcn_layer(x, edge_index, W, b):
    N = x.shape[0]
    # add self loops (PyG add_self_loops appends [i, i] edges)
    loop = jnp.arange(N, dtype=edge_index.dtype)
    ei = jnp.concatenate([edge_index, jnp.stack([loop, loop], axis=0)], axis=1)
    # linear transform (nn.Linear: x @ W.T + b)
    h = x @ W.T + b
    row, col = ei[0], ei[1]
    # degree computed over col (target nodes)
    deg = jnp.zeros((N,), dtype=h.dtype).at[col].add(1.0)
    deg_inv_sqrt = jnp.power(deg, -0.5)
    deg_inv_sqrt = jnp.where(jnp.isinf(deg_inv_sqrt), 0.0, deg_inv_sqrt)
    norm = deg_inv_sqrt[row] * deg_inv_sqrt[col]
    # message = norm * x_j (x_j = h[row], source); aggregate 'add' at col (target)
    msg = norm[:, None] * h[row]
    out = jnp.zeros((N, h.shape[1]), dtype=h.dtype).at[col].add(msg)
    return out


def reference(x, edge_index, W1, b1, W2, b2):
    # layer 0 + relu (not last layer), dropout=0 so no-op
    h = _gcn_layer(x, edge_index, W1, b1)
    h = jax.nn.relu(h)
    # layer 1, final_activation=False
    out = _gcn_layer(h, edge_index, W2, b2)
    return out

if __name__ == "__main__":
    import jax
    _d = setup_inputs()
    print(jax.jit(kernel)(*tuple(_d.values())))

</pallas_src>

<mosaic_0001>
#map = affine_map<(d0, d1) -> (0, 0)>
#map1 = affine_map<(d0, d1) -> (0, 0, 0)>
module attributes {stable_mosaic.version = 14 : i64} {
  func.func @_prop_kernel(%arg0: i32, %arg1: i32, %arg2: memref<20480x128xf32, #tpu.memory_space<hbm>>, %arg3: memref<32x80x128xi32, #tpu.memory_space<hbm>>, %arg4: memref<20480x128xf32, #tpu.memory_space<hbm>>, %arg5: memref<80x128xi32, #tpu.memory_space<vmem>>, %arg6: memref<2x128xi32, #tpu.memory_space<vmem>>, %arg7: memref<2x128xi32, #tpu.memory_space<vmem>>, %arg8: memref<2x128x128xf32, #tpu.memory_space<vmem>>, %arg9: memref<10240x128xf32, #tpu.memory_space<vmem_shared>>, %arg10: memref<!tpu.dma_semaphore, #tpu.memory_space<semaphore_mem>>, %arg11: memref<!tpu.dma_semaphore, #tpu.memory_space<semaphore_mem>>, %arg12: memref<!tpu.dma_semaphore, #tpu.memory_space<semaphore_mem>>, %arg13: memref<!tpu.dma_semaphore, #tpu.memory_space<semaphore_mem>>) attributes {dimension_semantics = [#tpu.dimension_semantics<core_parallel>, #tpu.dimension_semantics<subcore_parallel>], iteration_bounds = array<i64: 2, 16>, scalar_prefetch = 0 : i64, scratch_operands = 9 : i64, tpu.core_type = #tpu.core_type<sc_vector_subcore>, window_params = [{transform_indices = #map}, {transform_indices = #map1}, {transform_indices = #map}]} {
    %mul3A = arith.constant 16 : i32
    %mul3A_0 = arith.muli %arg0, %mul3A : i32
    %add3A = arith.addi %mul3A_0, %arg1 : i32
    %mul3A_1 = arith.constant 10240 : i32
    %mul3A_2 = arith.muli %arg0, %mul3A_1 : i32
    %mul3A_3 = arith.constant 640 : i32
    %mul3A_4 = arith.muli %arg1, %mul3A_3 : i32
    %add3A_5 = arith.addi %mul3A_2, %mul3A_4 : i32
    %mul3A_6 = arith.constant 640 : i32
    %mul3A_7 = arith.muli %arg1, %mul3A_6 : i32
    "tpu.region"() ({
      %run_scoped3A = tpu.sem_alloc : memref<!tpu.dma_semaphore, #tpu.memory_space<semaphore_mem>>
      %dma_start3A_239 = arith.constant 0 : i32
      %dma_start3A_240 = tpu.memref_slice %arg9[%mul3A_7, %dma_start3A_239] : memref<10240x128xf32, #tpu.memory_space<vmem_shared>> -> memref<640x128xf32, #tpu.memory_space<vmem_shared>>
      %dma_start3A_241 = arith.constant 0 : i32
      %dma_start3A_242 = tpu.memref_slice %arg2[%add3A_5, %dma_start3A_241] : memref<20480x128xf32, #tpu.memory_space<hbm>> -> memref<640x128xf32, #tpu.memory_space<hbm>>
      tpu.enqueue_dma source(%dma_start3A_242 : memref<640x128xf32, #tpu.memory_space<hbm>>) target(%dma_start3A_240 : memref<640x128xf32, #tpu.memory_space<vmem_shared>>) target_semaphore(%run_scoped3A : memref<!tpu.dma_semaphore, #tpu.memory_space<semaphore_mem>>)
      %dma_wait3A_243 = arith.constant 0 : i32
      %dma_wait3A_244 = tpu.memref_slice %arg9[%mul3A_7, %dma_wait3A_243] : memref<10240x128xf32, #tpu.memory_space<vmem_shared>> -> memref<640x128xf32, #tpu.memory_space<vmem_shared>>
      %dma_wait3A_245 = arith.constant 0 : i32
      %dma_wait3A_246 = tpu.memref_slice %arg2[%add3A_5, %dma_wait3A_245] : memref<20480x128xf32, #tpu.memory_space<hbm>> -> memref<640x128xf32, #tpu.memory_space<hbm>>
      tpu.wait_dma2 semaphore(%run_scoped3A : memref<!tpu.dma_semaphore, #tpu.memory_space<semaphore_mem>>) src(%dma_wait3A_246 : memref<640x128xf32, #tpu.memory_space<hbm>>) dst(%dma_wait3A_244 : memref<640x128xf32, #tpu.memory_space<vmem_shared>>)
      tpu.yield
    }) : () -> ()
    "tpu.region"() ({
      %run_scoped3A = tpu.sem_alloc : memref<!tpu.dma_semaphore, #tpu.memory_space<semaphore_mem>>
      %dma_start3A_239 = arith.constant 0 : i32
      %dma_start3A_240 = arith.constant 0 : i32
      %dma_start3A_241 = tpu.memref_slice %arg3[%add3A, %dma_start3A_239, %dma_start3A_240] : memref<32x80x128xi32, #tpu.memory_space<hbm>> -> memref<1x80x128xi32, #tpu.memory_space<hbm>>
      %dma_start3A_242 = tpu.memref_squeeze %dma_start3A_241 : memref<1x80x128xi32, #tpu.memory_space<hbm>> -> memref<80x128xi32, #tpu.memory_space<hbm>>
      %dma_start3A_243 = arith.constant 0 : i32
      %dma_start3A_244 = arith.constant 0 : i32
      %dma_start3A_245 = tpu.memref_slice %arg3[%add3A, %dma_start3A_243, %dma_start3A_244] : memref<32x80x128xi32, #tpu.memory_space<hbm>> -> memref<1x80x128xi32, #tpu.memory_space<hbm>>
      %dma_start3A_246 = tpu.memref_squeeze %dma_start3A_245 : memref<1x80x128xi32, #tpu.memory_space<hbm>> -> memref<80x128xi32, #tpu.memory_space<hbm>>
      tpu.enqueue_dma source(%dma_start3A_246 : memref<80x128xi32, #tpu.memory_space<hbm>>) target(%arg5 : memref<80x128xi32, #tpu.memory_space<vmem>>) target_semaphore(%run_scoped3A : memref<!tpu.dma_semaphore, #tpu.memory_space<semaphore_mem>>)
      %dma_wait3A_247 = arith.constant 0 : i32
      %dma_wait3A_248 = arith.constant 0 : i32
      %dma_wait3A_249 = tpu.memref_slice %arg3[%add3A, %dma_wait3A_247, %dma_wait3A_248] : memref<32x80x128xi32, #tpu.memory_space<hbm>> -> memref<1x80x128xi32, #tpu.memory_space<hbm>>
      %dma_wait3A_250 = tpu.memref_squeeze %dma_wait3A_249 : memref<1x80x128xi32, #tpu.memory_space<hbm>> -> memref<80x128xi32, #tpu.memory_space<hbm>>
      %dma_wait3A_251 = arith.constant 0 : i32
      %dma_wait3A_252 = arith.constant 0 : i32
      %dma_wait3A_253 = tpu.memref_slice %arg3[%add3A, %dma_wait3A_251, %dma_wait3A_252] : memref<32x80x128xi32, #tpu.memory_space<hbm>> -> memref<1x80x128xi32, #tpu.memory_space<hbm>>
      %dma_wait3A_254 = tpu.memref_squeeze %dma_wait3A_253 : memref<1x80x128xi32, #tpu.memory_space<hbm>> -> memref<80x128xi32, #tpu.memory_space<hbm>>
      tpu.wait_dma2 semaphore(%run_scoped3A : memref<!tpu.dma_semaphore, #tpu.memory_space<semaphore_mem>>) src(%dma_wait3A_254 : memref<80x128xi32, #tpu.memory_space<hbm>>) dst(%arg5 : memref<80x128xi32, #tpu.memory_space<vmem>>)
      tpu.yield
    }) : () -> ()
    %barrier3A = arith.constant 0 : index
    tpu.barrier barrier_id(%barrier3A)
    %get3A = arith.constant 0 : i32
    %get3A_8 = arith.constant 0 : i32
    %get3A_9 = tpu.memref_slice %arg5[%get3A, %get3A_8] : memref<80x128xi32, #tpu.memory_space<vmem>> -> memref<1x128xi32, #tpu.memory_space<vmem>>
    %get3A_10 = tpu.memref_squeeze %get3A_9 : memref<1x128xi32, #tpu.memory_space<vmem>> -> memref<128xi32, #tpu.memory_space<vmem>>
    %get3A_11 = arith.constant 0 : index
    %get3A_12 = tpu.vector_load %get3A_10[%get3A_11] {strides = array<i32>} : memref<128xi32, #tpu.memory_space<vmem>>, vector<16xi32>,
    %get3A_13 = vector.shape_cast %get3A_12 : vector<16xi32> to vector<16xi32>
    %and3A = arith.constant 65535 : i32
    %and3A_14 = vector.broadcast %and3A : i32 to vector<16xi32>
    %and3A_15 = arith.andi %get3A_13, %and3A_14 : vector<16xi32>
    %swap3A = arith.constant 0 : i32
    %swap3A_16 = arith.index_cast %swap3A : i32 to index
    %swap3A_17 = arith.constant 0 : index
    %swap3A_18 = tpu.vector_load %arg6[%swap3A_16, %swap3A_17] {strides = array<i32>} : memref<2x128xi32, #tpu.memory_space<vmem>>, vector<1x16xi32>,
    %swap3A_19 = vector.shape_cast %swap3A_18 : vector<1x16xi32> to vector<16xi32>
    %swap3A_20 = vector.shape_cast %and3A_15 : vector<16xi32> to vector<1x16xi32>
    tpu.vector_store %arg6[%swap3A_16, %swap3A_17], %swap3A_20 {strides = array<i32>} : memref<2x128xi32, #tpu.memory_space<vmem>>, vector<1x16xi32>,
    %shift_right_logical3A = arith.constant 16 : i32
    %shift_right_logical3A_21 = vector.broadcast %shift_right_logical3A : i32 to vector<16xi32>
    %shift_right_logical3A_22 = arith.shrui %get3A_13, %shift_right_logical3A_21 : vector<16xi32>
    %swap3A_23 = arith.constant 0 : i32
    %swap3A_24 = arith.index_cast %swap3A_23 : i32 to index
    %swap3A_25 = arith.constant 0 : index
    %swap3A_26 = tpu.vector_load %arg7[%swap3A_24, %swap3A_25] {strides = array<i32>} : memref<2x128xi32, #tpu.memory_space<vmem>>, vector<1x16xi32>,
    %swap3A_27 = vector.shape_cast %swap3A_26 : vector<1x16xi32> to vector<16xi32>
    %swap3A_28 = vector.shape_cast %shift_right_logical3A_22 : vector<16xi32> to vector<1x16xi32>
    tpu.vector_store %arg7[%swap3A_24, %swap3A_25], %swap3A_28 {strides = array<i32>} : memref<2x128xi32, #tpu.memory_space<vmem>>, vector<1x16xi32>,
    %get3A_29 = arith.constant 0 : i32
    %get3A_30 = arith.constant 0 : i32
    %get3A_31 = tpu.memref_slice %arg5[%get3A_29, %get3A_30] : memref<80x128xi32, #tpu.memory_space<vmem>> -> memref<1x128xi32, #tpu.memory_space<vmem>>
    %get3A_32 = tpu.memref_squeeze %get3A_31 : memref<1x128xi32, #tpu.memory_space<vmem>> -> memref<128xi32, #tpu.memory_space<vmem>>
    %get3A_33 = arith.constant 16 : index
    %get3A_34 = tpu.vector_load %get3A_32[%get3A_33] {strides = array<i32>} : memref<128xi32, #tpu.memory_space<vmem>>, vector<16xi32>,
    %get3A_35 = vector.shape_cast %get3A_34 : vector<16xi32> to vector<16xi32>
    %and3A_36 = arith.constant 65535 : i32
    %and3A_37 = vector.broadcast %and3A_36 : i32 to vector<16xi32>
    %and3A_38 = arith.andi %get3A_35, %and3A_37 : vector<16xi32>
    %swap3A_39 = arith.constant 0 : i32
    %swap3A_40 = arith.index_cast %swap3A_39 : i32 to index
    %swap3A_41 = arith.constant 16 : index
    %swap3A_42 = tpu.vector_load %arg6[%swap3A_40, %swap3A_41] {strides = array<i32>} : memref<2x128xi32, #tpu.memory_space<vmem>>, vector<1x16xi32>,
    %swap3A_43 = vector.shape_cast %swap3A_42 : vector<1x16xi32> to vector<16xi32>
    %swap3A_44 = vector.shape_cast %and3A_38 : vector<16xi32> to vector<1x16xi32>
    tpu.vector_store %arg6[%swap3A_40, %swap3A_41], %swap3A_44 {strides = array<i32>} : memref<2x128xi32, #tpu.memory_space<vmem>>, vector<1x16xi32>,
    %shift_right_logical3A_45 = arith.constant 16 : i32
    %shift_right_logical3A_46 = vector.broadcast %shift_right_logical3A_45 : i32 to vector<16xi32>
    %shift_right_logical3A_47 = arith.shrui %get3A_35, %shift_right_logical3A_46 : vector<16xi32>
    %swap3A_48 = arith.constant 0 : i32
    %swap3A_49 = arith.index_cast %swap3A_48 : i32 to index
    %swap3A_50 = arith.constant 16 : index
    %swap3A_51 = tpu.vector_load %arg7[%swap3A_49, %swap3A_50] {strides = array<i32>} : memref<2x128xi32, #tpu.memory_space<vmem>>, vector<1x16xi32>,
    %swap3A_52 = vector.shape_cast %swap3A_51 : vector<1x16xi32> to vector<16xi32>
    %swap3A_53 = vector.shape_cast %shift_right_logical3A_47 : vector<16xi32> to vector<1x16xi32>
    tpu.vector_store %arg7[%swap3A_49, %swap3A_50], %swap3A_53 {strides = array<i32>} : memref<2x128xi32, #tpu.memory_space<vmem>>, vector<1x16xi32>,
    %get3A_54 = arith.constant 0 : i32
    %get3A_55 = arith.constant 0 : i32
    %get3A_56 = tpu.memref_slice %arg5[%get3A_54, %get3A_55] : memref<80x128xi32, #tpu.memory_space<vmem>> -> memref<1x128xi32, #tpu.memory_space<vmem>>
    %get3A_57 = tpu.memref_squeeze %get3A_56 : memref<1x128xi32, #tpu.memory_space<vmem>> -> memref<128xi32, #tpu.memory_space<vmem>>
    %get3A_58 = arith.constant 32 : index
    %get3A_59 = tpu.vector_load %get3A_57[%get3A_58] {strides = array<i32>} : memref<128xi32, #tpu.memory_space<vmem>>, vector<16xi32>,
    %get3A_60 = vector.shape_cast %get3A_59 : vector<16xi32> to vector<16xi32>
    %and3A_61 = arith.constant 65535 : i32
    %and3A_62 = vector.broadcast %and3A_61 : i32 to vector<16xi32>
    %and3A_63 = arith.andi %get3A_60, %and3A_62 : vector<16xi32>
    %swap3A_64 = arith.constant 0 : i32
    %swap3A_65 = arith.index_cast %swap3A_64 : i32 to index
    %swap3A_66 = arith.constant 32 : index
    %swap3A_67 = tpu.vector_load %arg6[%swap3A_65, %swap3A_66] {strides = array<i32>} : memref<2x128xi32, #tpu.memory_space<vmem>>, vector<1x16xi32>,
    %swap3A_68 = vector.shape_cast %swap3A_67 : vector<1x16xi32> to vector<16xi32>
    %swap3A_69 = vector.shape_cast %and3A_63 : vector<16xi32> to vector<1x16xi32>
    tpu.vector_store %arg6[%swap3A_65, %swap3A_66], %swap3A_69 {strides = array<i32>} : memref<2x128xi32, #tpu.memory_space<vmem>>, vector<1x16xi32>,
    %shift_right_logical3A_70 = arith.constant 16 : i32
    %shift_right_logical3A_71 = vector.broadcast %shift_right_logical3A_70 : i32 to vector<16xi32>
    %shift_right_logical3A_72 = arith.shrui %get3A_60, %shift_right_logical3A_71 : vector<16xi32>
    %swap3A_73 = arith.constant 0 : i32
    %swap3A_74 = arith.index_cast %swap3A_73 : i32 to index
    %swap3A_75 = arith.constant 32 : index
    %swap3A_76 = tpu.vector_load %arg7[%swap3A_74, %swap3A_75] {strides = array<i32>} : memref<2x128xi32, #tpu.memory_space<vmem>>, vector<1x16xi32>,
    %swap3A_77 = vector.shape_cast %swap3A_76 : vector<1x16xi32> to vector<16xi32>
    %swap3A_78 = vector.shape_cast %shift_right_logical3A_72 : vector<16xi32> to vector<1x16xi32>
    tpu.vector_store %arg7[%swap3A_74, %swap3A_75], %swap3A_78 {strides = array<i32>} : memref<2x128xi32, #tpu.memory_space<vmem>>, vector<1x16xi32>,
    %get3A_79 = arith.constant 0 : i32
    %get3A_80 = arith.constant 0 : i32
    %get3A_81 = tpu.memref_slice %arg5[%get3A_79, %get3A_80] : memref<80x128xi32, #tpu.memory_space<vmem>> -> memref<1x128xi32, #tpu.memory_space<vmem>>
    %get3A_82 = tpu.memref_squeeze %get3A_81 : memref<1x128xi32, #tpu.memory_space<vmem>> -> memref<128xi32, #tpu.memory_space<vmem>>
    %get3A_83 = arith.constant 48 : index
    %get3A_84 = tpu.vector_load %get3A_82[%get3A_83] {strides = array<i32>} : memref<128xi32, #tpu.memory_space<vmem>>, vector<16xi32>,
    %get3A_85 = vector.shape_cast %get3A_84 : vector<16xi32> to vector<16xi32>
    %and3A_86 = arith.constant 65535 : i32
    %and3A_87 = vector.broadcast %and3A_86 : i32 to vector<16xi32>
    %and3A_88 = arith.andi %get3A_85, %and3A_87 : vector<16xi32>
    %swap3A_89 = arith.constant 0 : i32
    %swap3A_90 = arith.index_cast %swap3A_89 : i32 to index
    %swap3A_91 = arith.constant 48 : index
    %swap3A_92 = tpu.vector_load %arg6[%swap3A_90, %swap3A_91] {strides = array<i32>} : memref<2x128xi32, #tpu.memory_space<vmem>>, vector<1x16xi32>,
    %swap3A_93 = vector.shape_cast %swap3A_92 : vector<1x16xi32> to vector<16xi32>
    %swap3A_94 = vector.shape_cast %and3A_88 : vector<16xi32> to vector<1x16xi32>
    tpu.vector_store %arg6[%swap3A_90, %swap3A_91], %swap3A_94 {strides = array<i32>} : memref<2x128xi32, #tpu.memory_space<vmem>>, vector<1x16xi32>,
    %shift_right_logical3A_95 = arith.constant 16 : i32
    %shift_right_logical3A_96 = vector.broadcast %shift_right_logical3A_95 : i32 to vector<16xi32>
    %shift_right_logical3A_97 = arith.shrui %get3A_85, %shift_right_logical3A_96 : vector<16xi32>
    %swap3A_98 = arith.constant 0 : i32
    %swap3A_99 = arith.index_cast %swap3A_98 : i32 to index
    %swap3A_100 = arith.constant 48 : index
    %swap3A_101 = tpu.vector_load %arg7[%swap3A_99, %swap3A_100] {strides = array<i32>} : memref<2x128xi32, #tpu.memory_space<vmem>>, vector<1x16xi32>,
    %swap3A_102 = vector.shape_cast %swap3A_101 : vector<1x16xi32> to vector<16xi32>
    %swap3A_103 = vector.shape_cast %shift_right_logical3A_97 : vector<16xi32> to vector<1x16xi32>
    tpu.vector_store %arg7[%swap3A_99, %swap3A_100], %swap3A_103 {strides = array<i32>} : memref<2x128xi32, #tpu.memory_space<vmem>>, vector<1x16xi32>,
    %get3A_104 = arith.constant 0 : i32
    %get3A_105 = arith.constant 0 : i32
    %get3A_106 = tpu.memref_slice %arg5[%get3A_104, %get3A_105] : memref<80x128xi32, #tpu.memory_space<vmem>> -> memref<1x128xi32, #tpu.memory_space<vmem>>
    %get3A_107 = tpu.memref_squeeze %get3A_106 : memref<1x128xi32, #tpu.memory_space<vmem>> -> memref<128xi32, #tpu.memory_space<vmem>>
    %get3A_108 = arith.constant 64 : index
    %get3A_109 = tpu.vector_load %get3A_107[%get3A_108] {strides = array<i32>} : memref<128xi32, #tpu.memory_space<vmem>>, vector<16xi32>,
    %get3A_110 = vector.shape_cast %get3A_109 : vector<16xi32> to vector<16xi32>
    %and3A_111 = arith.constant 65535 : i32
    %and3A_112 = vector.broadcast %and3A_111 : i32 to vector<16xi32>
    %and3A_113 = arith.andi %get3A_110, %and3A_112 : vector<16xi32>
    %swap3A_114 = arith.constant 0 : i32
    %swap3A_115 = arith.index_cast %swap3A_114 : i32 to index
    %swap3A_116 = arith.constant 64 : index
    %swap3A_117 = tpu.vector_load %arg6[%swap3A_115, %swap3A_116] {strides = array<i32>} : memref<2x128xi32, #tpu.memory_space<vmem>>, vector<1x16xi32>,
    %swap3A_118 = vector.shape_cast %swap3A_117 : vector<1x16xi32> to vector<16xi32>
    %swap3A_119 = vector.shape_cast %and3A_113 : vector<16xi32> to vector<1x16xi32>
    tpu.vector_store %arg6[%swap3A_115, %swap3A_116], %swap3A_119 {strides = array<i32>} : memref<2x128xi32, #tpu.memory_space<vmem>>, vector<1x16xi32>,
    %shift_right_logical3A_120 = arith.constant 16 : i32
    %shift_right_logical3A_121 = vector.broadcast %shift_right_logical3A_120 : i32 to vector<16xi32>
    %shift_right_logical3A_122 = arith.shrui %get3A_110, %shift_right_logical3A_121 : vector<16xi32>
    %swap3A_123 = arith.constant 0 : i32
    %swap3A_124 = arith.index_cast %swap3A_123 : i32 to index
    %swap3A_125 = arith.constant 64 : index
    %swap3A_126 = tpu.vector_load %arg7[%swap3A_124, %swap3A_125] {strides = array<i32>} : memref<2x128xi32, #tpu.memory_space<vmem>>, vector<1x16xi32>,
    %swap3A_127 = vector.shape_cast %swap3A_126 : vector<1x16xi32> to vector<16xi32>
    %swap3A_128 = vector.shape_cast %shift_right_logical3A_122 : vector<16xi32> to vector<1x16xi32>
    tpu.vector_store %arg7[%swap3A_124, %swap3A_125], %swap3A_128 {strides = array<i32>} : memref<2x128xi32, #tpu.memory_space<vmem>>, vector<1x16xi32>,
    %get3A_129 = arith.constant 0 : i32
    %get3A_130 = arith.constant 0 : i32
    %get3A_131 = tpu.memref_slice %arg5[%get3A_129, %get3A_130] : memref<80x128xi32, #tpu.memory_space<vmem>> -> memref<1x128xi32, #tpu.memory_space<vmem>>
    %get3A_132 = tpu.memref_squeeze %get3A_131 : memref<1x128xi32, #tpu.memory_space<vmem>> -> memref<128xi32, #tpu.memory_space<vmem>>
    %get3A_133 = arith.constant 80 : index
    %get3A_134 = tpu.vector_load %get3A_132[%get3A_133] {strides = array<i32>} : memref<128xi32, #tpu.memory_space<vmem>>, vector<16xi32>,
    %get3A_135 = vector.shape_cast %get3A_134 : vector<16xi32> to vector<16xi32>
    %and3A_136 = arith.constant 65535 : i32
    %and3A_137 = vector.broadcast %and3A_136 : i32 to vector<16xi32>
    %and3A_138 = arith.andi %get3A_135, %and3A_137 : vector<16xi32>
    %swap3A_139 = arith.constant 0 : i32
    %swap3A_140 = arith.index_cast %swap3A_139 : i32 to index
    %swap3A_141 = arith.constant 80 : index
    %swap3A_142 = tpu.vector_load %arg6[%swap3A_140, %swap3A_141] {strides = array<i32>} : memref<2x128xi32, #tpu.memory_space<vmem>>, vector<1x16xi32>,
    %swap3A_143 = vector.shape_cast %swap3A_142 : vector<1x16xi32> to vector<16xi32>
    %swap3A_144 = vector.shape_cast %and3A_138 : vector<16xi32> to vector<1x16xi32>
    tpu.vector_store %arg6[%swap3A_140, %swap3A_141], %swap3A_144 {strides = array<i32>} : memref<2x128xi32, #tpu.memory_space<vmem>>, vector<1x16xi32>,
    %shift_right_logical3A_145 = arith.constant 16 : i32
    %shift_right_logical3A_146 = vector.broadcast %shift_right_logical3A_145 : i32 to vector<16xi32>
    %shift_right_logical3A_147 = arith.shrui %get3A_135, %shift_right_logical3A_146 : vector<16xi32>
    %swap3A_148 = arith.constant 0 : i32
    %swap3A_149 = arith.index_cast %swap3A_148 : i32 to index
    %swap3A_150 = arith.constant 80 : index
    %swap3A_151 = tpu.vector_load %arg7[%swap3A_149, %swap3A_150] {strides = array<i32>} : memref<2x128xi32, #tpu.memory_space<vmem>>, vector<1x16xi32>,
    %swap3A_152 = vector.shape_cast %swap3A_151 : vector<1x16xi32> to vector<16xi32>
    %swap3A_153 = vector.shape_cast %shift_right_logical3A_147 : vector<16xi32> to vector<1x16xi32>
    tpu.vector_store %arg7[%swap3A_149, %swap3A_150], %swap3A_153 {strides = array<i32>} : memref<2x128xi32, #tpu.memory_space<vmem>>, vector<1x16xi32>,
    %get3A_154 = arith.constant 0 : i32
    %get3A_155 = arith.constant 0 : i32
    %get3A_156 = tpu.memref_slice %arg5[%get3A_154, %get3A_155] : memref<80x128xi32, #tpu.memory_space<vmem>> -> memref<1x128xi32, #tpu.memory_space<vmem>>
    %get3A_157 = tpu.memref_squeeze %get3A_156 : memref<1x128xi32, #tpu.memory_space<vmem>> -> memref<128xi32, #tpu.memory_space<vmem>>
    %get3A_158 = arith.constant 96 : index
    %get3A_159 = tpu.vector_load %get3A_157[%get3A_158] {strides = array<i32>} : memref<128xi32, #tpu.memory_space<vmem>>, vector<16xi32>,
    %get3A_160 = vector.shape_cast %get3A_159 : vector<16xi32> to vector<16xi32>
    %and3A_161 = arith.constant 65535 : i32
    %and3A_162 = vector.broadcast %and3A_161 : i32 to vector<16xi32>
    %and3A_163 = arith.andi %get3A_160, %and3A_162 : vector<16xi32>
    %swap3A_164 = arith.constant 0 : i32
    %swap3A_165 = arith.index_cast %swap3A_164 : i32 to index
    %swap3A_166 = arith.constant 96 : index
    %swap3A_167 = tpu.vector_load %arg6[%swap3A_165, %swap3A_166] {strides = array<i32>} : memref<2x128xi32, #tpu.memory_space<vmem>>, vector<1x16xi32>,
    %swap3A_168 = vector.shape_cast %swap3A_167 : vector<1x16xi32> to vector<16xi32>
    %swap3A_169 = vector.shape_cast %and3A_163 : vector<16xi32> to vector<1x16xi32>
    tpu.vector_store %arg6[%swap3A_165, %swap3A_166], %swap3A_169 {strides = array<i32>} : memref<2x128xi32, #tpu.memory_space<vmem>>, vector<1x16xi32>,
    %shift_right_logical3A_170 = arith.constant 16 : i32
    %shift_right_logical3A_171 = vector.broadcast %shift_right_logical3A_170 : i32 to vector<16xi32>
    %shift_right_logical3A_172 = arith.shrui %get3A_160, %shift_right_logical3A_171 : vector<16xi32>
    %swap3A_173 = arith.constant 0 : i32
    %swap3A_174 = arith.index_cast %swap3A_173 : i32 to index
    %swap3A_175 = arith.constant 96 : index
    %swap3A_176 = tpu.vector_load %arg7[%swap3A_174, %swap3A_175] {strides = array<i32>} : memref<2x128xi32, #tpu.memory_space<vmem>>, vector<1x16xi32>,
    %swap3A_177 = vector.shape_cast %swap3A_176 : vector<1x16xi32> to vector<16xi32>
    %swap3A_178 = vector.shape_cast %shift_right_logical3A_172 : vector<16xi32> to vector<1x16xi32>
    tpu.vector_store %arg7[%swap3A_174, %swap3A_175], %swap3A_178 {strides = array<i32>} : memref<2x128xi32, #tpu.memory_space<vmem>>, vector<1x16xi32>,
    %get3A_179 = arith.constant 0 : i32
    %get3A_180 = arith.constant 0 : i32
    %get3A_181 = tpu.memref_slice %arg5[%get3A_179, %get3A_180] : memref<80x128xi32, #tpu.memory_space<vmem>> -> memref<1x128xi32, #tpu.memory_space<vmem>>
    %get3A_182 = tpu.memref_squeeze %get3A_181 : memref<1x128xi32, #tpu.memory_space<vmem>> -> memref<128xi32, #tpu.memory_space<vmem>>
    %get3A_183 = arith.constant 112 : index
    %get3A_184 = tpu.vector_load %get3A_182[%get3A_183] {strides = array<i32>} : memref<128xi32, #tpu.memory_space<vmem>>, vector<16xi32>,
    %get3A_185 = vector.shape_cast %get3A_184 : vector<16xi32> to vector<16xi32>
    %and3A_186 = arith.constant 65535 : i32
    %and3A_187 = vector.broadcast %and3A_186 : i32 to vector<16xi32>
    %and3A_188 = arith.andi %get3A_185, %and3A_187 : vector<16xi32>
    %swap3A_189 = arith.constant 0 : i32
    %swap3A_190 = arith.index_cast %swap3A_189 : i32 to index
    %swap3A_191 = arith.constant 112 : index
    %swap3A_192 = tpu.vector_load %arg6[%swap3A_190, %swap3A_191] {strides = array<i32>} : memref<2x128xi32, #tpu.memory_space<vmem>>, vector<1x16xi32>,
    %swap3A_193 = vector.shape_cast %swap3A_192 : vector<1x16xi32> to vector<16xi32>
    %swap3A_194 = vector.shape_cast %and3A_188 : vector<16xi32> to vector<1x16xi32>
    tpu.vector_store %arg6[%swap3A_190, %swap3A_191], %swap3A_194 {strides = array<i32>} : memref<2x128xi32, #tpu.memory_space<vmem>>, vector<1x16xi32>,
    %shift_right_logical3A_195 = arith.constant 16 : i32
    %shift_right_logical3A_196 = vector.broadcast %shift_right_logical3A_195 : i32 to vector<16xi32>
    %shift_right_logical3A_197 = arith.shrui %get3A_185, %shift_right_logical3A_196 : vector<16xi32>
    %swap3A_198 = arith.constant 0 : i32
    %swap3A_199 = arith.index_cast %swap3A_198 : i32 to index
    %swap3A_200 = arith.constant 112 : index
    %swap3A_201 = tpu.vector_load %arg7[%swap3A_199, %swap3A_200] {strides = array<i32>} : memref<2x128xi32, #tpu.memory_space<vmem>>, vector<1x16xi32>,
    %swap3A_202 = vector.shape_cast %swap3A_201 : vector<1x16xi32> to vector<16xi32>
    %swap3A_203 = vector.shape_cast %shift_right_logical3A_197 : vector<16xi32> to vector<1x16xi32>
    tpu.vector_store %arg7[%swap3A_199, %swap3A_200], %swap3A_203 {strides = array<i32>} : memref<2x128xi32, #tpu.memory_space<vmem>>, vector<1x16xi32>,
    %dma_start3A = arith.constant 0 : i32
    %dma_start3A_204 = arith.constant 0 : i32
    %dma_start3A_205 = arith.constant 0 : i32
    %dma_start3A_206 = arith.constant 0 : i32
    %dma_start3A_207 = tpu.memref_slice %arg8[%dma_start3A_204, %dma_start3A_205, %dma_start3A_206] : memref<2x128x128xf32, #tpu.memory_space<vmem>> -> memref<1x128x128xf32, #tpu.memory_space<vmem>>
    %dma_start3A_208 = tpu.memref_squeeze %dma_start3A_207 : memref<1x128x128xf32, #tpu.memory_space<vmem>> -> memref<128x128xf32, #tpu.memory_space<vmem>>
    %dma_start3A_209 = arith.constant 0 : i32
    %dma_start3A_210 = tpu.memref_slice %arg6[%dma_start3A, %dma_start3A_209] : memref<2x128xi32, #tpu.memory_space<vmem>> -> memref<1x128xi32, #tpu.memory_space<vmem>>
    %dma_start3A_211 = tpu.memref_squeeze %dma_start3A_210 : memref<1x128xi32, #tpu.memory_space<vmem>> -> memref<128xi32, #tpu.memory_space<vmem>>
    %dma_start3A_212 = arith.constant 0 : i32
    %dma_start3A_213 = arith.constant 0 : i32
    %dma_start3A_214 = tpu.memref_slice %arg2[%dma_start3A_212, %dma_start3A_213] : memref<20480x128xf32, #tpu.memory_space<hbm>> -> memref<20480x128xf32, #tpu.memory_space<hbm>>
    tpu.enqueue_indirect_dma source(%dma_start3A_214 : memref<20480x128xf32, #tpu.memory_space<hbm>>) target(%dma_start3A_208 : memref<128x128xf32, #tpu.memory_space<vmem>>) offsets(%dma_start3A_211 : memref<128xi32, #tpu.memory_space<vmem>>) semaphore(%arg10 : memref<!tpu.dma_semaphore, #tpu.memory_space<semaphore_mem>>)
    %scan3A = arith.constant 0 : i32
    %scan3A_215 = arith.constant 0 : i32
    %scan3A_216 = arith.constant 40 : i32
    %scan3A_217 = arith.addi %scan3A_215, %scan3A_216 : i32
    %scan3A_218 = arith.constant 1 : i32
    scf.for %scan3A_239 = %scan3A_215 to %scan3A_217 step %scan3A_218  : i32 {
      %mul3A_240 = arith.constant 2 : i32
      %mul3A_241 = arith.muli %mul3A_240, %scan3A_239 : i32
      %add3A_242 = arith.constant 0 : i32
      %add3A_243 = arith.addi %mul3A_241, %add3A_242 : i32
      %add3A_244 = arith.constant 1 : i32
      %add3A_245 = arith.addi %add3A_243, %add3A_244 : i32
      %ge3A = arith.constant 1 : i32
      %ge3A_246 = arith.cmpi sge, %add3A_243, %ge3A : i32
      %convert_element_type3A = arith.extui %ge3A_246 : i1 to i32
      %cond3A = arith.constant 0 : i32
      %cond3A_247 = arith.cmpi ne, %convert_element_type3A, %cond3A : i32
      scf.if %cond3A_247 {
        %dma_wait3A_316 = arith.constant 1 : i32
        %dma_wait3A_317 = arith.constant 1 : i32
        %dma_wait3A_318 = arith.constant 0 : i32
        %dma_wait3A_319 = arith.constant 0 : i32
        %dma_wait3A_320 = tpu.memref_slice %arg8[%dma_wait3A_316, %dma_wait3A_318, %dma_wait3A_319] : memref<2x128x128xf32, #tpu.memory_space<vmem>> -> memref<1x128x128xf32, #tpu.memory_space<vmem>>
        %dma_wait3A_321 = tpu.memref_squeeze %dma_wait3A_320 : memref<1x128x128xf32, #tpu.memory_space<vmem>> -> memref<128x128xf32, #tpu.memory_space<vmem>>
        %dma_wait3A_322 = arith.constant 0 : i32
        %dma_wait3A_323 = tpu.memref_slice %arg7[%dma_wait3A_317, %dma_wait3A_322] : memref<2x128xi32, #tpu.memory_space<vmem>> -> memref<1x128xi32, #tpu.memory_space<vmem>>
        %dma_wait3A_324 = tpu.memref_squeeze %dma_wait3A_323 : memref<1x128xi32, #tpu.memory_space<vmem>> -> memref<128xi32, #tpu.memory_space<vmem>>
        %dma_wait3A_325 = arith.constant 0 : i32
        %dma_wait3A_326 = arith.constant 0 : i32
        %dma_wait3A_327 = tpu.memref_slice %arg9[%dma_wait3A_325, %dma_wait3A_326] : memref<10240x128xf32, #tpu.memory_space<vmem_shared>> -> memref<10240x128xf32, #tpu.memory_space<vmem_shared>>
        tpu.wait_indirect_dma semaphore(%arg13 : memref<!tpu.dma_semaphore, #tpu.memory_space<semaphore_mem>>) src(%dma_wait3A_321 : memref<128x128xf32, #tpu.memory_space<vmem>>) dst(%dma_wait3A_327 : memref<10240x128xf32, #tpu.memory_space<vmem_shared>>)
      } else {
      }
      %lt3A = arith.constant 80 : i32
      %lt3A_248 = arith.cmpi slt, %add3A_245, %lt3A : i32
      %convert_element_type3A_249 = arith.extui %lt3A_248 : i1 to i32
      %cond3A_250 = arith.constant 0 : i32
      %cond3A_251 = arith.cmpi ne, %convert_element_type3A_249, %cond3A_250 : i32
      scf.if %cond3A_251 {
        %get3A_316 = arith.constant 0 : i32
        %get3A_317 = tpu.memref_slice %arg5[%add3A_245, %get3A_316] : memref<80x128xi32, #tpu.memory_space<vmem>> -> memref<1x128xi32, #tpu.memory_space<vmem>>
        %get3A_318 = tpu.memref_squeeze %get3A_317 : memref<1x128xi32, #tpu.memory_space<vmem>> -> memref<128xi32, #tpu.memory_space<vmem>>
        %get3A_319 = arith.constant 0 : index
        %get3A_320 = tpu.vector_load %get3A_318[%get3A_319] {strides = array<i32>} : memref<128xi32, #tpu.memory_space<vmem>>, vector<16xi32>,
        %get3A_321 = vector.shape_cast %get3A_320 : vector<16xi32> to vector<16xi32>
        %and3A_322 = arith.constant 65535 : i32
        %and3A_323 = vector.broadcast %and3A_322 : i32 to vector<16xi32>
        %and3A_324 = arith.andi %get3A_321, %and3A_323 : vector<16xi32>
        %swap3A_325 = arith.constant 1 : i32
        %swap3A_326 = arith.index_cast %swap3A_325 : i32 to index
        %swap3A_327 = arith.constant 0 : index
        %swap3A_328 = tpu.vector_load %arg6[%swap3A_326, %swap3A_327] {strides = array<i32>} : memref<2x128xi32, #tpu.memory_space<vmem>>, vector<1x16xi32>,
        %swap3A_329 = vector.shape_cast %swap3A_328 : vector<1x16xi32> to vector<16xi32>
        %swap3A_330 = vector.shape_cast %and3A_324 : vector<16xi32> to vector<1x16xi32>
        tpu.vector_store %arg6[%swap3A_326, %swap3A_327], %swap3A_330 {strides = array<i32>} : memref<2x128xi32, #tpu.memory_space<vmem>>, vector<1x16xi32>,
        %shift_right_logical3A_331 = arith.constant 16 : i32
        %shift_right_logical3A_332 = vector.broadcast %shift_right_logical3A_331 : i32 to vector<16xi32>
        %shift_right_logical3A_333 = arith.shrui %get3A_321, %shift_right_logical3A_332 : vector<16xi32>
        %swap3A_334 = arith.constant 1 : i32
        %swap3A_335 = arith.index_cast %swap3A_334 : i32 to index
        %swap3A_336 = arith.constant 0 : index
        %swap3A_337 = tpu.vector_load %arg7[%swap3A_335, %swap3A_336] {strides = array<i32>} : memref<2x128xi32, #tpu.memory_space<vmem>>, vector<1x16xi32>,
        %swap3A_338 = vector.shape_cast %swap3A_337 : vector<1x16xi32> to vector<16xi32>
        %swap3A_339 = vector.shape_cast %shift_right_logical3A_333 : vector<16xi32> to vector<1x16xi32>
        tpu.vector_store %arg7[%swap3A_335, %swap3A_336], %swap3A_339 {strides = array<i32>} : memref<2x128xi32, #tpu.memory_space<vmem>>, vector<1x16xi32>,
        %get3A_340 = arith.constant 0 : i32
        %get3A_341 = tpu.memref_slice %arg5[%add3A_245, %get3A_340] : memref<80x128xi32, #tpu.memory_space<vmem>> -> memref<1x128xi32, #tpu.memory_space<vmem>>
        %get3A_342 = tpu.memref_squeeze %get3A_341 : memref<1x128xi32, #tpu.memory_space<vmem>> -> memref<128xi32, #tpu.memory_space<vmem>>
        %get3A_343 = arith.constant 16 : index
        %get3A_344 = tpu.vector_load %get3A_342[%get3A_343] {strides = array<i32>} : memref<128xi32, #tpu.memory_space<vmem>>, vector<16xi32>,
        %get3A_345 = vector.shape_cast %get3A_344 : vector<16xi32> to vector<16xi32>
        %and3A_346 = arith.constant 65535 : i32
        %and3A_347 = vector.broadcast %and3A_346 : i32 to vector<16xi32>
        %and3A_348 = arith.andi %get3A_345, %and3A_347 : vector<16xi32>
        %swap3A_349 = arith.constant 1 : i32
        %swap3A_350 = arith.index_cast %swap3A_349 : i32 to index
        %swap3A_351 = arith.constant 16 : index
        %swap3A_352 = tpu.vector_load %arg6[%swap3A_350, %swap3A_351] {strides = array<i32>} : memref<2x128xi32, #tpu.memory_space<vmem>>, vector<1x16xi32>,
        %swap3A_353 = vector.shape_cast %swap3A_352 : vector<1x16xi32> to vector<16xi32>
        %swap3A_354 = vector.shape_cast %and3A_348 : vector<16xi32> to vector<1x16xi32>
        tpu.vector_store %arg6[%swap3A_350, %swap3A_351], %swap3A_354 {strides = array<i32>} : memref<2x128xi32, #tpu.memory_space<vmem>>, vector<1x16xi32>,
        %shift_right_logical3A_355 = arith.constant 16 : i32
        %shift_right_logical3A_356 = vector.broadcast %shift_right_logical3A_355 : i32 to vector<16xi32>
        %shift_right_logical3A_357 = arith.shrui %get3A_345, %shift_right_logical3A_356 : vector<16xi32>
        %swap3A_358 = arith.constant 1 : i32
        %swap3A_359 = arith.index_cast %swap3A_358 : i32 to index
        %swap3A_360 = arith.constant 16 : index
        %swap3A_361 = tpu.vector_load %arg7[%swap3A_359, %swap3A_360] {strides = array<i32>} : memref<2x128xi32, #tpu.memory_space<vmem>>, vector<1x16xi32>,
        %swap3A_362 = vector.shape_cast %swap3A_361 : vector<1x16xi32> to vector<16xi32>
        %swap3A_363 = vector.shape_cast %shift_right_logical3A_357 : vector<16xi32> to vector<1x16xi32>
        tpu.vector_store %arg7[%swap3A_359, %swap3A_360], %swap3A_363 {strides = array<i32>} : memref<2x128xi32, #tpu.memory_space<vmem>>, vector<1x16xi32>,
        %get3A_364 = arith.constant 0 : i32
        %get3A_365 = tpu.memref_slice %arg5[%add3A_245, %get3A_364] : memref<80x128xi32, #tpu.memory_space<vmem>> -> memref<1x128xi32, #tpu.memory_space<vmem>>
        %get3A_366 = tpu.memref_squeeze %get3A_365 : memref<1x128xi32, #tpu.memory_space<vmem>> -> memref<128xi32, #tpu.memory_space<vmem>>
        %get3A_367 = arith.constant 32 : index
        %get3A_368 = tpu.vector_load %get3A_366[%get3A_367] {strides = array<i32>} : memref<128xi32, #tpu.memory_space<vmem>>, vector<16xi32>,
        %get3A_369 = vector.shape_cast %get3A_368 : vector<16xi32> to vector<16xi32>
        %and3A_370 = arith.constant 65535 : i32
        %and3A_371 = vector.broadcast %and3A_370 : i32 to vector<16xi32>
        %and3A_372 = arith.andi %get3A_369, %and3A_371 : vector<16xi32>
        %swap3A_373 = arith.constant 1 : i32
        %swap3A_374 = arith.index_cast %swap3A_373 : i32 to index
        %swap3A_375 = arith.constant 32 : index
        %swap3A_376 = tpu.vector_load %arg6[%swap3A_374, %swap3A_375] {strides = array<i32>} : memref<2x128xi32, #tpu.memory_space<vmem>>, vector<1x16xi32>,
        %swap3A_377 = vector.shape_cast %swap3A_376 : vector<1x16xi32> to vector<16xi32>
        %swap3A_378 = vector.shape_cast %and3A_372 : vector<16xi32> to vector<1x16xi32>
        tpu.vector_store %arg6[%swap3A_374, %swap3A_375], %swap3A_378 {strides = array<i32>} : memref<2x128xi32, #tpu.memory_space<vmem>>, vector<1x16xi32>,
        %shift_right_logical3A_379 = arith.constant 16 : i32
        %shift_right_logical3A_380 = vector.broadcast %shift_right_logical3A_379 : i32 to vector<16xi32>
        %shift_right_logical3A_381 = arith.shrui %get3A_369, %shift_right_logical3A_380 : vector<16xi32>
        %swap3A_382 = arith.constant 1 : i32
        %swap3A_383 = arith.index_cast %swap3A_382 : i32 to index
        %swap3A_384 = arith.constant 32 : index
        %swap3A_385 = tpu.vector_load %arg7[%swap3A_383, %swap3A_384] {strides = array<i32>} : memref<2x128xi32, #tpu.memory_space<vmem>>, vector<1x16xi32>,
        %swap3A_386 = vector.shape_cast %swap3A_385 : vector<1x16xi32> to vector<16xi32>
        %swap3A_387 = vector.shape_cast %shift_right_logical3A_381 : vector<16xi32> to vector<1x16xi32>
        tpu.vector_store %arg7[%swap3A_383, %swap3A_384], %swap3A_387 {strides = array<i32>} : memref<2x128xi32, #tpu.memory_space<vmem>>, vector<1x16xi32>,
        %get3A_388 = arith.constant 0 : i32
        %get3A_389 = tpu.memref_slice %arg5[%add3A_245, %get3A_388] : memref<80x128xi32, #tpu.memory_space<vmem>> -> memref<1x128xi32, #tpu.memory_space<vmem>>
        %get3A_390 = tpu.memref_squeeze %get3A_389 : memref<1x128xi32, #tpu.memory_space<vmem>> -> memref<128xi32, #tpu.memory_space<vmem>>
        %get3A_391 = arith.constant 48 : index
        %get3A_392 = tpu.vector_load %get3A_390[%get3A_391] {strides = array<i32>} : memref<128xi32, #tpu.memory_space<vmem>>, vector<16xi32>,
        %get3A_393 = vector.shape_cast %get3A_392 : vector<16xi32> to vector<16xi32>
        %and3A_394 = arith.constant 65535 : i32
        %and3A_395 = vector.broadcast %and3A_394 : i32 to vector<16xi32>
        %and3A_396 = arith.andi %get3A_393, %and3A_395 : vector<16xi32>
        %swap3A_397 = arith.constant 1 : i32
        %swap3A_398 = arith.index_cast %swap3A_397 : i32 to index
        %swap3A_399 = arith.constant 48 : index
        %swap3A_400 = tpu.vector_load %arg6[%swap3A_398, %swap3A_399] {strides = array<i32>} : memref<2x128xi32, #tpu.memory_space<vmem>>, vector<1x16xi32>,
        %swap3A_401 = vector.shape_cast %swap3A_400 : vector<1x16xi32> to vector<16xi32>
        %swap3A_402 = vector.shape_cast %and3A_396 : vector<16xi32> to vector<1x16xi32>
        tpu.vector_store %arg6[%swap3A_398, %swap3A_399], %swap3A_402 {strides = array<i32>} : memref<2x128xi32, #tpu.memory_space<vmem>>, vector<1x16xi32>,
        %shift_right_logical3A_403 = arith.constant 16 : i32
        %shift_right_logical3A_404 = vector.broadcast %shift_right_logical3A_403 : i32 to vector<16xi32>
        %shift_right_logical3A_405 = arith.shrui %get3A_393, %shift_right_logical3A_404 : vector<16xi32>
        %swap3A_406 = arith.constant 1 : i32
        %swap3A_407 = arith.index_cast %swap3A_406 : i32 to index
        %swap3A_408 = arith.constant 48 : index
        %swap3A_409 = tpu.vector_load %arg7[%swap3A_407, %swap3A_408] {strides = array<i32>} : memref<2x128xi32, #tpu.memory_space<vmem>>, vector<1x16xi32>,
        %swap3A_410 = vector.shape_cast %swap3A_409 : vector<1x16xi32> to vector<16xi32>
        %swap3A_411 = vector.shape_cast %shift_right_logical3A_405 : vector<16xi32> to vector<1x16xi32>
        tpu.vector_store %arg7[%swap3A_407, %swap3A_408], %swap3A_411 {strides = array<i32>} : memref<2x128xi32, #tpu.memory_space<vmem>>, vector<1x16xi32>,
        %get3A_412 = arith.constant 0 : i32
        %get3A_413 = tpu.memref_slice %arg5[%add3A_245, %get3A_412] : memref<80x128xi32, #tpu.memory_space<vmem>> -> memref<1x128xi32, #tpu.memory_space<vmem>>
        %get3A_414 = tpu.memref_squeeze %get3A_413 : memref<1x128xi32, #tpu.memory_space<vmem>> -> memref<128xi32, #tpu.memory_space<vmem>>
        %get3A_415 = arith.constant 64 : index
        %get3A_416 = tpu.vector_load %get3A_414[%get3A_415] {strides = array<i32>} : memref<128xi32, #tpu.memory_space<vmem>>, vector<16xi32>,
        %get3A_417 = vector.shape_cast %get3A_416 : vector<16xi32> to vector<16xi32>
        %and3A_418 = arith.constant 65535 : i32
        %and3A_419 = vector.broadcast %and3A_418 : i32 to vector<16xi32>
        %and3A_420 = arith.andi %get3A_417, %and3A_419 : vector<16xi32>
        %swap3A_421 = arith.constant 1 : i32
        %swap3A_422 = arith.index_cast %swap3A_421 : i32 to index
        %swap3A_423 = arith.constant 64 : index
        %swap3A_424 = tpu.vector_load %arg6[%swap3A_422, %swap3A_423] {strides = array<i32>} : memref<2x128xi32, #tpu.memory_space<vmem>>, vector<1x16xi32>,
        %swap3A_425 = vector.shape_cast %swap3A_424 : vector<1x16xi32> to vector<16xi32>
        %swap3A_426 = vector.shape_cast %and3A_420 : vector<16xi32> to vector<1x16xi32>
        tpu.vector_store %arg6[%swap3A_422, %swap3A_423], %swap3A_426 {strides = array<i32>} : memref<2x128xi32, #tpu.memory_space<vmem>>, vector<1x16xi32>,
        %shift_right_logical3A_427 = arith.constant 16 : i32
        %shift_right_logical3A_428 = vector.broadcast %shift_right_logical3A_427 : i32 to vector<16xi32>
        %shift_right_logical3A_429 = arith.shrui %get3A_417, %shift_right_logical3A_428 : vector<16xi32>
        %swap3A_430 = arith.constant 1 : i32
        %swap3A_431 = arith.index_cast %swap3A_430 : i32 to index
        %swap3A_432 = arith.constant 64 : index
        %swap3A_433 = tpu.vector_load %arg7[%swap3A_431, %swap3A_432] {strides = array<i32>} : memref<2x128xi32, #tpu.memory_space<vmem>>, vector<1x16xi32>,
        %swap3A_434 = vector.shape_cast %swap3A_433 : vector<1x16xi32> to vector<16xi32>
        %swap3A_435 = vector.shape_cast %shift_right_logical3A_429 : vector<16xi32> to vector<1x16xi32>
        tpu.vector_store %arg7[%swap3A_431, %swap3A_432], %swap3A_435 {strides = array<i32>} : memref<2x128xi32, #tpu.memory_space<vmem>>, vector<1x16xi32>,
        %get3A_436 = arith.constant 0 : i32
        %get3A_437 = tpu.memref_slice %arg5[%add3A_245, %get3A_436] : memref<80x128xi32, #tpu.memory_space<vmem>> -> memref<1x128xi32, #tpu.memory_space<vmem>>
        %get3A_438 = tpu.memref_squeeze %get3A_437 : memref<1x128xi32, #tpu.memory_space<vmem>> -> memref<128xi32, #tpu.memory_space<vmem>>
        %get3A_439 = arith.constant 80 : index
        %get3A_440 = tpu.vector_load %get3A_438[%get3A_439] {strides = array<i32>} : memref<128xi32, #tpu.memory_space<vmem>>, vector<16xi32>,
        %get3A_441 = vector.shape_cast %get3A_440 : vector<16xi32> to vector<16xi32>
        %and3A_442 = arith.constant 65535 : i32
        %and3A_443 = vector.broadcast %and3A_442 : i32 to vector<16xi32>
        %and3A_444 = arith.andi %get3A_441, %and3A_443 : vector<16xi32>
        %swap3A_445 = arith.constant 1 : i32
        %swap3A_446 = arith.index_cast %swap3A_445 : i32 to index
        %swap3A_447 = arith.constant 80 : index
        %swap3A_448 = tpu.vector_load %arg6[%swap3A_446, %swap3A_447] {strides = array<i32>} : memref<2x128xi32, #tpu.memory_space<vmem>>, vector<1x16xi32>,
        %swap3A_449 = vector.shape_cast %swap3A_448 : vector<1x16xi32> to vector<16xi32>
        %swap3A_450 = vector.shape_cast %and3A_444 : vector<16xi32> to vector<1x16xi32>
        tpu.vector_store %arg6[%swap3A_446, %swap3A_447], %swap3A_450 {strides = array<i32>} : memref<2x128xi32, #tpu.memory_space<vmem>>, vector<1x16xi32>,
        %shift_right_logical3A_451 = arith.constant 16 : i32
        %shift_right_logical3A_452 = vector.broadcast %shift_right_logical3A_451 : i32 to vector<16xi32>
        %shift_right_logical3A_453 = arith.shrui %get3A_441, %shift_right_logical3A_452 : vector<16xi32>
        %swap3A_454 = arith.constant 1 : i32
        %swap3A_455 = arith.index_cast %swap3A_454 : i32 to index
        %swap3A_456 = arith.constant 80 : index
        %swap3A_457 = tpu.vector_load %arg7[%swap3A_455, %swap3A_456] {strides = array<i32>} : memref<2x128xi32, #tpu.memory_space<vmem>>, vector<1x16xi32>,
        %swap3A_458 = vector.shape_cast %swap3A_457 : vector<1x16xi32> to vector<16xi32>
        %swap3A_459 = vector.shape_cast %shift_right_logical3A_453 : vector<16xi32> to vector<1x16xi32>
        tpu.vector_store %arg7[%swap3A_455, %swap3A_456], %swap3A_459 {strides = array<i32>} : memref<2x128xi32, #tpu.memory_space<vmem>>, vector<1x16xi32>,
        %get3A_460 = arith.constant 0 : i32
        %get3A_461 = tpu.memref_slice %arg5[%add3A_245, %get3A_460] : memref<80x128xi32, #tpu.memory_space<vmem>> -> memref<1x128xi32, #tpu.memory_space<vmem>>
        %get3A_462 = tpu.memref_squeeze %get3A_461 : memref<1x128xi32, #tpu.memory_space<vmem>> -> memref<128xi32, #tpu.memory_space<vmem>>
        %get3A_463 = arith.constant 96 : index
        %get3A_464 = tpu.vector_load %get3A_462[%get3A_463] {strides = array<i32>} : memref<128xi32, #tpu.memory_space<vmem>>, vector<16xi32>,
        %get3A_465 = vector.shape_cast %get3A_464 : vector<16xi32> to vector<16xi32>
        %and3A_466 = arith.constant 65535 : i32
        %and3A_467 = vector.broadcast %and3A_466 : i32 to vector<16xi32>
        %and3A_468 = arith.andi %get3A_465, %and3A_467 : vector<16xi32>
        %swap3A_469 = arith.constant 1 : i32
        %swap3A_470 = arith.index_cast %swap3A_469 : i32 to index
        %swap3A_471 = arith.constant 96 : index
        %swap3A_472 = tpu.vector_load %arg6[%swap3A_470, %swap3A_471] {strides = array<i32>} : memref<2x128xi32, #tpu.memory_space<vmem>>, vector<1x16xi32>,
        %swap3A_473 = vector.shape_cast %swap3A_472 : vector<1x16xi32> to vector<16xi32>
        %swap3A_474 = vector.shape_cast %and3A_468 : vector<16xi32> to vector<1x16xi32>
        tpu.vector_store %arg6[%swap3A_470, %swap3A_471], %swap3A_474 {strides = array<i32>} : memref<2x128xi32, #tpu.memory_space<vmem>>, vector<1x16xi32>,
        %shift_right_logical3A_475 = arith.constant 16 : i32
        %shift_right_logical3A_476 = vector.broadcast %shift_right_logical3A_475 : i32 to vector<16xi32>
        %shift_right_logical3A_477 = arith.shrui %get3A_465, %shift_right_logical3A_476 : vector<16xi32>
        %swap3A_478 = arith.constant 1 : i32
        %swap3A_479 = arith.index_cast %swap3A_478 : i32 to index
        %swap3A_480 = arith.constant 96 : index
        %swap3A_481 = tpu.vector_load %arg7[%swap3A_479, %swap3A_480] {strides = array<i32>} : memref<2x128xi32, #tpu.memory_space<vmem>>, vector<1x16xi32>,
        %swap3A_482 = vector.shape_cast %swap3A_481 : vector<1x16xi32> to vector<16xi32>
        %swap3A_483 = vector.shape_cast %shift_right_logical3A_477 : vector<16xi32> to vector<1x16xi32>
        tpu.vector_store %arg7[%swap3A_479, %swap3A_480], %swap3A_483 {strides = array<i32>} : memref<2x128xi32, #tpu.memory_space<vmem>>, vector<1x16xi32>,
        %get3A_484 = arith.constant 0 : i32
        %get3A_485 = tpu.memref_slice %arg5[%add3A_245, %get3A_484] : memref<80x128xi32, #tpu.memory_space<vmem>> -> memref<1x128xi32, #tpu.memory_space<vmem>>
        %get3A_486 = tpu.memref_squeeze %get3A_485 : memref<1x128xi32, #tpu.memory_space<vmem>> -> memref<128xi32, #tpu.memory_space<vmem>>
        %get3A_487 = arith.constant 112 : index
        %get3A_488 = tpu.vector_load %get3A_486[%get3A_487] {strides = array<i32>} : memref<128xi32, #tpu.memory_space<vmem>>, vector<16xi32>,
        %get3A_489 = vector.shape_cast %get3A_488 : vector<16xi32> to vector<16xi32>
        %and3A_490 = arith.constant 65535 : i32
        %and3A_491 = vector.broadcast %and3A_490 : i32 to vector<16xi32>
        %and3A_492 = arith.andi %get3A_489, %and3A_491 : vector<16xi32>
        %swap3A_493 = arith.constant 1 : i32
        %swap3A_494 = arith.index_cast %swap3A_493 : i32 to index
        %swap3A_495 = arith.constant 112 : index
        %swap3A_496 = tpu.vector_load %arg6[%swap3A_494, %swap3A_495] {strides = array<i32>} : memref<2x128xi32, #tpu.memory_space<vmem>>, vector<1x16xi32>,
        %swap3A_497 = vector.shape_cast %swap3A_496 : vector<1x16xi32> to vector<16xi32>
        %swap3A_498 = vector.shape_cast %and3A_492 : vector<16xi32> to vector<1x16xi32>
        tpu.vector_store %arg6[%swap3A_494, %swap3A_495], %swap3A_498 {strides = array<i32>} : memref<2x128xi32, #tpu.memory_space<vmem>>, vector<1x16xi32>,
        %shift_right_logical3A_499 = arith.constant 16 : i32
        %shift_right_logical3A_500 = vector.broadcast %shift_right_logical3A_499 : i32 to vector<16xi32>
        %shift_right_logical3A_501 = arith.shrui %get3A_489, %shift_right_logical3A_500 : vector<16xi32>
        %swap3A_502 = arith.constant 1 : i32
        %swap3A_503 = arith.index_cast %swap3A_502 : i32 to index
        %swap3A_504 = arith.constant 112 : index
        %swap3A_505 = tpu.vector_load %arg7[%swap3A_503, %swap3A_504] {strides = array<i32>} : memref<2x128xi32, #tpu.memory_space<vmem>>, vector<1x16xi32>,
        %swap3A_506 = vector.shape_cast %swap3A_505 : vector<1x16xi32> to vector<16xi32>
        %swap3A_507 = vector.shape_cast %shift_right_logical3A_501 : vector<16xi32> to vector<1x16xi32>
        tpu.vector_store %arg7[%swap3A_503, %swap3A_504], %swap3A_507 {strides = array<i32>} : memref<2x128xi32, #tpu.memory_space<vmem>>, vector<1x16xi32>,
        %dma_start3A_508 = arith.constant 1 : i32
        %dma_start3A_509 = arith.constant 1 : i32
        %dma_start3A_510 = arith.constant 0 : i32
        %dma_start3A_511 = arith.constant 0 : i32
        %dma_start3A_512 = tpu.memref_slice %arg8[%dma_start3A_509, %dma_start3A_510, %dma_start3A_511] : memref<2x128x128xf32, #tpu.memory_space<vmem>> -> memref<1x128x128xf32, #tpu.memory_space<vmem>>
        %dma_start3A_513 = tpu.memref_squeeze %dma_start3A_512 : memref<1x128x128xf32, #tpu.memory_space<vmem>> -> memref<128x128xf32, #tpu.memory_space<vmem>>
        %dma_start3A_514 = arith.constant 0 : i32
        %dma_start3A_515 = tpu.memref_slice %arg6[%dma_start3A_508, %dma_start3A_514] : memref<2x128xi32, #tpu.memory_space<vmem>> -> memref<1x128xi32, #tpu.memory_space<vmem>>
        %dma_start3A_516 = tpu.memref_squeeze %dma_start3A_515 : memref<1x128xi32, #tpu.memory_space<vmem>> -> memref<128xi32, #tpu.memory_space<vmem>>
        %dma_start3A_517 = arith.constant 0 : i32
        %dma_start3A_518 = arith.constant 0 : i32
        %dma_start3A_519 = tpu.memref_slice %arg2[%dma_start3A_517, %dma_start3A_518] : memref<20480x128xf32, #tpu.memory_space<hbm>> -> memref<20480x128xf32, #tpu.memory_space<hbm>>
        tpu.enqueue_indirect_dma source(%dma_start3A_519 : memref<20480x128xf32, #tpu.memory_space<hbm>>) target(%dma_start3A_513 : memref<128x128xf32, #tpu.memory_space<vmem>>) offsets(%dma_start3A_516 : memref<128xi32, #tpu.memory_space<vmem>>) semaphore(%arg11 : memref<!tpu.dma_semaphore, #tpu.memory_space<semaphore_mem>>)
      } else {
      }
      %dma_wait3A_252 = arith.constant 0 : i32
      %dma_wait3A_253 = arith.constant 0 : i32
      %dma_wait3A_254 = arith.constant 0 : i32
      %dma_wait3A_255 = arith.constant 0 : i32
      %dma_wait3A_256 = tpu.memref_slice %arg8[%dma_wait3A_253, %dma_wait3A_254, %dma_wait3A_255] : memref<2x128x128xf32, #tpu.memory_space<vmem>> -> memref<1x128x128xf32, #tpu.memory_space<vmem>>
      %dma_wait3A_257 = tpu.memref_squeeze %dma_wait3A_256 : memref<1x128x128xf32, #tpu.memory_space<vmem>> -> memref<128x128xf32, #tpu.memory_space<vmem>>
      %dma_wait3A_258 = arith.constant 0 : i32
      %dma_wait3A_259 = tpu.memref_slice %arg6[%dma_wait3A_252, %dma_wait3A_258] : memref<2x128xi32, #tpu.memory_space<vmem>> -> memref<1x128xi32, #tpu.memory_space<vmem>>
      %dma_wait3A_260 = tpu.memref_squeeze %dma_wait3A_259 : memref<1x128xi32, #tpu.memory_space<vmem>> -> memref<128xi32, #tpu.memory_space<vmem>>
      %dma_wait3A_261 = arith.constant 0 : i32
      %dma_wait3A_262 = arith.constant 0 : i32
      %dma_wait3A_263 = tpu.memref_slice %arg2[%dma_wait3A_261, %dma_wait3A_262] : memref<20480x128xf32, #tpu.memory_space<hbm>> -> memref<20480x128xf32, #tpu.memory_space<hbm>>
      tpu.wait_indirect_dma semaphore(%arg10 : memref<!tpu.dma_semaphore, #tpu.memory_space<semaphore_mem>>) src(%dma_wait3A_263 : memref<20480x128xf32, #tpu.memory_space<hbm>>) dst(%dma_wait3A_257 : memref<128x128xf32, #tpu.memory_space<vmem>>)
      %dma_start3A_264 = arith.constant 0 : i32
      %dma_start3A_265 = arith.constant 0 : i32
      %dma_start3A_266 = arith.constant 0 : i32
      %dma_start3A_267 = arith.constant 0 : i32
      %dma_start3A_268 = tpu.memref_slice %arg8[%dma_start3A_264, %dma_start3A_266, %dma_start3A_267] : memref<2x128x128xf32, #tpu.memory_space<vmem>> -> memref<1x128x128xf32, #tpu.memory_space<vmem>>
      %dma_start3A_269 = tpu.memref_squeeze %dma_start3A_268 : memref<1x128x128xf32, #tpu.memory_space<vmem>> -> memref<128x128xf32, #tpu.memory_space<vmem>>
      %dma_start3A_270 = arith.constant 0 : i32
      %dma_start3A_271 = tpu.memref_slice %arg7[%dma_start3A_265, %dma_start3A_270] : memref<2x128xi32, #tpu.memory_space<vmem>> -> memref<1x128xi32, #tpu.memory_space<vmem>>
      %dma_start3A_272 = tpu.memref_squeeze %dma_start3A_271 : memref<1x128xi32, #tpu.memory_space<vmem>> -> memref<128xi32, #tpu.memory_space<vmem>>
      %dma_start3A_273 = arith.constant 0 : i32
      %dma_start3A_274 = arith.constant 0 : i32
      %dma_start3A_275 = tpu.memref_slice %arg9[%dma_start3A_273, %dma_start3A_274] : memref<10240x128xf32, #tpu.memory_space<vmem_shared>> -> memref<10240x128xf32, #tpu.memory_space<vmem_shared>>
      tpu.enqueue_indirect_dma source(%dma_start3A_269 : memref<128x128xf32, #tpu.memory_space<vmem>>) target(%dma_start3A_275 : memref<10240x128xf32, #tpu.memory_space<vmem_shared>>) offsets(%dma_start3A_272 : memref<128xi32, #tpu.memory_space<vmem>>) semaphore(%arg12 : memref<!tpu.dma_semaphore, #tpu.memory_space<semaphore_mem>>) {add = true}
      %mul3A_276 = arith.constant 2 : i32
      %mul3A_277 = arith.muli %mul3A_276, %scan3A_239 : i32
      %add3A_278 = arith.constant 1 : i32
      %add3A_279 = arith.addi %mul3A_277, %add3A_278 : i32
      %add3A_280 = arith.constant 1 : i32
      %add3A_281 = arith.addi %add3A_279, %add3A_280 : i32
      %ge3A_282 = arith.constant 1 : i32
      %ge3A_283 = arith.cmpi sge, %add3A_279, %ge3A_282 : i32
      %convert_element_type3A_284 = arith.extui %ge3A_283 : i1 to i32
      %cond3A_285 = arith.constant 0 : i32
      %cond3A_286 = arith.cmpi ne, %convert_element_type3A_284, %cond3A_285 : i32
      scf.if %cond3A_286 {
        %dma_wait3A_316 = arith.constant 0 : i32
        %dma_wait3A_317 = arith.constant 0 : i32
        %dma_wait3A_318 = arith.constant 0 : i32
        %dma_wait3A_319 = arith.constant 0 : i32
        %dma_wait3A_320 = tpu.memref_slice %arg8[%dma_wait3A_316, %dma_wait3A_318, %dma_wait3A_319] : memref<2x128x128xf32, #tpu.memory_space<vmem>> -> memref<1x128x128xf32, #tpu.memory_space<vmem>>
        %dma_wait3A_321 = tpu.memref_squeeze %dma_wait3A_320 : memref<1x128x128xf32, #tpu.memory_space<vmem>> -> memref<128x128xf32, #tpu.memory_space<vmem>>
        %dma_wait3A_322 = arith.constant 0 : i32
        %dma_wait3A_323 = tpu.memref_slice %arg7[%dma_wait3A_317, %dma_wait3A_322] : memref<2x128xi32, #tpu.memory_space<vmem>> -> memref<1x128xi32, #tpu.memory_space<vmem>>
        %dma_wait3A_324 = tpu.memref_squeeze %dma_wait3A_323 : memref<1x128xi32, #tpu.memory_space<vmem>> -> memref<128xi32, #tpu.memory_space<vmem>>
        %dma_wait3A_325 = arith.constant 0 : i32
        %dma_wait3A_326 = arith.constant 0 : i32
        %dma_wait3A_327 = tpu.memref_slice %arg9[%dma_wait3A_325, %dma_wait3A_326] : memref<10240x128xf32, #tpu.memory_space<vmem_shared>> -> memref<10240x128xf32, #tpu.memory_space<vmem_shared>>
        tpu.wait_indirect_dma semaphore(%arg12 : memref<!tpu.dma_semaphore, #tpu.memory_space<semaphore_mem>>) src(%dma_wait3A_321 : memref<128x128xf32, #tpu.memory_space<vmem>>) dst(%dma_wait3A_327 : memref<10240x128xf32, #tpu.memory_space<vmem_shared>>)
      } else {
      }
      %lt3A_287 = arith.constant 80 : i32
      %lt3A_288 = arith.cmpi slt, %add3A_281, %lt3A_287 : i32
      %convert_element_type3A_289 = arith.extui %lt3A_288 : i1 to i32
      %cond3A_290 = arith.constant 0 : i32
      %cond3A_291 = arith.cmpi ne, %convert_element_type3A_289, %cond3A_290 : i32
      scf.if %cond3A_291 {
        %get3A_316 = arith.constant 0 : i32
        %get3A_317 = tpu.memref_slice %arg5[%add3A_281, %get3A_316] : memref<80x128xi32, #tpu.memory_space<vmem>> -> memref<1x128xi32, #tpu.memory_space<vmem>>
        %get3A_318 = tpu.memref_squeeze %get3A_317 : memref<1x128xi32, #tpu.memory_space<vmem>> -> memref<128xi32, #tpu.memory_space<vmem>>
        %get3A_319 = arith.constant 0 : index
        %get3A_320 = tpu.vector_load %get3A_318[%get3A_319] {strides = array<i32>} : memref<128xi32, #tpu.memory_space<vmem>>, vector<16xi32>,
        %get3A_321 = vector.shape_cast %get3A_320 : vector<16xi32> to vector<16xi32>
        %and3A_322 = arith.constant 65535 : i32
        %and3A_323 = vector.broadcast %and3A_322 : i32 to vector<16xi32>
        %and3A_324 = arith.andi %get3A_321, %and3A_323 : vector<16xi32>
        %swap3A_325 = arith.constant 0 : i32
        %swap3A_326 = arith.index_cast %swap3A_325 : i32 to index
        %swap3A_327 = arith.constant 0 : index
        %swap3A_328 = tpu.vector_load %arg6[%swap3A_326, %swap3A_327] {strides = array<i32>} : memref<2x128xi32, #tpu.memory_space<vmem>>, vector<1x16xi32>,
        %swap3A_329 = vector.shape_cast %swap3A_328 : vector<1x16xi32> to vector<16xi32>
        %swap3A_330 = vector.shape_cast %and3A_324 : vector<16xi32> to vector<1x16xi32>
        tpu.vector_store %arg6[%swap3A_326, %swap3A_327], %swap3A_330 {strides = array<i32>} : memref<2x128xi32, #tpu.memory_space<vmem>>, vector<1x16xi32>,
        %shift_right_logical3A_331 = arith.constant 16 : i32
        %shift_right_logical3A_332 = vector.broadcast %shift_right_logical3A_331 : i32 to vector<16xi32>
        %shift_right_logical3A_333 = arith.shrui %get3A_321, %shift_right_logical3A_332 : vector<16xi32>
        %swap3A_334 = arith.constant 0 : i32
        %swap3A_335 = arith.index_cast %swap3A_334 : i32 to index
        %swap3A_336 = arith.constant 0 : index
        %swap3A_337 = tpu.vector_load %arg7[%swap3A_335, %swap3A_336] {strides = array<i32>} : memref<2x128xi32, #tpu.memory_space<vmem>>, vector<1x16xi32>,
        %swap3A_338 = vector.shape_cast %swap3A_337 : vector<1x16xi32> to vector<16xi32>
        %swap3A_339 = vector.shape_cast %shift_right_logical3A_333 : vector<16xi32> to vector<1x16xi32>
        tpu.vector_store %arg7[%swap3A_335, %swap3A_336], %swap3A_339 {strides = array<i32>} : memref<2x128xi32, #tpu.memory_space<vmem>>, vector<1x16xi32>,
        %get3A_340 = arith.constant 0 : i32
        %get3A_341 = tpu.memref_slice %arg5[%add3A_281, %get3A_340] : memref<80x128xi32, #tpu.memory_space<vmem>> -> memref<1x128xi32, #tpu.memory_space<vmem>>
        %get3A_342 = tpu.memref_squeeze %get3A_341 : memref<1x128xi32, #tpu.memory_space<vmem>> -> memref<128xi32, #tpu.memory_space<vmem>>
        %get3A_343 = arith.constant 16 : index
        %get3A_344 = tpu.vector_load %get3A_342[%get3A_343] {strides = array<i32>} : memref<128xi32, #tpu.memory_space<vmem>>, vector<16xi32>,
        %get3A_345 = vector.shape_cast %get3A_344 : vector<16xi32> to vector<16xi32>
        %and3A_346 = arith.constant 65535 : i32
        %and3A_347 = vector.broadcast %and3A_346 : i32 to vector<16xi32>
        %and3A_348 = arith.andi %get3A_345, %and3A_347 : vector<16xi32>
        %swap3A_349 = arith.constant 0 : i32
        %swap3A_350 = arith.index_cast %swap3A_349 : i32 to index
        %swap3A_351 = arith.constant 16 : index
        %swap3A_352 = tpu.vector_load %arg6[%swap3A_350, %swap3A_351] {strides = array<i32>} : memref<2x128xi32, #tpu.memory_space<vmem>>, vector<1x16xi32>,
        %swap3A_353 = vector.shape_cast %swap3A_352 : vector<1x16xi32> to vector<16xi32>
        %swap3A_354 = vector.shape_cast %and3A_348 : vector<16xi32> to vector<1x16xi32>
        tpu.vector_store %arg6[%swap3A_350, %swap3A_351], %swap3A_354 {strides = array<i32>} : memref<2x128xi32, #tpu.memory_space<vmem>>, vector<1x16xi32>,
        %shift_right_logical3A_355 = arith.constant 16 : i32
        %shift_right_logical3A_356 = vector.broadcast %shift_right_logical3A_355 : i32 to vector<16xi32>
        %shift_right_logical3A_357 = arith.shrui %get3A_345, %shift_right_logical3A_356 : vector<16xi32>
        %swap3A_358 = arith.constant 0 : i32
        %swap3A_359 = arith.index_cast %swap3A_358 : i32 to index
        %swap3A_360 = arith.constant 16 : index
        %swap3A_361 = tpu.vector_load %arg7[%swap3A_359, %swap3A_360] {strides = array<i32>} : memref<2x128xi32, #tpu.memory_space<vmem>>, vector<1x16xi32>,
        %swap3A_362 = vector.shape_cast %swap3A_361 : vector<1x16xi32> to vector<16xi32>
        %swap3A_363 = vector.shape_cast %shift_right_logical3A_357 : vector<16xi32> to vector<1x16xi32>
        tpu.vector_store %arg7[%swap3A_359, %swap3A_360], %swap3A_363 {strides = array<i32>} : memref<2x128xi32, #tpu.memory_space<vmem>>, vector<1x16xi32>,
        %get3A_364 = arith.constant 0 : i32
        %get3A_365 = tpu.memref_slice %arg5[%add3A_281, %get3A_364] : memref<80x128xi32, #tpu.memory_space<vmem>> -> memref<1x128xi32, #tpu.memory_space<vmem>>
        %get3A_366 = tpu.memref_squeeze %get3A_365 : memref<1x128xi32, #tpu.memory_space<vmem>> -> memref<128xi32, #tpu.memory_space<vmem>>
        %get3A_367 = arith.constant 32 : index
        %get3A_368 = tpu.vector_load %get3A_366[%get3A_367] {strides = array<i32>} : memref<128xi32, #tpu.memory_space<vmem>>, vector<16xi32>,
        %get3A_369 = vector.shape_cast %get3A_368 : vector<16xi32> to vector<16xi32>
        %and3A_370 = arith.constant 65535 : i32
        %and3A_371 = vector.broadcast %and3A_370 : i32 to vector<16xi32>
        %and3A_372 = arith.andi %get3A_369, %and3A_371 : vector<16xi32>
        %swap3A_373 = arith.constant 0 : i32
        %swap3A_374 = arith.index_cast %swap3A_373 : i32 to index
        %swap3A_375 = arith.constant 32 : index
        %swap3A_376 = tpu.vector_load %arg6[%swap3A_374, %swap3A_375] {strides = array<i32>} : memref<2x128xi32, #tpu.memory_space<vmem>>, vector<1x16xi32>,
        %swap3A_377 = vector.shape_cast %swap3A_376 : vector<1x16xi32> to vector<16xi32>
        %swap3A_378 = vector.shape_cast %and3A_372 : vector<16xi32> to vector<1x16xi32>
        tpu.vector_store %arg6[%swap3A_374, %swap3A_375], %swap3A_378 {strides = array<i32>} : memref<2x128xi32, #tpu.memory_space<vmem>>, vector<1x16xi32>,
        %shift_right_logical3A_379 = arith.constant 16 : i32
        %shift_right_logical3A_380 = vector.broadcast %shift_right_logical3A_379 : i32 to vector<16xi32>
        %shift_right_logical3A_381 = arith.shrui %get3A_369, %shift_right_logical3A_380 : vector<16xi32>
        %swap3A_382 = arith.constant 0 : i32
        %swap3A_383 = arith.index_cast %swap3A_382 : i32 to index
        %swap3A_384 = arith.constant 32 : index
        %swap3A_385 = tpu.vector_load %arg7[%swap3A_383, %swap3A_384] {strides = array<i32>} : memref<2x128xi32, #tpu.memory_space<vmem>>, vector<1x16xi32>,
        %swap3A_386 = vector.shape_cast %swap3A_385 : vector<1x16xi32> to vector<16xi32>
        %swap3A_387 = vector.shape_cast %shift_right_logical3A_381 : vector<16xi32> to vector<1x16xi32>
        tpu.vector_store %arg7[%swap3A_383, %swap3A_384], %swap3A_387 {strides = array<i32>} : memref<2x128xi32, #tpu.memory_space<vmem>>, vector<1x16xi32>,
        %get3A_388 = arith.constant 0 : i32
        %get3A_389 = tpu.memref_slice %arg5[%add3A_281, %get3A_388] : memref<80x128xi32, #tpu.memory_space<vmem>> -> memref<1x128xi32, #tpu.memory_space<vmem>>
        %get3A_390 = tpu.memref_squeeze %get3A_389 : memref<1x128xi32, #tpu.memory_space<vmem>> -> memref<128xi32, #tpu.memory_space<vmem>>
        %get3A_391 = arith.constant 48 : index
        %get3A_392 = tpu.vector_load %get3A_390[%get3A_391] {strides = array<i32>} : memref<128xi32, #tpu.memory_space<vmem>>, vector<16xi32>,
        %get3A_393 = vector.shape_cast %get3A_392 : vector<16xi32> to vector<16xi32>
        %and3A_394 = arith.constant 65535 : i32
        %and3A_395 = vector.broadcast %and3A_394 : i32 to vector<16xi32>
        %and3A_396 = arith.andi %get3A_393, %and3A_395 : vector<16xi32>
        %swap3A_397 = arith.constant 0 : i32
        %swap3A_398 = arith.index_cast %swap3A_397 : i32 to index
        %swap3A_399 = arith.constant 48 : index
        %swap3A_400 = tpu.vector_load %arg6[%swap3A_398, %swap3A_399] {strides = array<i32>} : memref<2x128xi32, #tpu.memory_space<vmem>>, vector<1x16xi32>,
        %swap3A_401 = vector.shape_cast %swap3A_400 : vector<1x16xi32> to vector<16xi32>
        %swap3A_402 = vector.shape_cast %and3A_396 : vector<16xi32> to vector<1x16xi32>
        tpu.vector_store %arg6[%swap3A_398, %swap3A_399], %swap3A_402 {strides = array<i32>} : memref<2x128xi32, #tpu.memory_space<vmem>>, vector<1x16xi32>,
        %shift_right_logical3A_403 = arith.constant 16 : i32
        %shift_right_logical3A_404 = vector.broadcast %shift_right_logical3A_403 : i32 to vector<16xi32>
        %shift_right_logical3A_405 = arith.shrui %get3A_393, %shift_right_logical3A_404 : vector<16xi32>
        %swap3A_406 = arith.constant 0 : i32
        %swap3A_407 = arith.index_cast %swap3A_406 : i32 to index
        %swap3A_408 = arith.constant 48 : index
        %swap3A_409 = tpu.vector_load %arg7[%swap3A_407, %swap3A_408] {strides = array<i32>} : memref<2x128xi32, #tpu.memory_space<vmem>>, vector<1x16xi32>,
        %swap3A_410 = vector.shape_cast %swap3A_409 : vector<1x16xi32> to vector<16xi32>
        %swap3A_411 = vector.shape_cast %shift_right_logical3A_405 : vector<16xi32> to vector<1x16xi32>
        tpu.vector_store %arg7[%swap3A_407, %swap3A_408], %swap3A_411 {strides = array<i32>} : memref<2x128xi32, #tpu.memory_space<vmem>>, vector<1x16xi32>,
        %get3A_412 = arith.constant 0 : i32
        %get3A_413 = tpu.memref_slice %arg5[%add3A_281, %get3A_412] : memref<80x128xi32, #tpu.memory_space<vmem>> -> memref<1x128xi32, #tpu.memory_space<vmem>>
        %get3A_414 = tpu.memref_squeeze %get3A_413 : memref<1x128xi32, #tpu.memory_space<vmem>> -> memref<128xi32, #tpu.memory_space<vmem>>
        %get3A_415 = arith.constant 64 : index
        %get3A_416 = tpu.vector_load %get3A_414[%get3A_415] {strides = array<i32>} : memref<128xi32, #tpu.memory_space<vmem>>, vector<16xi32>,
        %get3A_417 = vector.shape_cast %get3A_416 : vector<16xi32> to vector<16xi32>
        %and3A_418 = arith.constant 65535 : i32
        %and3A_419 = vector.broadcast %and3A_418 : i32 to vector<16xi32>
        %and3A_420 = arith.andi %get3A_417, %and3A_419 : vector<16xi32>
        %swap3A_421 = arith.constant 0 : i32
        %swap3A_422 = arith.index_cast %swap3A_421 : i32 to index
        %swap3A_423 = arith.constant 64 : index
        %swap3A_424 = tpu.vector_load %arg6[%swap3A_422, %swap3A_423] {strides = array<i32>} : memref<2x128xi32, #tpu.memory_space<vmem>>, vector<1x16xi32>,
        %swap3A_425 = vector.shape_cast %swap3A_424 : vector<1x16xi32> to vector<16xi32>
        %swap3A_426 = vector.shape_cast %and3A_420 : vector<16xi32> to vector<1x16xi32>
        tpu.vector_store %arg6[%swap3A_422, %swap3A_423], %swap3A_426 {strides = array<i32>} : memref<2x128xi32, #tpu.memory_space<vmem>>, vector<1x16xi32>,
        %shift_right_logical3A_427 = arith.constant 16 : i32
        %shift_right_logical3A_428 = vector.broadcast %shift_right_logical3A_427 : i32 to vector<16xi32>
        %shift_right_logical3A_429 = arith.shrui %get3A_417, %shift_right_logical3A_428 : vector<16xi32>
        %swap3A_430 = arith.constant 0 : i32
        %swap3A_431 = arith.index_cast %swap3A_430 : i32 to index
        %swap3A_432 = arith.constant 64 : index
        %swap3A_433 = tpu.vector_load %arg7[%swap3A_431, %swap3A_432] {strides = array<i32>} : memref<2x128xi32, #tpu.memory_space<vmem>>, vector<1x16xi32>,
        %swap3A_434 = vector.shape_cast %swap3A_433 : vector<1x16xi32> to vector<16xi32>
        %swap3A_435 = vector.shape_cast %shift_right_logical3A_429 : vector<16xi32> to vector<1x16xi32>
        tpu.vector_store %arg7[%swap3A_431, %swap3A_432], %swap3A_435 {strides = array<i32>} : memref<2x128xi32, #tpu.memory_space<vmem>>, vector<1x16xi32>,
        %get3A_436 = arith.constant 0 : i32
        %get3A_437 = tpu.memref_slice %arg5[%add3A_281, %get3A_436] : memref<80x128xi32, #tpu.memory_space<vmem>> -> memref<1x128xi32, #tpu.memory_space<vmem>>
        %get3A_438 = tpu.memref_squeeze %get3A_437 : memref<1x128xi32, #tpu.memory_space<vmem>> -> memref<128xi32, #tpu.memory_space<vmem>>
        %get3A_439 = arith.constant 80 : index
        %get3A_440 = tpu.vector_load %get3A_438[%get3A_439] {strides = array<i32>} : memref<128xi32, #tpu.memory_space<vmem>>, vector<16xi32>,
        %get3A_441 = vector.shape_cast %get3A_440 : vector<16xi32> to vector<16xi32>
        %and3A_442 = arith.constant 65535 : i32
        %and3A_443 = vector.broadcast %and3A_442 : i32 to vector<16xi32>
        %and3A_444 = arith.andi %get3A_441, %and3A_443 : vector<16xi32>
        %swap3A_445 = arith.constant 0 : i32
        %swap3A_446 = arith.index_cast %swap3A_445 : i32 to index
        %swap3A_447 = arith.constant 80 : index
        %swap3A_448 = tpu.vector_load %arg6[%swap3A_446, %swap3A_447] {strides = array<i32>} : memref<2x128xi32, #tpu.memory_space<vmem>>, vector<1x16xi32>,
        %swap3A_449 = vector.shape_cast %swap3A_448 : vector<1x16xi32> to vector<16xi32>
        %swap3A_450 = vector.shape_cast %and3A_444 : vector<16xi32> to vector<1x16xi32>
        tpu.vector_store %arg6[%swap3A_446, %swap3A_447], %swap3A_450 {strides = array<i32>} : memref<2x128xi32, #tpu.memory_space<vmem>>, vector<1x16xi32>,
        %shift_right_logical3A_451 = arith.constant 16 : i32
        %shift_right_logical3A_452 = vector.broadcast %shift_right_logical3A_451 : i32 to vector<16xi32>
        %shift_right_logical3A_453 = arith.shrui %get3A_441, %shift_right_logical3A_452 : vector<16xi32>
        %swap3A_454 = arith.constant 0 : i32
        %swap3A_455 = arith.index_cast %swap3A_454 : i32 to index
        %swap3A_456 = arith.constant 80 : index
        %swap3A_457 = tpu.vector_load %arg7[%swap3A_455, %swap3A_456] {strides = array<i32>} : memref<2x128xi32, #tpu.memory_space<vmem>>, vector<1x16xi32>,
        %swap3A_458 = vector.shape_cast %swap3A_457 : vector<1x16xi32> to vector<16xi32>
        %swap3A_459 = vector.shape_cast %shift_right_logical3A_453 : vector<16xi32> to vector<1x16xi32>
        tpu.vector_store %arg7[%swap3A_455, %swap3A_456], %swap3A_459 {strides = array<i32>} : memref<2x128xi32, #tpu.memory_space<vmem>>, vector<1x16xi32>,
        %get3A_460 = arith.constant 0 : i32
        %get3A_461 = tpu.memref_slice %arg5[%add3A_281, %get3A_460] : memref<80x128xi32, #tpu.memory_space<vmem>> -> memref<1x128xi32, #tpu.memory_space<vmem>>
        %get3A_462 = tpu.memref_squeeze %get3A_461 : memref<1x128xi32, #tpu.memory_space<vmem>> -> memref<128xi32, #tpu.memory_space<vmem>>
        %get3A_463 = arith.constant 96 : index
        %get3A_464 = tpu.vector_load %get3A_462[%get3A_463] {strides = array<i32>} : memref<128xi32, #tpu.memory_space<vmem>>, vector<16xi32>,
        %get3A_465 = vector.shape_cast %get3A_464 : vector<16xi32> to vector<16xi32>
        %and3A_466 = arith.constant 65535 : i32
        %and3A_467 = vector.broadcast %and3A_466 : i32 to vector<16xi32>
        %and3A_468 = arith.andi %get3A_465, %and3A_467 : vector<16xi32>
        %swap3A_469 = arith.constant 0 : i32
        %swap3A_470 = arith.index_cast %swap3A_469 : i32 to index
        %swap3A_471 = arith.constant 96 : index
        %swap3A_472 = tpu.vector_load %arg6[%swap3A_470, %swap3A_471] {strides = array<i32>} : memref<2x128xi32, #tpu.memory_space<vmem>>, vector<1x16xi32>,
        %swap3A_473 = vector.shape_cast %swap3A_472 : vector<1x16xi32> to vector<16xi32>
        %swap3A_474 = vector.shape_cast %and3A_468 : vector<16xi32> to vector<1x16xi32>
        tpu.vector_store %arg6[%swap3A_470, %swap3A_471], %swap3A_474 {strides = array<i32>} : memref<2x128xi32, #tpu.memory_space<vmem>>, vector<1x16xi32>,
        %shift_right_logical3A_475 = arith.constant 16 : i32
        %shift_right_logical3A_476 = vector.broadcast %shift_right_logical3A_475 : i32 to vector<16xi32>
        %shift_right_logical3A_477 = arith.shrui %get3A_465, %shift_right_logical3A_476 : vector<16xi32>
        %swap3A_478 = arith.constant 0 : i32
        %swap3A_479 = arith.index_cast %swap3A_478 : i32 to index
        %swap3A_480 = arith.constant 96 : index
        %swap3A_481 = tpu.vector_load %arg7[%swap3A_479, %swap3A_480] {strides = array<i32>} : memref<2x128xi32, #tpu.memory_space<vmem>>, vector<1x16xi32>,
        %swap3A_482 = vector.shape_cast %swap3A_481 : vector<1x16xi32> to vector<16xi32>
        %swap3A_483 = vector.shape_cast %shift_right_logical3A_477 : vector<16xi32> to vector<1x16xi32>
        tpu.vector_store %arg7[%swap3A_479, %swap3A_480], %swap3A_483 {strides = array<i32>} : memref<2x128xi32, #tpu.memory_space<vmem>>, vector<1x16xi32>,
        %get3A_484 = arith.constant 0 : i32
        %get3A_485 = tpu.memref_slice %arg5[%add3A_281, %get3A_484] : memref<80x128xi32, #tpu.memory_space<vmem>> -> memref<1x128xi32, #tpu.memory_space<vmem>>
        %get3A_486 = tpu.memref_squeeze %get3A_485 : memref<1x128xi32, #tpu.memory_space<vmem>> -> memref<128xi32, #tpu.memory_space<vmem>>
        %get3A_487 = arith.constant 112 : index
        %get3A_488 = tpu.vector_load %get3A_486[%get3A_487] {strides = array<i32>} : memref<128xi32, #tpu.memory_space<vmem>>, vector<16xi32>,
        %get3A_489 = vector.shape_cast %get3A_488 : vector<16xi32> to vector<16xi32>
        %and3A_490 = arith.constant 65535 : i32
        %and3A_491 = vector.broadcast %and3A_490 : i32 to vector<16xi32>
        %and3A_492 = arith.andi %get3A_489, %and3A_491 : vector<16xi32>
        %swap3A_493 = arith.constant 0 : i32
        %swap3A_494 = arith.index_cast %swap3A_493 : i32 to index
        %swap3A_495 = arith.constant 112 : index
        %swap3A_496 = tpu.vector_load %arg6[%swap3A_494, %swap3A_495] {strides = array<i32>} : memref<2x128xi32, #tpu.memory_space<vmem>>, vector<1x16xi32>,
        %swap3A_497 = vector.shape_cast %swap3A_496 : vector<1x16xi32> to vector<16xi32>
        %swap3A_498 = vector.shape_cast %and3A_492 : vector<16xi32> to vector<1x16xi32>
        tpu.vector_store %arg6[%swap3A_494, %swap3A_495], %swap3A_498 {strides = array<i32>} : memref<2x128xi32, #tpu.memory_space<vmem>>, vector<1x16xi32>,
        %shift_right_logical3A_499 = arith.constant 16 : i32
        %shift_right_logical3A_500 = vector.broadcast %shift_right_logical3A_499 : i32 to vector<16xi32>
        %shift_right_logical3A_501 = arith.shrui %get3A_489, %shift_right_logical3A_500 : vector<16xi32>
        %swap3A_502 = arith.constant 0 : i32
        %swap3A_503 = arith.index_cast %swap3A_502 : i32 to index
        %swap3A_504 = arith.constant 112 : index
        %swap3A_505 = tpu.vector_load %arg7[%swap3A_503, %swap3A_504] {strides = array<i32>} : memref<2x128xi32, #tpu.memory_space<vmem>>, vector<1x16xi32>,
        %swap3A_506 = vector.shape_cast %swap3A_505 : vector<1x16xi32> to vector<16xi32>
        %swap3A_507 = vector.shape_cast %shift_right_logical3A_501 : vector<16xi32> to vector<1x16xi32>
        tpu.vector_store %arg7[%swap3A_503, %swap3A_504], %swap3A_507 {strides = array<i32>} : memref<2x128xi32, #tpu.memory_space<vmem>>, vector<1x16xi32>,
        %dma_start3A_508 = arith.constant 0 : i32
        %dma_start3A_509 = arith.constant 0 : i32
        %dma_start3A_510 = arith.constant 0 : i32
        %dma_start3A_511 = arith.constant 0 : i32
        %dma_start3A_512 = tpu.memref_slice %arg8[%dma_start3A_509, %dma_start3A_510, %dma_start3A_511] : memref<2x128x128xf32, #tpu.memory_space<vmem>> -> memref<1x128x128xf32, #tpu.memory_space<vmem>>
        %dma_start3A_513 = tpu.memref_squeeze %dma_start3A_512 : memref<1x128x128xf32, #tpu.memory_space<vmem>> -> memref<128x128xf32, #tpu.memory_space<vmem>>
        %dma_start3A_514 = arith.constant 0 : i32
        %dma_start3A_515 = tpu.memref_slice %arg6[%dma_start3A_508, %dma_start3A_514] : memref<2x128xi32, #tpu.memory_space<vmem>> -> memref<1x128xi32, #tpu.memory_space<vmem>>
        %dma_start3A_516 = tpu.memref_squeeze %dma_start3A_515 : memref<1x128xi32, #tpu.memory_space<vmem>> -> memref<128xi32, #tpu.memory_space<vmem>>
        %dma_start3A_517 = arith.constant 0 : i32
        %dma_start3A_518 = arith.constant 0 : i32
        %dma_start3A_519 = tpu.memref_slice %arg2[%dma_start3A_517, %dma_start3A_518] : memref<20480x128xf32, #tpu.memory_space<hbm>> -> memref<20480x128xf32, #tpu.memory_space<hbm>>
        tpu.enqueue_indirect_dma source(%dma_start3A_519 : memref<20480x128xf32, #tpu.memory_space<hbm>>) target(%dma_start3A_513 : memref<128x128xf32, #tpu.memory_space<vmem>>) offsets(%dma_start3A_516 : memref<128xi32, #tpu.memory_space<vmem>>) semaphore(%arg10 : memref<!tpu.dma_semaphore, #tpu.memory_space<semaphore_mem>>)
      } else {
      }
      %dma_wait3A_292 = arith.constant 1 : i32
      %dma_wait3A_293 = arith.constant 1 : i32
      %dma_wait3A_294 = arith.constant 0 : i32
      %dma_wait3A_295 = arith.constant 0 : i32
      %dma_wait3A_296 = tpu.memref_slice %arg8[%dma_wait3A_293, %dma_wait3A_294, %dma_wait3A_295] : memref<2x128x128xf32, #tpu.memory_space<vmem>> -> memref<1x128x128xf32, #tpu.memory_space<vmem>>
      %dma_wait3A_297 = tpu.memref_squeeze %dma_wait3A_296 : memref<1x128x128xf32, #tpu.memory_space<vmem>> -> memref<128x128xf32, #tpu.memory_space<vmem>>
      %dma_wait3A_298 = arith.constant 0 : i32
      %dma_wait3A_299 = tpu.memref_slice %arg6[%dma_wait3A_292, %dma_wait3A_298] : memref<2x128xi32, #tpu.memory_space<vmem>> -> memref<1x128xi32, #tpu.memory_space<vmem>>
      %dma_wait3A_300 = tpu.memref_squeeze %dma_wait3A_299 : memref<1x128xi32, #tpu.memory_space<vmem>> -> memref<128xi32, #tpu.memory_space<vmem>>
      %dma_wait3A_301 = arith.constant 0 : i32
      %dma_wait3A_302 = arith.constant 0 : i32
      %dma_wait3A_303 = tpu.memref_slice %arg2[%dma_wait3A_301, %dma_wait3A_302] : memref<20480x128xf32, #tpu.memory_space<hbm>> -> memref<20480x128xf32, #tpu.memory_space<hbm>>
      tpu.wait_indirect_dma semaphore(%arg11 : memref<!tpu.dma_semaphore, #tpu.memory_space<semaphore_mem>>) src(%dma_wait3A_303 : memref<20480x128xf32, #tpu.memory_space<hbm>>) dst(%dma_wait3A_297 : memref<128x128xf32, #tpu.memory_space<vmem>>)
      %dma_start3A_304 = arith.constant 1 : i32
      %dma_start3A_305 = arith.constant 1 : i32
      %dma_start3A_306 = arith.constant 0 : i32
      %dma_start3A_307 = arith.constant 0 : i32
      %dma_start3A_308 = tpu.memref_slice %arg8[%dma_start3A_304, %dma_start3A_306, %dma_start3A_307] : memref<2x128x128xf32, #tpu.memory_space<vmem>> -> memref<1x128x128xf32, #tpu.memory_space<vmem>>
      %dma_start3A_309 = tpu.memref_squeeze %dma_start3A_308 : memref<1x128x128xf32, #tpu.memory_space<vmem>> -> memref<128x128xf32, #tpu.memory_space<vmem>>
      %dma_start3A_310 = arith.constant 0 : i32
      %dma_start3A_311 = tpu.memref_slice %arg7[%dma_start3A_305, %dma_start3A_310] : memref<2x128xi32, #tpu.memory_space<vmem>> -> memref<1x128xi32, #tpu.memory_space<vmem>>
      %dma_start3A_312 = tpu.memref_squeeze %dma_start3A_311 : memref<1x128xi32, #tpu.memory_space<vmem>> -> memref<128xi32, #tpu.memory_space<vmem>>
      %dma_start3A_313 = arith.constant 0 : i32
      %dma_start3A_314 = arith.constant 0 : i32
      %dma_start3A_315 = tpu.memref_slice %arg9[%dma_start3A_313, %dma_start3A_314] : memref<10240x128xf32, #tpu.memory_space<vmem_shared>> -> memref<10240x128xf32, #tpu.memory_space<vmem_shared>>
      tpu.enqueue_indirect_dma source(%dma_start3A_309 : memref<128x128xf32, #tpu.memory_space<vmem>>) target(%dma_start3A_315 : memref<10240x128xf32, #tpu.memory_space<vmem_shared>>) offsets(%dma_start3A_312 : memref<128xi32, #tpu.memory_space<vmem>>) semaphore(%arg13 : memref<!tpu.dma_semaphore, #tpu.memory_space<semaphore_mem>>) {add = true}
    }
    %scan3A_219 = arith.constant 40 : i32
    %dma_wait3A = arith.constant 1 : i32
    %dma_wait3A_220 = arith.constant 1 : i32
    %dma_wait3A_221 = arith.constant 0 : i32
    %dma_wait3A_222 = arith.constant 0 : i32
    %dma_wait3A_223 = tpu.memref_slice %arg8[%dma_wait3A, %dma_wait3A_221, %dma_wait3A_222] : memref<2x128x128xf32, #tpu.memory_space<vmem>> -> memref<1x128x128xf32, #tpu.memory_space<vmem>>
    %dma_wait3A_224 = tpu.memref_squeeze %dma_wait3A_223 : memref<1x128x128xf32, #tpu.memory_space<vmem>> -> memref<128x128xf32, #tpu.memory_space<vmem>>
    %dma_wait3A_225 = arith.constant 0 : i32
    %dma_wait3A_226 = tpu.memref_slice %arg7[%dma_wait3A_220, %dma_wait3A_225] : memref<2x128xi32, #tpu.memory_space<vmem>> -> memref<1x128xi32, #tpu.memory_space<vmem>>
    %dma_wait3A_227 = tpu.memref_squeeze %dma_wait3A_226 : memref<1x128xi32, #tpu.memory_space<vmem>> -> memref<128xi32, #tpu.memory_space<vmem>>
    %dma_wait3A_228 = arith.constant 0 : i32
    %dma_wait3A_229 = arith.constant 0 : i32
    %dma_wait3A_230 = tpu.memref_slice %arg9[%dma_wait3A_228, %dma_wait3A_229] : memref<10240x128xf32, #tpu.memory_space<vmem_shared>> -> memref<10240x128xf32, #tpu.memory_space<vmem_shared>>
    tpu.wait_indirect_dma semaphore(%arg13 : memref<!tpu.dma_semaphore, #tpu.memory_space<semaphore_mem>>) src(%dma_wait3A_224 : memref<128x128xf32, #tpu.memory_space<vmem>>) dst(%dma_wait3A_230 : memref<10240x128xf32, #tpu.memory_space<vmem_shared>>)
    %barrier3A_231 = arith.constant 0 : index
    tpu.barrier barrier_id(%barrier3A_231)
    %mul3A_232 = arith.constant 640 : i32
    %mul3A_233 = arith.muli %arg1, %mul3A_232 : i32
    %mul3A_234 = arith.constant 10240 : i32
    %mul3A_235 = arith.muli %arg0, %mul3A_234 : i32
    %mul3A_236 = arith.constant 640 : i32
    %mul3A_237 = arith.muli %arg1, %mul3A_236 : i32
    %add3A_238 = arith.addi %mul3A_235, %mul3A_237 : i32
    "tpu.region"() ({
      %run_scoped3A = tpu.sem_alloc : memref<!tpu.dma_semaphore, #tpu.memory_space<semaphore_mem>>
      %dma_start3A_239 = arith.constant 0 : i32
      %dma_start3A_240 = tpu.memref_slice %arg4[%add3A_238, %dma_start3A_239] : memref<20480x128xf32, #tpu.memory_space<hbm>> -> memref<640x128xf32, #tpu.memory_space<hbm>>
      %dma_start3A_241 = arith.constant 0 : i32
      %dma_start3A_242 = tpu.memref_slice %arg9[%mul3A_233, %dma_start3A_241] : memref<10240x128xf32, #tpu.memory_space<vmem_shared>> -> memref<640x128xf32, #tpu.memory_space<vmem_shared>>
      tpu.enqueue_dma source(%dma_start3A_242 : memref<640x128xf32, #tpu.memory_space<vmem_shared>>) target(%dma_start3A_240 : memref<640x128xf32, #tpu.memory_space<hbm>>) target_semaphore(%run_scoped3A : memref<!tpu.dma_semaphore, #tpu.memory_space<semaphore_mem>>)
      %dma_wait3A_243 = arith.constant 0 : i32
      %dma_wait3A_244 = tpu.memref_slice %arg4[%add3A_238, %dma_wait3A_243] : memref<20480x128xf32, #tpu.memory_space<hbm>> -> memref<640x128xf32, #tpu.memory_space<hbm>>
      %dma_wait3A_245 = arith.constant 0 : i32
      %dma_wait3A_246 = tpu.memref_slice %arg9[%mul3A_233, %dma_wait3A_245] : memref<10240x128xf32, #tpu.memory_space<vmem_shared>> -> memref<640x128xf32, #tpu.memory_space<vmem_shared>>
      tpu.wait_dma2 semaphore(%run_scoped3A : memref<!tpu.dma_semaphore, #tpu.memory_space<semaphore_mem>>) src(%dma_wait3A_246 : memref<640x128xf32, #tpu.memory_space<vmem_shared>>) dst(%dma_wait3A_244 : memref<640x128xf32, #tpu.memory_space<hbm>>)
      tpu.yield
    }) : () -> ()
    return
  }
}

#map = affine_map<(d0, d1) -> (0, 0, 0)>
#map1 = affine_map<(d0, d1) -> (0)>
#map2 = affine_map<(d0, d1) -> (0, 0)>
module attributes {stable_mosaic.version = 14 : i64} {
  func.func @_deg_kernel(%arg0: i32, %arg1: i32, %arg2: memref<32x40x128xi32, #tpu.memory_space<hbm>>, %arg3: memref<10240xf32, #tpu.memory_space<hbm>>, %arg4: memref<2x10240xf32, #tpu.memory_space<hbm>>, %arg5: memref<40x128xi32, #tpu.memory_space<vmem>>, %arg6: memref<128xf32, #tpu.memory_space<vmem>>, %arg7: memref<10240xf32, #tpu.memory_space<vmem_shared>>) attributes {dimension_semantics = [#tpu.dimension_semantics<core_parallel>, #tpu.dimension_semantics<subcore_parallel>], iteration_bounds = array<i64: 2, 16>, scalar_prefetch = 0 : i64, scratch_operands = 3 : i64, tpu.core_type = #tpu.core_type<sc_vector_subcore>, window_params = [{transform_indices = #map}, {transform_indices = #map1}, {transform_indices = #map2}]} {
    %mul3A = arith.constant 16 : i32
    %mul3A_0 = arith.muli %arg0, %mul3A : i32
    %add3A = arith.addi %mul3A_0, %arg1 : i32
    %mul3A_1 = arith.constant 640 : i32
    %mul3A_2 = arith.muli %arg1, %mul3A_1 : i32
    %mul3A_3 = arith.constant 640 : i32
    %mul3A_4 = arith.muli %arg1, %mul3A_3 : i32
    "tpu.region"() ({
      %run_scoped3A = tpu.sem_alloc : memref<!tpu.dma_semaphore, #tpu.memory_space<semaphore_mem>>
      %dma_start3A = tpu.memref_slice %arg7[%mul3A_4] : memref<10240xf32, #tpu.memory_space<vmem_shared>> -> memref<640xf32, #tpu.memory_space<vmem_shared>>
      %dma_start3A_61 = tpu.memref_slice %arg3[%mul3A_2] : memref<10240xf32, #tpu.memory_space<hbm>> -> memref<640xf32, #tpu.memory_space<hbm>>
      tpu.enqueue_dma source(%dma_start3A_61 : memref<640xf32, #tpu.memory_space<hbm>>) target(%dma_start3A : memref<640xf32, #tpu.memory_space<vmem_shared>>) target_semaphore(%run_scoped3A : memref<!tpu.dma_semaphore, #tpu.memory_space<semaphore_mem>>)
      %dma_wait3A = tpu.memref_slice %arg7[%mul3A_4] : memref<10240xf32, #tpu.memory_space<vmem_shared>> -> memref<640xf32, #tpu.memory_space<vmem_shared>>
      %dma_wait3A_62 = tpu.memref_slice %arg3[%mul3A_2] : memref<10240xf32, #tpu.memory_space<hbm>> -> memref<640xf32, #tpu.memory_space<hbm>>
      tpu.wait_dma2 semaphore(%run_scoped3A : memref<!tpu.dma_semaphore, #tpu.memory_space<semaphore_mem>>) src(%dma_wait3A_62 : memref<640xf32, #tpu.memory_space<hbm>>) dst(%dma_wait3A : memref<640xf32, #tpu.memory_space<vmem_shared>>)
      tpu.yield
    }) : () -> ()
    "tpu.region"() ({
      %run_scoped3A = tpu.sem_alloc : memref<!tpu.dma_semaphore, #tpu.memory_space<semaphore_mem>>
      %dma_start3A = arith.constant 0 : i32
      %dma_start3A_61 = arith.constant 0 : i32
      %dma_start3A_62 = tpu.memref_slice %arg2[%add3A, %dma_start3A, %dma_start3A_61] : memref<32x40x128xi32, #tpu.memory_space<hbm>> -> memref<1x40x128xi32, #tpu.memory_space<hbm>>
      %dma_start3A_63 = tpu.memref_squeeze %dma_start3A_62 : memref<1x40x128xi32, #tpu.memory_space<hbm>> -> memref<40x128xi32, #tpu.memory_space<hbm>>
      %dma_start3A_64 = arith.constant 0 : i32
      %dma_start3A_65 = arith.constant 0 : i32
      %dma_start3A_66 = tpu.memref_slice %arg2[%add3A, %dma_start3A_64, %dma_start3A_65] : memref<32x40x128xi32, #tpu.memory_space<hbm>> -> memref<1x40x128xi32, #tpu.memory_space<hbm>>
      %dma_start3A_67 = tpu.memref_squeeze %dma_start3A_66 : memref<1x40x128xi32, #tpu.memory_space<hbm>> -> memref<40x128xi32, #tpu.memory_space<hbm>>
      tpu.enqueue_dma source(%dma_start3A_67 : memref<40x128xi32, #tpu.memory_space<hbm>>) target(%arg5 : memref<40x128xi32, #tpu.memory_space<vmem>>) target_semaphore(%run_scoped3A : memref<!tpu.dma_semaphore, #tpu.memory_space<semaphore_mem>>)
      %dma_wait3A = arith.constant 0 : i32
      %dma_wait3A_68 = arith.constant 0 : i32
      %dma_wait3A_69 = tpu.memref_slice %arg2[%add3A, %dma_wait3A, %dma_wait3A_68] : memref<32x40x128xi32, #tpu.memory_space<hbm>> -> memref<1x40x128xi32, #tpu.memory_space<hbm>>
      %dma_wait3A_70 = tpu.memref_squeeze %dma_wait3A_69 : memref<1x40x128xi32, #tpu.memory_space<hbm>> -> memref<40x128xi32, #tpu.memory_space<hbm>>
      %dma_wait3A_71 = arith.constant 0 : i32
      %dma_wait3A_72 = arith.constant 0 : i32
      %dma_wait3A_73 = tpu.memref_slice %arg2[%add3A, %dma_wait3A_71, %dma_wait3A_72] : memref<32x40x128xi32, #tpu.memory_space<hbm>> -> memref<1x40x128xi32, #tpu.memory_space<hbm>>
      %dma_wait3A_74 = tpu.memref_squeeze %dma_wait3A_73 : memref<1x40x128xi32, #tpu.memory_space<hbm>> -> memref<40x128xi32, #tpu.memory_space<hbm>>
      tpu.wait_dma2 semaphore(%run_scoped3A : memref<!tpu.dma_semaphore, #tpu.memory_space<semaphore_mem>>) src(%dma_wait3A_74 : memref<40x128xi32, #tpu.memory_space<hbm>>) dst(%arg5 : memref<40x128xi32, #tpu.memory_space<vmem>>)
      tpu.yield
    }) : () -> ()
    %broadcast_in_dim3A = arith.constant 1.000000e+00 : f32
    %broadcast_in_dim3A_5 = vector.broadcast %broadcast_in_dim3A : f32 to vector<16xf32>
    %swap3A = arith.constant 0 : index
    %swap3A_6 = tpu.vector_load %arg6[%swap3A] {strides = array<i32>} : memref<128xf32, #tpu.memory_space<vmem>>, vector<16xf32>,
    %swap3A_7 = vector.shape_cast %swap3A_6 : vector<16xf32> to vector<16xf32>
    %swap3A_8 = vector.shape_cast %broadcast_in_dim3A_5 : vector<16xf32> to vector<16xf32>
    tpu.vector_store %arg6[%swap3A], %swap3A_8 {strides = array<i32>} : memref<128xf32, #tpu.memory_space<vmem>>, vector<16xf32>,
    %broadcast_in_dim3A_9 = arith.constant 1.000000e+00 : f32
    %broadcast_in_dim3A_10 = vector.broadcast %broadcast_in_dim3A_9 : f32 to vector<16xf32>
    %swap3A_11 = arith.constant 16 : index
    %swap3A_12 = tpu.vector_load %arg6[%swap3A_11] {strides = array<i32>} : memref<128xf32, #tpu.memory_space<vmem>>, vector<16xf32>,
    %swap3A_13 = vector.shape_cast %swap3A_12 : vector<16xf32> to vector<16xf32>
    %swap3A_14 = vector.shape_cast %broadcast_in_dim3A_10 : vector<16xf32> to vector<16xf32>
    tpu.vector_store %arg6[%swap3A_11], %swap3A_14 {strides = array<i32>} : memref<128xf32, #tpu.memory_space<vmem>>, vector<16xf32>,
    %broadcast_in_dim3A_15 = arith.constant 1.000000e+00 : f32
    %broadcast_in_dim3A_16 = vector.broadcast %broadcast_in_dim3A_15 : f32 to vector<16xf32>
    %swap3A_17 = arith.constant 32 : index
    %swap3A_18 = tpu.vector_load %arg6[%swap3A_17] {strides = array<i32>} : memref<128xf32, #tpu.memory_space<vmem>>, vector<16xf32>,
    %swap3A_19 = vector.shape_cast %swap3A_18 : vector<16xf32> to vector<16xf32>
    %swap3A_20 = vector.shape_cast %broadcast_in_dim3A_16 : vector<16xf32> to vector<16xf32>
    tpu.vector_store %arg6[%swap3A_17], %swap3A_20 {strides = array<i32>} : memref<128xf32, #tpu.memory_space<vmem>>, vector<16xf32>,
    %broadcast_in_dim3A_21 = arith.constant 1.000000e+00 : f32
    %broadcast_in_dim3A_22 = vector.broadcast %broadcast_in_dim3A_21 : f32 to vector<16xf32>
    %swap3A_23 = arith.constant 48 : index
    %swap3A_24 = tpu.vector_load %arg6[%swap3A_23] {strides = array<i32>} : memref<128xf32, #tpu.memory_space<vmem>>, vector<16xf32>,
    %swap3A_25 = vector.shape_cast %swap3A_24 : vector<16xf32> to vector<16xf32>
    %swap3A_26 = vector.shape_cast %broadcast_in_dim3A_22 : vector<16xf32> to vector<16xf32>
    tpu.vector_store %arg6[%swap3A_23], %swap3A_26 {strides = array<i32>} : memref<128xf32, #tpu.memory_space<vmem>>, vector<16xf32>,
    %broadcast_in_dim3A_27 = arith.constant 1.000000e+00 : f32
    %broadcast_in_dim3A_28 = vector.broadcast %broadcast_in_dim3A_27 : f32 to vector<16xf32>
    %swap3A_29 = arith.constant 64 : index
    %swap3A_30 = tpu.vector_load %arg6[%swap3A_29] {strides = array<i32>} : memref<128xf32, #tpu.memory_space<vmem>>, vector<16xf32>,
    %swap3A_31 = vector.shape_cast %swap3A_30 : vector<16xf32> to vector<16xf32>
    %swap3A_32 = vector.shape_cast %broadcast_in_dim3A_28 : vector<16xf32> to vector<16xf32>
    tpu.vector_store %arg6[%swap3A_29], %swap3A_32 {strides = array<i32>} : memref<128xf32, #tpu.memory_space<vmem>>, vector<16xf32>,
    %broadcast_in_dim3A_33 = arith.constant 1.000000e+00 : f32
    %broadcast_in_dim3A_34 = vector.broadcast %broadcast_in_dim3A_33 : f32 to vector<16xf32>
    %swap3A_35 = arith.constant 80 : index
    %swap3A_36 = tpu.vector_load %arg6[%swap3A_35] {strides = array<i32>} : memref<128xf32, #tpu.memory_space<vmem>>, vector<16xf32>,
    %swap3A_37 = vector.shape_cast %swap3A_36 : vector<16xf32> to vector<16xf32>
    %swap3A_38 = vector.shape_cast %broadcast_in_dim3A_34 : vector<16xf32> to vector<16xf32>
    tpu.vector_store %arg6[%swap3A_35], %swap3A_38 {strides = array<i32>} : memref<128xf32, #tpu.memory_space<vmem>>, vector<16xf32>,
    %broadcast_in_dim3A_39 = arith.constant 1.000000e+00 : f32
    %broadcast_in_dim3A_40 = vector.broadcast %broadcast_in_dim3A_39 : f32 to vector<16xf32>
    %swap3A_41 = arith.constant 96 : index
    %swap3A_42 = tpu.vector_load %arg6[%swap3A_41] {strides = array<i32>} : memref<128xf32, #tpu.memory_space<vmem>>, vector<16xf32>,
    %swap3A_43 = vector.shape_cast %swap3A_42 : vector<16xf32> to vector<16xf32>
    %swap3A_44 = vector.shape_cast %broadcast_in_dim3A_40 : vector<16xf32> to vector<16xf32>
    tpu.vector_store %arg6[%swap3A_41], %swap3A_44 {strides = array<i32>} : memref<128xf32, #tpu.memory_space<vmem>>, vector<16xf32>,
    %broadcast_in_dim3A_45 = arith.constant 1.000000e+00 : f32
    %broadcast_in_dim3A_46 = vector.broadcast %broadcast_in_dim3A_45 : f32 to vector<16xf32>
    %swap3A_47 = arith.constant 112 : index
    %swap3A_48 = tpu.vector_load %arg6[%swap3A_47] {strides = array<i32>} : memref<128xf32, #tpu.memory_space<vmem>>, vector<16xf32>,
    %swap3A_49 = vector.shape_cast %swap3A_48 : vector<16xf32> to vector<16xf32>
    %swap3A_50 = vector.shape_cast %broadcast_in_dim3A_46 : vector<16xf32> to vector<16xf32>
    tpu.vector_store %arg6[%swap3A_47], %swap3A_50 {strides = array<i32>} : memref<128xf32, #tpu.memory_space<vmem>>, vector<16xf32>,
    %barrier3A = arith.constant 0 : index
    tpu.barrier barrier_id(%barrier3A)
    %scan3A = arith.constant 0 : i32
    %scan3A_51 = arith.constant 0 : i32
    %scan3A_52 = arith.constant 40 : i32
    %scan3A_53 = arith.addi %scan3A_51, %scan3A_52 : i32
    %scan3A_54 = arith.constant 1 : i32
    scf.for %scan3A_61 = %scan3A_51 to %scan3A_53 step %scan3A_54  : i32 {
      "tpu.region"() ({
        %run_scoped3A = tpu.sem_alloc : memref<!tpu.dma_semaphore, #tpu.memory_space<semaphore_mem>>
        %dma_start3A = arith.constant 0 : i32
        %dma_start3A_62 = tpu.memref_slice %arg5[%scan3A_61, %dma_start3A] : memref<40x128xi32, #tpu.memory_space<vmem>> -> memref<1x128xi32, #tpu.memory_space<vmem>>
        %dma_start3A_63 = tpu.memref_squeeze %dma_start3A_62 : memref<1x128xi32, #tpu.memory_space<vmem>> -> memref<128xi32, #tpu.memory_space<vmem>>
        %dma_start3A_64 = arith.constant 0 : i32
        %dma_start3A_65 = tpu.memref_slice %arg7[%dma_start3A_64] : memref<10240xf32, #tpu.memory_space<vmem_shared>> -> memref<10240xf32, #tpu.memory_space<vmem_shared>>
        tpu.enqueue_indirect_dma source(%arg6 : memref<128xf32, #tpu.memory_space<vmem>>) target(%dma_start3A_65 : memref<10240xf32, #tpu.memory_space<vmem_shared>>) offsets(%dma_start3A_63 : memref<128xi32, #tpu.memory_space<vmem>>) semaphore(%run_scoped3A : memref<!tpu.dma_semaphore, #tpu.memory_space<semaphore_mem>>) {add = true}
        %dma_wait3A = arith.constant 0 : i32
        %dma_wait3A_66 = tpu.memref_slice %arg5[%scan3A_61, %dma_wait3A] : memref<40x128xi32, #tpu.memory_space<vmem>> -> memref<1x128xi32, #tpu.memory_space<vmem>>
        %dma_wait3A_67 = tpu.memref_squeeze %dma_wait3A_66 : memref<1x128xi32, #tpu.memory_space<vmem>> -> memref<128xi32, #tpu.memory_space<vmem>>
        %dma_wait3A_68 = arith.constant 0 : i32
        %dma_wait3A_69 = tpu.memref_slice %arg7[%dma_wait3A_68] : memref<10240xf32, #tpu.memory_space<vmem_shared>> -> memref<10240xf32, #tpu.memory_space<vmem_shared>>
        tpu.wait_indirect_dma semaphore(%run_scoped3A : memref<!tpu.dma_semaphore, #tpu.memory_space<semaphore_mem>>) src(%arg6 : memref<128xf32, #tpu.memory_space<vmem>>) dst(%dma_wait3A_69 : memref<10240xf32, #tpu.memory_space<vmem_shared>>)
        tpu.yield
      }) : () -> ()
    }
    %scan3A_55 = arith.constant 40 : i32
    %barrier3A_56 = arith.constant 0 : index
    tpu.barrier barrier_id(%barrier3A_56)
    %mul3A_57 = arith.constant 640 : i32
    %mul3A_58 = arith.muli %arg1, %mul3A_57 : i32
    %mul3A_59 = arith.constant 640 : i32
    %mul3A_60 = arith.muli %arg1, %mul3A_59 : i32
    "tpu.region"() ({
      %run_scoped3A = tpu.sem_alloc : memref<!tpu.dma_semaphore, #tpu.memory_space<semaphore_mem>>
      %dma_start3A = tpu.memref_slice %arg4[%arg0, %mul3A_60] : memref<2x10240xf32, #tpu.memory_space<hbm>> -> memref<1x640xf32, #tpu.memory_space<hbm>>
      %dma_start3A_61 = tpu.memref_squeeze %dma_start3A : memref<1x640xf32, #tpu.memory_space<hbm>> -> memref<640xf32, #tpu.memory_space<hbm>>
      %dma_start3A_62 = tpu.memref_slice %arg7[%mul3A_58] : memref<10240xf32, #tpu.memory_space<vmem_shared>> -> memref<640xf32, #tpu.memory_space<vmem_shared>>
      tpu.enqueue_dma source(%dma_start3A_62 : memref<640xf32, #tpu.memory_space<vmem_shared>>) target(%dma_start3A_61 : memref<640xf32, #tpu.memory_space<hbm>>) target_semaphore(%run_scoped3A : memref<!tpu.dma_semaphore, #tpu.memory_space<semaphore_mem>>)
      %dma_wait3A = tpu.memref_slice %arg4[%arg0, %mul3A_60] : memref<2x10240xf32, #tpu.memory_space<hbm>> -> memref<1x640xf32, #tpu.memory_space<hbm>>
      %dma_wait3A_63 = tpu.memref_squeeze %dma_wait3A : memref<1x640xf32, #tpu.memory_space<hbm>> -> memref<640xf32, #tpu.memory_space<hbm>>
      %dma_wait3A_64 = tpu.memref_slice %arg7[%mul3A_58] : memref<10240xf32, #tpu.memory_space<vmem_shared>> -> memref<640xf32, #tpu.memory_space<vmem_shared>>
      tpu.wait_dma2 semaphore(%run_scoped3A : memref<!tpu.dma_semaphore, #tpu.memory_space<semaphore_mem>>) src(%dma_wait3A_64 : memref<640xf32, #tpu.memory_space<vmem_shared>>) dst(%dma_wait3A_63 : memref<640xf32, #tpu.memory_space<hbm>>)
      tpu.yield
    }) : () -> ()
    return
  }
}

#map = affine_map<(d0, d1) -> (0, 0)>
#map1 = affine_map<(d0, d1) -> (0, 0, 0)>
module attributes {stable_mosaic.version = 14 : i64} {
  func.func @_prop_kernel(%arg0: i32, %arg1: i32, %arg2: memref<20480x128xf32, #tpu.memory_space<hbm>>, %arg3: memref<32x80x128xi32, #tpu.memory_space<hbm>>, %arg4: memref<20480x128xf32, #tpu.memory_space<hbm>>, %arg5: memref<80x128xi32, #tpu.memory_space<vmem>>, %arg6: memref<2x128xi32, #tpu.memory_space<vmem>>, %arg7: memref<2x128xi32, #tpu.memory_space<vmem>>, %arg8: memref<2x128x128xf32, #tpu.memory_space<vmem>>, %arg9: memref<10240x128xf32, #tpu.memory_space<vmem_shared>>, %arg10: memref<!tpu.dma_semaphore, #tpu.memory_space<semaphore_mem>>, %arg11: memref<!tpu.dma_semaphore, #tpu.memory_space<semaphore_mem>>, %arg12: memref<!tpu.dma_semaphore, #tpu.memory_space<semaphore_mem>>, %arg13: memref<!tpu.dma_semaphore, #tpu.memory_space<semaphore_mem>>) attributes {dimension_semantics = [#tpu.dimension_semantics<core_parallel>, #tpu.dimension_semantics<subcore_parallel>], iteration_bounds = array<i64: 2, 16>, scalar_prefetch = 0 : i64, scratch_operands = 9 : i64, tpu.core_type = #tpu.core_type<sc_vector_subcore>, window_params = [{transform_indices = #map}, {transform_indices = #map1}, {transform_indices = #map}]} {
    %mul3A = arith.constant 16 : i32
    %mul3A_0 = arith.muli %arg0, %mul3A : i32
    %add3A = arith.addi %mul3A_0, %arg1 : i32
    %mul3A_1 = arith.constant 10240 : i32
    %mul3A_2 = arith.muli %arg0, %mul3A_1 : i32
    %mul3A_3 = arith.constant 640 : i32
    %mul3A_4 = arith.muli %arg1, %mul3A_3 : i32
    %add3A_5 = arith.addi %mul3A_2, %mul3A_4 : i32
    %mul3A_6 = arith.constant 640 : i32
    %mul3A_7 = arith.muli %arg1, %mul3A_6 : i32
    "tpu.region"() ({
      %run_scoped3A = tpu.sem_alloc : memref<!tpu.dma_semaphore, #tpu.memory_space<semaphore_mem>>
      %dma_start3A_239 = arith.constant 0 : i32
      %dma_start3A_240 = tpu.memref_slice %arg9[%mul3A_7, %dma_start3A_239] : memref<10240x128xf32, #tpu.memory_space<vmem_shared>> -> memref<640x128xf32, #tpu.memory_space<vmem_shared>>
      %dma_start3A_241 = arith.constant 0 : i32
      %dma_start3A_242 = tpu.memref_slice %arg2[%add3A_5, %dma_start3A_241] : memref<20480x128xf32, #tpu.memory_space<hbm>> -> memref<640x128xf32, #tpu.memory_space<hbm>>
      tpu.enqueue_dma source(%dma_start3A_242 : memref<640x128xf32, #tpu.memory_space<hbm>>) target(%dma_start3A_240 : memref<640x128xf32, #tpu.memory_space<vmem_shared>>) target_semaphore(%run_scoped3A : memref<!tpu.dma_semaphore, #tpu.memory_space<semaphore_mem>>)
      %dma_wait3A_243 = arith.constant 0 : i32
      %dma_wait3A_244 = tpu.memref_slice %arg9[%mul3A_7, %dma_wait3A_243] : memref<10240x128xf32, #tpu.memory_space<vmem_shared>> -> memref<640x128xf32, #tpu.memory_space<vmem_shared>>
      %dma_wait3A_245 = arith.constant 0 : i32
      %dma_wait3A_246 = tpu.memref_slice %arg2[%add3A_5, %dma_wait3A_245] : memref<20480x128xf32, #tpu.memory_space<hbm>> -> memref<640x128xf32, #tpu.memory_space<hbm>>
      tpu.wait_dma2 semaphore(%run_scoped3A : memref<!tpu.dma_semaphore, #tpu.memory_space<semaphore_mem>>) src(%dma_wait3A_246 : memref<640x128xf32, #tpu.memory_space<hbm>>) dst(%dma_wait3A_244 : memref<640x128xf32, #tpu.memory_space<vmem_shared>>)
      tpu.yield
    }) : () -> ()
    "tpu.region"() ({
      %run_scoped3A = tpu.sem_alloc : memref<!tpu.dma_semaphore, #tpu.memory_space<semaphore_mem>>
      %dma_start3A_239 = arith.constant 0 : i32
      %dma_start3A_240 = arith.constant 0 : i32
      %dma_start3A_241 = tpu.memref_slice %arg3[%add3A, %dma_start3A_239, %dma_start3A_240] : memref<32x80x128xi32, #tpu.memory_space<hbm>> -> memref<1x80x128xi32, #tpu.memory_space<hbm>>
      %dma_start3A_242 = tpu.memref_squeeze %dma_start3A_241 : memref<1x80x128xi32, #tpu.memory_space<hbm>> -> memref<80x128xi32, #tpu.memory_space<hbm>>
      %dma_start3A_243 = arith.constant 0 : i32
      %dma_start3A_244 = arith.constant 0 : i32
      %dma_start3A_245 = tpu.memref_slice %arg3[%add3A, %dma_start3A_243, %dma_start3A_244] : memref<32x80x128xi32, #tpu.memory_space<hbm>> -> memref<1x80x128xi32, #tpu.memory_space<hbm>>
      %dma_start3A_246 = tpu.memref_squeeze %dma_start3A_245 : memref<1x80x128xi32, #tpu.memory_space<hbm>> -> memref<80x128xi32, #tpu.memory_space<hbm>>
      tpu.enqueue_dma source(%dma_start3A_246 : memref<80x128xi32, #tpu.memory_space<hbm>>) target(%arg5 : memref<80x128xi32, #tpu.memory_space<vmem>>) target_semaphore(%run_scoped3A : memref<!tpu.dma_semaphore, #tpu.memory_space<semaphore_mem>>)
      %dma_wait3A_247 = arith.constant 0 : i32
      %dma_wait3A_248 = arith.constant 0 : i32
      %dma_wait3A_249 = tpu.memref_slice %arg3[%add3A, %dma_wait3A_247, %dma_wait3A_248] : memref<32x80x128xi32, #tpu.memory_space<hbm>> -> memref<1x80x128xi32, #tpu.memory_space<hbm>>
      %dma_wait3A_250 = tpu.memref_squeeze %dma_wait3A_249 : memref<1x80x128xi32, #tpu.memory_space<hbm>> -> memref<80x128xi32, #tpu.memory_space<hbm>>
      %dma_wait3A_251 = arith.constant 0 : i32
      %dma_wait3A_252 = arith.constant 0 : i32
      %dma_wait3A_253 = tpu.memref_slice %arg3[%add3A, %dma_wait3A_251, %dma_wait3A_252] : memref<32x80x128xi32, #tpu.memory_space<hbm>> -> memref<1x80x128xi32, #tpu.memory_space<hbm>>
      %dma_wait3A_254 = tpu.memref_squeeze %dma_wait3A_253 : memref<1x80x128xi32, #tpu.memory_space<hbm>> -> memref<80x128xi32, #tpu.memory_space<hbm>>
      tpu.wait_dma2 semaphore(%run_scoped3A : memref<!tpu.dma_semaphore, #tpu.memory_space<semaphore_mem>>) src(%dma_wait3A_254 : memref<80x128xi32, #tpu.memory_space<hbm>>) dst(%arg5 : memref<80x128xi32, #tpu.memory_space<vmem>>)
      tpu.yield
    }) : () -> ()
    %barrier3A = arith.constant 0 : index
    tpu.barrier barrier_id(%barrier3A)
    %get3A = arith.constant 0 : i32
    %get3A_8 = arith.constant 0 : i32
    %get3A_9 = tpu.memref_slice %arg5[%get3A, %get3A_8] : memref<80x128xi32, #tpu.memory_space<vmem>> -> memref<1x128xi32, #tpu.memory_space<vmem>>
    %get3A_10 = tpu.memref_squeeze %get3A_9 : memref<1x128xi32, #tpu.memory_space<vmem>> -> memref<128xi32, #tpu.memory_space<vmem>>
    %get3A_11 = arith.constant 0 : index
    %get3A_12 = tpu.vector_load %get3A_10[%get3A_11] {strides = array<i32>} : memref<128xi32, #tpu.memory_space<vmem>>, vector<16xi32>,
    %get3A_13 = vector.shape_cast %get3A_12 : vector<16xi32> to vector<16xi32>
    %and3A = arith.constant 65535 : i32
    %and3A_14 = vector.broadcast %and3A : i32 to vector<16xi32>
    %and3A_15 = arith.andi %get3A_13, %and3A_14 : vector<16xi32>
    %swap3A = arith.constant 0 : i32
    %swap3A_16 = arith.index_cast %swap3A : i32 to index
    %swap3A_17 = arith.constant 0 : index
    %swap3A_18 = tpu.vector_load %arg6[%swap3A_16, %swap3A_17] {strides = array<i32>} : memref<2x128xi32, #tpu.memory_space<vmem>>, vector<1x16xi32>,
    %swap3A_19 = vector.shape_cast %swap3A_18 : vector<1x16xi32> to vector<16xi32>
    %swap3A_20 = vector.shape_cast %and3A_15 : vector<16xi32> to vector<1x16xi32>
    tpu.vector_store %arg6[%swap3A_16, %swap3A_17], %swap3A_20 {strides = array<i32>} : memref<2x128xi32, #tpu.memory_space<vmem>>, vector<1x16xi32>,
    %shift_right_logical3A = arith.constant 16 : i32
    %shift_right_logical3A_21 = vector.broadcast %shift_right_logical3A : i32 to vector<16xi32>
    %shift_right_logical3A_22 = arith.shrui %get3A_13, %shift_right_logical3A_21 : vector<16xi32>
    %swap3A_23 = arith.constant 0 : i32
    %swap3A_24 = arith.index_cast %swap3A_23 : i32 to index
    %swap3A_25 = arith.constant 0 : index
    %swap3A_26 = tpu.vector_load %arg7[%swap3A_24, %swap3A_25] {strides = array<i32>} : memref<2x128xi32, #tpu.memory_space<vmem>>, vector<1x16xi32>,
    %swap3A_27 = vector.shape_cast %swap3A_26 : vector<1x16xi32> to vector<16xi32>
    %swap3A_28 = vector.shape_cast %shift_right_logical3A_22 : vector<16xi32> to vector<1x16xi32>
    tpu.vector_store %arg7[%swap3A_24, %swap3A_25], %swap3A_28 {strides = array<i32>} : memref<2x128xi32, #tpu.memory_space<vmem>>, vector<1x16xi32>,
    %get3A_29 = arith.constant 0 : i32
    %get3A_30 = arith.constant 0 : i32
    %get3A_31 = tpu.memref_slice %arg5[%get3A_29, %get3A_30] : memref<80x128xi32, #tpu.memory_space<vmem>> -> memref<1x128xi32, #tpu.memory_space<vmem>>
    %get3A_32 = tpu.memref_squeeze %get3A_31 : memref<1x128xi32, #tpu.memory_space<vmem>> -> memref<128xi32, #tpu.memory_space<vmem>>
    %get3A_33 = arith.constant 16 : index
    %get3A_34 = tpu.vector_load %get3A_32[%get3A_33] {strides = array<i32>} : memref<128xi32, #tpu.memory_space<vmem>>, vector<16xi32>,
    %get3A_35 = vector.shape_cast %get3A_34 : vector<16xi32> to vector<16xi32>
    %and3A_36 = arith.constant 65535 : i32
    %and3A_37 = vector.broadcast %and3A_36 : i32 to vector<16xi32>
    %and3A_38 = arith.andi %get3A_35, %and3A_37 : vector<16xi32>
    %swap3A_39 = arith.constant 0 : i32
    %swap3A_40 = arith.index_cast %swap3A_39 : i32 to index
    %swap3A_41 = arith.constant 16 : index
    %swap3A_42 = tpu.vector_load %arg6[%swap3A_40, %swap3A_41] {strides = array<i32>} : memref<2x128xi32, #tpu.memory_space<vmem>>, vector<1x16xi32>,
    %swap3A_43 = vector.shape_cast %swap3A_42 : vector<1x16xi32> to vector<16xi32>
    %swap3A_44 = vector.shape_cast %and3A_38 : vector<16xi32> to vector<1x16xi32>
    tpu.vector_store %arg6[%swap3A_40, %swap3A_41], %swap3A_44 {strides = array<i32>} : memref<2x128xi32, #tpu.memory_space<vmem>>, vector<1x16xi32>,
    %shift_right_logical3A_45 = arith.constant 16 : i32
    %shift_right_logical3A_46 = vector.broadcast %shift_right_logical3A_45 : i32 to vector<16xi32>
    %shift_right_logical3A_47 = arith.shrui %get3A_35, %shift_right_logical3A_46 : vector<16xi32>
    %swap3A_48 = arith.constant 0 : i32
    %swap3A_49 = arith.index_cast %swap3A_48 : i32 to index
    %swap3A_50 = arith.constant 16 : index
    %swap3A_51 = tpu.vector_load %arg7[%swap3A_49, %swap3A_50] {strides = array<i32>} : memref<2x128xi32, #tpu.memory_space<vmem>>, vector<1x16xi32>,
    %swap3A_52 = vector.shape_cast %swap3A_51 : vector<1x16xi32> to vector<16xi32>
    %swap3A_53 = vector.shape_cast %shift_right_logical3A_47 : vector<16xi32> to vector<1x16xi32>
    tpu.vector_store %arg7[%swap3A_49, %swap3A_50], %swap3A_53 {strides = array<i32>} : memref<2x128xi32, #tpu.memory_space<vmem>>, vector<1x16xi32>,
    %get3A_54 = arith.constant 0 : i32
    %get3A_55 = arith.constant 0 : i32
    %get3A_56 = tpu.memref_slice %arg5[%get3A_54, %get3A_55] : memref<80x128xi32, #tpu.memory_space<vmem>> -> memref<1x128xi32, #tpu.memory_space<vmem>>
    %get3A_57 = tpu.memref_squeeze %get3A_56 : memref<1x128xi32, #tpu.memory_space<vmem>> -> memref<128xi32, #tpu.memory_space<vmem>>
    %get3A_58 = arith.constant 32 : index
    %get3A_59 = tpu.vector_load %get3A_57[%get3A_58] {strides = array<i32>} : memref<128xi32, #tpu.memory_space<vmem>>, vector<16xi32>,
    %get3A_60 = vector.shape_cast %get3A_59 : vector<16xi32> to vector<16xi32>
    %and3A_61 = arith.constant 65535 : i32
    %and3A_62 = vector.broadcast %and3A_61 : i32 to vector<16xi32>
    %and3A_63 = arith.andi %get3A_60, %and3A_62 : vector<16xi32>
    %swap3A_64 = arith.constant 0 : i32
    %swap3A_65 = arith.index_cast %swap3A_64 : i32 to index
    %swap3A_66 = arith.constant 32 : index
    %swap3A_67 = tpu.vector_load %arg6[%swap3A_65, %swap3A_66] {strides = array<i32>} : memref<2x128xi32, #tpu.memory_space<vmem>>, vector<1x16xi32>,
    %swap3A_68 = vector.shape_cast %swap3A_67 : vector<1x16xi32> to vector<16xi32>
    %swap3A_69 = vector.shape_cast %and3A_63 : vector<16xi32> to vector<1x16xi32>
    tpu.vector_store %arg6[%swap3A_65, %swap3A_66], %swap3A_69 {strides = array<i32>} : memref<2x128xi32, #tpu.memory_space<vmem>>, vector<1x16xi32>,
    %shift_right_logical3A_70 = arith.constant 16 : i32
    %shift_right_logical3A_71 = vector.broadcast %shift_right_logical3A_70 : i32 to vector<16xi32>
    %shift_right_logical3A_72 = arith.shrui %get3A_60, %shift_right_logical3A_71 : vector<16xi32>
    %swap3A_73 = arith.constant 0 : i32
    %swap3A_74 = arith.index_cast %swap3A_73 : i32 to index
    %swap3A_75 = arith.constant 32 : index
    %swap3A_76 = tpu.vector_load %arg7[%swap3A_74, %swap3A_75] {strides = array<i32>} : memref<2x128xi32, #tpu.memory_space<vmem>>, vector<1x16xi32>,
    %swap3A_77 = vector.shape_cast %swap3A_76 : vector<1x16xi32> to vector<16xi32>
    %swap3A_78 = vector.shape_cast %shift_right_logical3A_72 : vector<16xi32> to vector<1x16xi32>
    tpu.vector_store %arg7[%swap3A_74, %swap3A_75], %swap3A_78 {strides = array<i32>} : memref<2x128xi32, #tpu.memory_space<vmem>>, vector<1x16xi32>,
    %get3A_79 = arith.constant 0 : i32
    %get3A_80 = arith.constant 0 : i32
    %get3A_81 = tpu.memref_slice %arg5[%get3A_79, %get3A_80] : memref<80x128xi32, #tpu.memory_space<vmem>> -> memref<1x128xi32, #tpu.memory_space<vmem>>
    %get3A_82 = tpu.memref_squeeze %get3A_81 : memref<1x128xi32, #tpu.memory_space<vmem>> -> memref<128xi32, #tpu.memory_space<vmem>>
    %get3A_83 = arith.constant 48 : index
    %get3A_84 = tpu.vector_load %get3A_82[%get3A_83] {strides = array<i32>} : memref<128xi32, #tpu.memory_space<vmem>>, vector<16xi32>,
    %get3A_85 = vector.shape_cast %get3A_84 : vector<16xi32> to vector<16xi32>
    %and3A_86 = arith.constant 65535 : i32
    %and3A_87 = vector.broadcast %and3A_86 : i32 to vector<16xi32>
    %and3A_88 = arith.andi %get3A_85, %and3A_87 : vector<16xi32>
    %swap3A_89 = arith.constant 0 : i32
    %swap3A_90 = arith.index_cast %swap3A_89 : i32 to index
    %swap3A_91 = arith.constant 48 : index
    %swap3A_92 = tpu.vector_load %arg6[%swap3A_90, %swap3A_91] {strides = array<i32>} : memref<2x128xi32, #tpu.memory_space<vmem>>, vector<1x16xi32>,
    %swap3A_93 = vector.shape_cast %swap3A_92 : vector<1x16xi32> to vector<16xi32>
    %swap3A_94 = vector.shape_cast %and3A_88 : vector<16xi32> to vector<1x16xi32>
    tpu.vector_store %arg6[%swap3A_90, %swap3A_91], %swap3A_94 {strides = array<i32>} : memref<2x128xi32, #tpu.memory_space<vmem>>, vector<1x16xi32>,
    %shift_right_logical3A_95 = arith.constant 16 : i32
    %shift_right_logical3A_96 = vector.broadcast %shift_right_logical3A_95 : i32 to vector<16xi32>
    %shift_right_logical3A_97 = arith.shrui %get3A_85, %shift_right_logical3A_96 : vector<16xi32>
    %swap3A_98 = arith.constant 0 : i32
    %swap3A_99 = arith.index_cast %swap3A_98 : i32 to index
    %swap3A_100 = arith.constant 48 : index
    %swap3A_101 = tpu.vector_load %arg7[%swap3A_99, %swap3A_100] {strides = array<i32>} : memref<2x128xi32, #tpu.memory_space<vmem>>, vector<1x16xi32>,
    %swap3A_102 = vector.shape_cast %swap3A_101 : vector<1x16xi32> to vector<16xi32>
    %swap3A_103 = vector.shape_cast %shift_right_logical3A_97 : vector<16xi32> to vector<1x16xi32>
    tpu.vector_store %arg7[%swap3A_99, %swap3A_100], %swap3A_103 {strides = array<i32>} : memref<2x128xi32, #tpu.memory_space<vmem>>, vector<1x16xi32>,
    %get3A_104 = arith.constant 0 : i32
    %get3A_105 = arith.constant 0 : i32
    %get3A_106 = tpu.memref_slice %arg5[%get3A_104, %get3A_105] : memref<80x128xi32, #tpu.memory_space<vmem>> -> memref<1x128xi32, #tpu.memory_space<vmem>>
    %get3A_107 = tpu.memref_squeeze %get3A_106 : memref<1x128xi32, #tpu.memory_space<vmem>> -> memref<128xi32, #tpu.memory_space<vmem>>
    %get3A_108 = arith.constant 64 : index
    %get3A_109 = tpu.vector_load %get3A_107[%get3A_108] {strides = array<i32>} : memref<128xi32, #tpu.memory_space<vmem>>, vector<16xi32>,
    %get3A_110 = vector.shape_cast %get3A_109 : vector<16xi32> to vector<16xi32>
    %and3A_111 = arith.constant 65535 : i32
    %and3A_112 = vector.broadcast %and3A_111 : i32 to vector<16xi32>
    %and3A_113 = arith.andi %get3A_110, %and3A_112 : vector<16xi32>
    %swap3A_114 = arith.constant 0 : i32
    %swap3A_115 = arith.index_cast %swap3A_114 : i32 to index
    %swap3A_116 = arith.constant 64 : index
    %swap3A_117 = tpu.vector_load %arg6[%swap3A_115, %swap3A_116] {strides = array<i32>} : memref<2x128xi32, #tpu.memory_space<vmem>>, vector<1x16xi32>,
    %swap3A_118 = vector.shape_cast %swap3A_117 : vector<1x16xi32> to vector<16xi32>
    %swap3A_119 = vector.shape_cast %and3A_113 : vector<16xi32> to vector<1x16xi32>
    tpu.vector_store %arg6[%swap3A_115, %swap3A_116], %swap3A_119 {strides = array<i32>} : memref<2x128xi32, #tpu.memory_space<vmem>>, vector<1x16xi32>,
    %shift_right_logical3A_120 = arith.constant 16 : i32
    %shift_right_logical3A_121 = vector.broadcast %shift_right_logical3A_120 : i32 to vector<16xi32>
    %shift_right_logical3A_122 = arith.shrui %get3A_110, %shift_right_logical3A_121 : vector<16xi32>
    %swap3A_123 = arith.constant 0 : i32
    %swap3A_124 = arith.index_cast %swap3A_123 : i32 to index
    %swap3A_125 = arith.constant 64 : index
    %swap3A_126 = tpu.vector_load %arg7[%swap3A_124, %swap3A_125] {strides = array<i32>} : memref<2x128xi32, #tpu.memory_space<vmem>>, vector<1x16xi32>,
    %swap3A_127 = vector.shape_cast %swap3A_126 : vector<1x16xi32> to vector<16xi32>
    %swap3A_128 = vector.shape_cast %shift_right_logical3A_122 : vector<16xi32> to vector<1x16xi32>
    tpu.vector_store %arg7[%swap3A_124, %swap3A_125], %swap3A_128 {strides = array<i32>} : memref<2x128xi32, #tpu.memory_space<vmem>>, vector<1x16xi32>,
    %get3A_129 = arith.constant 0 : i32
    %get3A_130 = arith.constant 0 : i32
    %get3A_131 = tpu.memref_slice %arg5[%get3A_129, %get3A_130] : memref<80x128xi32, #tpu.memory_space<vmem>> -> memref<1x128xi32, #tpu.memory_space<vmem>>
    %get3A_132 = tpu.memref_squeeze %get3A_131 : memref<1x128xi32, #tpu.memory_space<vmem>> -> memref<128xi32, #tpu.memory_space<vmem>>
    %get3A_133 = arith.constant 80 : index
    %get3A_134 = tpu.vector_load %get3A_132[%get3A_133] {strides = array<i32>} : memref<128xi32, #tpu.memory_space<vmem>>, vector<16xi32>,
    %get3A_135 = vector.shape_cast %get3A_134 : vector<16xi32> to vector<16xi32>
    %and3A_136 = arith.constant 65535 : i32
    %and3A_137 = vector.broadcast %and3A_136 : i32 to vector<16xi32>
    %and3A_138 = arith.andi %get3A_135, %and3A_137 : vector<16xi32>
    %swap3A_139 = arith.constant 0 : i32
    %swap3A_140 = arith.index_cast %swap3A_139 : i32 to index
    %swap3A_141 = arith.constant 80 : index
    %swap3A_142 = tpu.vector_load %arg6[%swap3A_140, %swap3A_141] {strides = array<i32>} : memref<2x128xi32, #tpu.memory_space<vmem>>, vector<1x16xi32>,
    %swap3A_143 = vector.shape_cast %swap3A_142 : vector<1x16xi32> to vector<16xi32>
    %swap3A_144 = vector.shape_cast %and3A_138 : vector<16xi32> to vector<1x16xi32>
    tpu.vector_store %arg6[%swap3A_140, %swap3A_141], %swap3A_144 {strides = array<i32>} : memref<2x128xi32, #tpu.memory_space<vmem>>, vector<1x16xi32>,
    %shift_right_logical3A_145 = arith.constant 16 : i32
    %shift_right_logical3A_146 = vector.broadcast %shift_right_logical3A_145 : i32 to vector<16xi32>
    %shift_right_logical3A_147 = arith.shrui %get3A_135, %shift_right_logical3A_146 : vector<16xi32>
    %swap3A_148 = arith.constant 0 : i32
    %swap3A_149 = arith.index_cast %swap3A_148 : i32 to index
    %swap3A_150 = arith.constant 80 : index
    %swap3A_151 = tpu.vector_load %arg7[%swap3A_149, %swap3A_150] {strides = array<i32>} : memref<2x128xi32, #tpu.memory_space<vmem>>, vector<1x16xi32>,
    %swap3A_152 = vector.shape_cast %swap3A_151 : vector<1x16xi32> to vector<16xi32>
    %swap3A_153 = vector.shape_cast %shift_right_logical3A_147 : vector<16xi32> to vector<1x16xi32>
    tpu.vector_store %arg7[%swap3A_149, %swap3A_150], %swap3A_153 {strides = array<i32>} : memref<2x128xi32, #tpu.memory_space<vmem>>, vector<1x16xi32>,
    %get3A_154 = arith.constant 0 : i32
    %get3A_155 = arith.constant 0 : i32
    %get3A_156 = tpu.memref_slice %arg5[%get3A_154, %get3A_155] : memref<80x128xi32, #tpu.memory_space<vmem>> -> memref<1x128xi32, #tpu.memory_space<vmem>>
    %get3A_157 = tpu.memref_squeeze %get3A_156 : memref<1x128xi32, #tpu.memory_space<vmem>> -> memref<128xi32, #tpu.memory_space<vmem>>
    %get3A_158 = arith.constant 96 : index
    %get3A_159 = tpu.vector_load %get3A_157[%get3A_158] {strides = array<i32>} : memref<128xi32, #tpu.memory_space<vmem>>, vector<16xi32>,
    %get3A_160 = vector.shape_cast %get3A_159 : vector<16xi32> to vector<16xi32>
    %and3A_161 = arith.constant 65535 : i32
    %and3A_162 = vector.broadcast %and3A_161 : i32 to vector<16xi32>
    %and3A_163 = arith.andi %get3A_160, %and3A_162 : vector<16xi32>
    %swap3A_164 = arith.constant 0 : i32
    %swap3A_165 = arith.index_cast %swap3A_164 : i32 to index
    %swap3A_166 = arith.constant 96 : index
    %swap3A_167 = tpu.vector_load %arg6[%swap3A_165, %swap3A_166] {strides = array<i32>} : memref<2x128xi32, #tpu.memory_space<vmem>>, vector<1x16xi32>,
    %swap3A_168 = vector.shape_cast %swap3A_167 : vector<1x16xi32> to vector<16xi32>
    %swap3A_169 = vector.shape_cast %and3A_163 : vector<16xi32> to vector<1x16xi32>
    tpu.vector_store %arg6[%swap3A_165, %swap3A_166], %swap3A_169 {strides = array<i32>} : memref<2x128xi32, #tpu.memory_space<vmem>>, vector<1x16xi32>,
    %shift_right_logical3A_170 = arith.constant 16 : i32
    %shift_right_logical3A_171 = vector.broadcast %shift_right_logical3A_170 : i32 to vector<16xi32>
    %shift_right_logical3A_172 = arith.shrui %get3A_160, %shift_right_logical3A_171 : vector<16xi32>
    %swap3A_173 = arith.constant 0 : i32
    %swap3A_174 = arith.index_cast %swap3A_173 : i32 to index
    %swap3A_175 = arith.constant 96 : index
    %swap3A_176 = tpu.vector_load %arg7[%swap3A_174, %swap3A_175] {strides = array<i32>} : memref<2x128xi32, #tpu.memory_space<vmem>>, vector<1x16xi32>,
    %swap3A_177 = vector.shape_cast %swap3A_176 : vector<1x16xi32> to vector<16xi32>
    %swap3A_178 = vector.shape_cast %shift_right_logical3A_172 : vector<16xi32> to vector<1x16xi32>
    tpu.vector_store %arg7[%swap3A_174, %swap3A_175], %swap3A_178 {strides = array<i32>} : memref<2x128xi32, #tpu.memory_space<vmem>>, vector<1x16xi32>,
    %get3A_179 = arith.constant 0 : i32
    %get3A_180 = arith.constant 0 : i32
    %get3A_181 = tpu.memref_slice %arg5[%get3A_179, %get3A_180] : memref<80x128xi32, #tpu.memory_space<vmem>> -> memref<1x128xi32, #tpu.memory_space<vmem>>
    %get3A_182 = tpu.memref_squeeze %get3A_181 : memref<1x128xi32, #tpu.memory_space<vmem>> -> memref<128xi32, #tpu.memory_space<vmem>>
    %get3A_183 = arith.constant 112 : index
    %get3A_184 = tpu.vector_load %get3A_182[%get3A_183] {strides = array<i32>} : memref<128xi32, #tpu.memory_space<vmem>>, vector<16xi32>,
    %get3A_185 = vector.shape_cast %get3A_184 : vector<16xi32> to vector<16xi32>
    %and3A_186 = arith.constant 65535 : i32
    %and3A_187 = vector.broadcast %and3A_186 : i32 to vector<16xi32>
    %and3A_188 = arith.andi %get3A_185, %and3A_187 : vector<16xi32>
    %swap3A_189 = arith.constant 0 : i32
    %swap3A_190 = arith.index_cast %swap3A_189 : i32 to index
    %swap3A_191 = arith.constant 112 : index
    %swap3A_192 = tpu.vector_load %arg6[%swap3A_190, %swap3A_191] {strides = array<i32>} : memref<2x128xi32, #tpu.memory_space<vmem>>, vector<1x16xi32>,
    %swap3A_193 = vector.shape_cast %swap3A_192 : vector<1x16xi32> to vector<16xi32>
    %swap3A_194 = vector.shape_cast %and3A_188 : vector<16xi32> to vector<1x16xi32>
    tpu.vector_store %arg6[%swap3A_190, %swap3A_191], %swap3A_194 {strides = array<i32>} : memref<2x128xi32, #tpu.memory_space<vmem>>, vector<1x16xi32>,
    %shift_right_logical3A_195 = arith.constant 16 : i32
    %shift_right_logical3A_196 = vector.broadcast %shift_right_logical3A_195 : i32 to vector<16xi32>
    %shift_right_logical3A_197 = arith.shrui %get3A_185, %shift_right_logical3A_196 : vector<16xi32>
    %swap3A_198 = arith.constant 0 : i32
    %swap3A_199 = arith.index_cast %swap3A_198 : i32 to index
    %swap3A_200 = arith.constant 112 : index
    %swap3A_201 = tpu.vector_load %arg7[%swap3A_199, %swap3A_200] {strides = array<i32>} : memref<2x128xi32, #tpu.memory_space<vmem>>, vector<1x16xi32>,
    %swap3A_202 = vector.shape_cast %swap3A_201 : vector<1x16xi32> to vector<16xi32>
    %swap3A_203 = vector.shape_cast %shift_right_logical3A_197 : vector<16xi32> to vector<1x16xi32>
    tpu.vector_store %arg7[%swap3A_199, %swap3A_200], %swap3A_203 {strides = array<i32>} : memref<2x128xi32, #tpu.memory_space<vmem>>, vector<1x16xi32>,
    %dma_start3A = arith.constant 0 : i32
    %dma_start3A_204 = arith.constant 0 : i32
    %dma_start3A_205 = arith.constant 0 : i32
    %dma_start3A_206 = arith.constant 0 : i32
    %dma_start3A_207 = tpu.memref_slice %arg8[%dma_start3A_204, %dma_start3A_205, %dma_start3A_206] : memref<2x128x128xf32, #tpu.memory_space<vmem>> -> memref<1x128x128xf32, #tpu.memory_space<vmem>>
    %dma_start3A_208 = tpu.memref_squeeze %dma_start3A_207 : memref<1x128x128xf32, #tpu.memory_space<vmem>> -> memref<128x128xf32, #tpu.memory_space<vmem>>
    %dma_start3A_209 = arith.constant 0 : i32
    %dma_start3A_210 = tpu.memref_slice %arg6[%dma_start3A, %dma_start3A_209] : memref<2x128xi32, #tpu.memory_space<vmem>> -> memref<1x128xi32, #tpu.memory_space<vmem>>
    %dma_start3A_211 = tpu.memref_squeeze %dma_start3A_210 : memref<1x128xi32, #tpu.memory_space<vmem>> -> memref<128xi32, #tpu.memory_space<vmem>>
    %dma_start3A_212 = arith.constant 0 : i32
    %dma_start3A_213 = arith.constant 0 : i32
    %dma_start3A_214 = tpu.memref_slice %arg2[%dma_start3A_212, %dma_start3A_213] : memref<20480x128xf32, #tpu.memory_space<hbm>> -> memref<20480x128xf32, #tpu.memory_space<hbm>>
    tpu.enqueue_indirect_dma source(%dma_start3A_214 : memref<20480x128xf32, #tpu.memory_space<hbm>>) target(%dma_start3A_208 : memref<128x128xf32, #tpu.memory_space<vmem>>) offsets(%dma_start3A_211 : memref<128xi32, #tpu.memory_space<vmem>>) semaphore(%arg10 : memref<!tpu.dma_semaphore, #tpu.memory_space<semaphore_mem>>)
    %scan3A = arith.constant 0 : i32
    %scan3A_215 = arith.constant 0 : i32
    %scan3A_216 = arith.constant 40 : i32
    %scan3A_217 = arith.addi %scan3A_215, %scan3A_216 : i32
    %scan3A_218 = arith.constant 1 : i32
    scf.for %scan3A_239 = %scan3A_215 to %scan3A_217 step %scan3A_218  : i32 {
      %mul3A_240 = arith.constant 2 : i32
      %mul3A_241 = arith.muli %mul3A_240, %scan3A_239 : i32
      %add3A_242 = arith.constant 0 : i32
      %add3A_243 = arith.addi %mul3A_241, %add3A_242 : i32
      %add3A_244 = arith.constant 1 : i32
      %add3A_245 = arith.addi %add3A_243, %add3A_244 : i32
      %ge3A = arith.constant 1 : i32
      %ge3A_246 = arith.cmpi sge, %add3A_243, %ge3A : i32
      %convert_element_type3A = arith.extui %ge3A_246 : i1 to i32
      %cond3A = arith.constant 0 : i32
      %cond3A_247 = arith.cmpi ne, %convert_element_type3A, %cond3A : i32
      scf.if %cond3A_247 {
        %dma_wait3A_316 = arith.constant 1 : i32
        %dma_wait3A_317 = arith.constant 1 : i32
        %dma_wait3A_318 = arith.constant 0 : i32
        %dma_wait3A_319 = arith.constant 0 : i32
        %dma_wait3A_320 = tpu.memref_slice %arg8[%dma_wait3A_316, %dma_wait3A_318, %dma_wait3A_319] : memref<2x128x128xf32, #tpu.memory_space<vmem>> -> memref<1x128x128xf32, #tpu.memory_space<vmem>>
        %dma_wait3A_321 = tpu.memref_squeeze %dma_wait3A_320 : memref<1x128x128xf32, #tpu.memory_space<vmem>> -> memref<128x128xf32, #tpu.memory_space<vmem>>
        %dma_wait3A_322 = arith.constant 0 : i32
        %dma_wait3A_323 = tpu.memref_slice %arg7[%dma_wait3A_317, %dma_wait3A_322] : memref<2x128xi32, #tpu.memory_space<vmem>> -> memref<1x128xi32, #tpu.memory_space<vmem>>
        %dma_wait3A_324 = tpu.memref_squeeze %dma_wait3A_323 : memref<1x128xi32, #tpu.memory_space<vmem>> -> memref<128xi32, #tpu.memory_space<vmem>>
        %dma_wait3A_325 = arith.constant 0 : i32
        %dma_wait3A_326 = arith.constant 0 : i32
        %dma_wait3A_327 = tpu.memref_slice %arg9[%dma_wait3A_325, %dma_wait3A_326] : memref<10240x128xf32, #tpu.memory_space<vmem_shared>> -> memref<10240x128xf32, #tpu.memory_space<vmem_shared>>
        tpu.wait_indirect_dma semaphore(%arg13 : memref<!tpu.dma_semaphore, #tpu.memory_space<semaphore_mem>>) src(%dma_wait3A_321 : memref<128x128xf32, #tpu.memory_space<vmem>>) dst(%dma_wait3A_327 : memref<10240x128xf32, #tpu.memory_space<vmem_shared>>)
      } else {
      }
      %lt3A = arith.constant 80 : i32
      %lt3A_248 = arith.cmpi slt, %add3A_245, %lt3A : i32
      %convert_element_type3A_249 = arith.extui %lt3A_248 : i1 to i32
      %cond3A_250 = arith.constant 0 : i32
      %cond3A_251 = arith.cmpi ne, %convert_element_type3A_249, %cond3A_250 : i32
      scf.if %cond3A_251 {
        %get3A_316 = arith.constant 0 : i32
        %get3A_317 = tpu.memref_slice %arg5[%add3A_245, %get3A_316] : memref<80x128xi32, #tpu.memory_space<vmem>> -> memref<1x128xi32, #tpu.memory_space<vmem>>
        %get3A_318 = tpu.memref_squeeze %get3A_317 : memref<1x128xi32, #tpu.memory_space<vmem>> -> memref<128xi32, #tpu.memory_space<vmem>>
        %get3A_319 = arith.constant 0 : index
        %get3A_320 = tpu.vector_load %get3A_318[%get3A_319] {strides = array<i32>} : memref<128xi32, #tpu.memory_space<vmem>>, vector<16xi32>,
        %get3A_321 = vector.shape_cast %get3A_320 : vector<16xi32> to vector<16xi32>
        %and3A_322 = arith.constant 65535 : i32
        %and3A_323 = vector.broadcast %and3A_322 : i32 to vector<16xi32>
        %and3A_324 = arith.andi %get3A_321, %and3A_323 : vector<16xi32>
        %swap3A_325 = arith.constant 1 : i32
        %swap3A_326 = arith.index_cast %swap3A_325 : i32 to index
        %swap3A_327 = arith.constant 0 : index
        %swap3A_328 = tpu.vector_load %arg6[%swap3A_326, %swap3A_327] {strides = array<i32>} : memref<2x128xi32, #tpu.memory_space<vmem>>, vector<1x16xi32>,
        %swap3A_329 = vector.shape_cast %swap3A_328 : vector<1x16xi32> to vector<16xi32>
        %swap3A_330 = vector.shape_cast %and3A_324 : vector<16xi32> to vector<1x16xi32>
        tpu.vector_store %arg6[%swap3A_326, %swap3A_327], %swap3A_330 {strides = array<i32>} : memref<2x128xi32, #tpu.memory_space<vmem>>, vector<1x16xi32>,
        %shift_right_logical3A_331 = arith.constant 16 : i32
        %shift_right_logical3A_332 = vector.broadcast %shift_right_logical3A_331 : i32 to vector<16xi32>
        %shift_right_logical3A_333 = arith.shrui %get3A_321, %shift_right_logical3A_332 : vector<16xi32>
        %swap3A_334 = arith.constant 1 : i32
        %swap3A_335 = arith.index_cast %swap3A_334 : i32 to index
        %swap3A_336 = arith.constant 0 : index
        %swap3A_337 = tpu.vector_load %arg7[%swap3A_335, %swap3A_336] {strides = array<i32>} : memref<2x128xi32, #tpu.memory_space<vmem>>, vector<1x16xi32>,
        %swap3A_338 = vector.shape_cast %swap3A_337 : vector<1x16xi32> to vector<16xi32>
        %swap3A_339 = vector.shape_cast %shift_right_logical3A_333 : vector<16xi32> to vector<1x16xi32>
        tpu.vector_store %arg7[%swap3A_335, %swap3A_336], %swap3A_339 {strides = array<i32>} : memref<2x128xi32, #tpu.memory_space<vmem>>, vector<1x16xi32>,
        %get3A_340 = arith.constant 0 : i32
        %get3A_341 = tpu.memref_slice %arg5[%add3A_245, %get3A_340] : memref<80x128xi32, #tpu.memory_space<vmem>> -> memref<1x128xi32, #tpu.memory_space<vmem>>
        %get3A_342 = tpu.memref_squeeze %get3A_341 : memref<1x128xi32, #tpu.memory_space<vmem>> -> memref<128xi32, #tpu.memory_space<vmem>>
        %get3A_343 = arith.constant 16 : index
        %get3A_344 = tpu.vector_load %get3A_342[%get3A_343] {strides = array<i32>} : memref<128xi32, #tpu.memory_space<vmem>>, vector<16xi32>,
        %get3A_345 = vector.shape_cast %get3A_344 : vector<16xi32> to vector<16xi32>
        %and3A_346 = arith.constant 65535 : i32
        %and3A_347 = vector.broadcast %and3A_346 : i32 to vector<16xi32>
        %and3A_348 = arith.andi %get3A_345, %and3A_347 : vector<16xi32>
        %swap3A_349 = arith.constant 1 : i32
        %swap3A_350 = arith.index_cast %swap3A_349 : i32 to index
        %swap3A_351 = arith.constant 16 : index
        %swap3A_352 = tpu.vector_load %arg6[%swap3A_350, %swap3A_351] {strides = array<i32>} : memref<2x128xi32, #tpu.memory_space<vmem>>, vector<1x16xi32>,
        %swap3A_353 = vector.shape_cast %swap3A_352 : vector<1x16xi32> to vector<16xi32>
        %swap3A_354 = vector.shape_cast %and3A_348 : vector<16xi32> to vector<1x16xi32>
        tpu.vector_store %arg6[%swap3A_350, %swap3A_351], %swap3A_354 {strides = array<i32>} : memref<2x128xi32, #tpu.memory_space<vmem>>, vector<1x16xi32>,
        %shift_right_logical3A_355 = arith.constant 16 : i32
        %shift_right_logical3A_356 = vector.broadcast %shift_right_logical3A_355 : i32 to vector<16xi32>
        %shift_right_logical3A_357 = arith.shrui %get3A_345, %shift_right_logical3A_356 : vector<16xi32>
        %swap3A_358 = arith.constant 1 : i32
        %swap3A_359 = arith.index_cast %swap3A_358 : i32 to index
        %swap3A_360 = arith.constant 16 : index
        %swap3A_361 = tpu.vector_load %arg7[%swap3A_359, %swap3A_360] {strides = array<i32>} : memref<2x128xi32, #tpu.memory_space<vmem>>, vector<1x16xi32>,
        %swap3A_362 = vector.shape_cast %swap3A_361 : vector<1x16xi32> to vector<16xi32>
        %swap3A_363 = vector.shape_cast %shift_right_logical3A_357 : vector<16xi32> to vector<1x16xi32>
        tpu.vector_store %arg7[%swap3A_359, %swap3A_360], %swap3A_363 {strides = array<i32>} : memref<2x128xi32, #tpu.memory_space<vmem>>, vector<1x16xi32>,
        %get3A_364 = arith.constant 0 : i32
        %get3A_365 = tpu.memref_slice %arg5[%add3A_245, %get3A_364] : memref<80x128xi32, #tpu.memory_space<vmem>> -> memref<1x128xi32, #tpu.memory_space<vmem>>
        %get3A_366 = tpu.memref_squeeze %get3A_365 : memref<1x128xi32, #tpu.memory_space<vmem>> -> memref<128xi32, #tpu.memory_space<vmem>>
        %get3A_367 = arith.constant 32 : index
        %get3A_368 = tpu.vector_load %get3A_366[%get3A_367] {strides = array<i32>} : memref<128xi32, #tpu.memory_space<vmem>>, vector<16xi32>,
        %get3A_369 = vector.shape_cast %get3A_368 : vector<16xi32> to vector<16xi32>
        %and3A_370 = arith.constant 65535 : i32
        %and3A_371 = vector.broadcast %and3A_370 : i32 to vector<16xi32>
        %and3A_372 = arith.andi %get3A_369, %and3A_371 : vector<16xi32>
        %swap3A_373 = arith.constant 1 : i32
        %swap3A_374 = arith.index_cast %swap3A_373 : i32 to index
        %swap3A_375 = arith.constant 32 : index
        %swap3A_376 = tpu.vector_load %arg6[%swap3A_374, %swap3A_375] {strides = array<i32>} : memref<2x128xi32, #tpu.memory_space<vmem>>, vector<1x16xi32>,
        %swap3A_377 = vector.shape_cast %swap3A_376 : vector<1x16xi32> to vector<16xi32>
        %swap3A_378 = vector.shape_cast %and3A_372 : vector<16xi32> to vector<1x16xi32>
        tpu.vector_store %arg6[%swap3A_374, %swap3A_375], %swap3A_378 {strides = array<i32>} : memref<2x128xi32, #tpu.memory_space<vmem>>, vector<1x16xi32>,
        %shift_right_logical3A_379 = arith.constant 16 : i32
        %shift_right_logical3A_380 = vector.broadcast %shift_right_logical3A_379 : i32 to vector<16xi32>
        %shift_right_logical3A_381 = arith.shrui %get3A_369, %shift_right_logical3A_380 : vector<16xi32>
        %swap3A_382 = arith.constant 1 : i32
        %swap3A_383 = arith.index_cast %swap3A_382 : i32 to index
        %swap3A_384 = arith.constant 32 : index
        %swap3A_385 = tpu.vector_load %arg7[%swap3A_383, %swap3A_384] {strides = array<i32>} : memref<2x128xi32, #tpu.memory_space<vmem>>, vector<1x16xi32>,
        %swap3A_386 = vector.shape_cast %swap3A_385 : vector<1x16xi32> to vector<16xi32>
        %swap3A_387 = vector.shape_cast %shift_right_logical3A_381 : vector<16xi32> to vector<1x16xi32>
        tpu.vector_store %arg7[%swap3A_383, %swap3A_384], %swap3A_387 {strides = array<i32>} : memref<2x128xi32, #tpu.memory_space<vmem>>, vector<1x16xi32>,
        %get3A_388 = arith.constant 0 : i32
        %get3A_389 = tpu.memref_slice %arg5[%add3A_245, %get3A_388] : memref<80x128xi32, #tpu.memory_space<vmem>> -> memref<1x128xi32, #tpu.memory_space<vmem>>
        %get3A_390 = tpu.memref_squeeze %get3A_389 : memref<1x128xi32, #tpu.memory_space<vmem>> -> memref<128xi32, #tpu.memory_space<vmem>>
        %get3A_391 = arith.constant 48 : index
        %get3A_392 = tpu.vector_load %get3A_390[%get3A_391] {strides = array<i32>} : memref<128xi32, #tpu.memory_space<vmem>>, vector<16xi32>,
        %get3A_393 = vector.shape_cast %get3A_392 : vector<16xi32> to vector<16xi32>
        %and3A_394 = arith.constant 65535 : i32
        %and3A_395 = vector.broadcast %and3A_394 : i32 to vector<16xi32>
        %and3A_396 = arith.andi %get3A_393, %and3A_395 : vector<16xi32>
        %swap3A_397 = arith.constant 1 : i32
        %swap3A_398 = arith.index_cast %swap3A_397 : i32 to index
        %swap3A_399 = arith.constant 48 : index
        %swap3A_400 = tpu.vector_load %arg6[%swap3A_398, %swap3A_399] {strides = array<i32>} : memref<2x128xi32, #tpu.memory_space<vmem>>, vector<1x16xi32>,
        %swap3A_401 = vector.shape_cast %swap3A_400 : vector<1x16xi32> to vector<16xi32>
        %swap3A_402 = vector.shape_cast %and3A_396 : vector<16xi32> to vector<1x16xi32>
        tpu.vector_store %arg6[%swap3A_398, %swap3A_399], %swap3A_402 {strides = array<i32>} : memref<2x128xi32, #tpu.memory_space<vmem>>, vector<1x16xi32>,
        %shift_right_logical3A_403 = arith.constant 16 : i32
        %shift_right_logical3A_404 = vector.broadcast %shift_right_logical3A_403 : i32 to vector<16xi32>
        %shift_right_logical3A_405 = arith.shrui %get3A_393, %shift_right_logical3A_404 : vector<16xi32>
        %swap3A_406 = arith.constant 1 : i32
        %swap3A_407 = arith.index_cast %swap3A_406 : i32 to index
        %swap3A_408 = arith.constant 48 : index
        %swap3A_409 = tpu.vector_load %arg7[%swap3A_407, %swap3A_408] {strides = array<i32>} : memref<2x128xi32, #tpu.memory_space<vmem>>, vector<1x16xi32>,
        %swap3A_410 = vector.shape_cast %swap3A_409 : vector<1x16xi32> to vector<16xi32>
        %swap3A_411 = vector.shape_cast %shift_right_logical3A_405 : vector<16xi32> to vector<1x16xi32>
        tpu.vector_store %arg7[%swap3A_407, %swap3A_408], %swap3A_411 {strides = array<i32>} : memref<2x128xi32, #tpu.memory_space<vmem>>, vector<1x16xi32>,
        %get3A_412 = arith.constant 0 : i32
        %get3A_413 = tpu.memref_slice %arg5[%add3A_245, %get3A_412] : memref<80x128xi32, #tpu.memory_space<vmem>> -> memref<1x128xi32, #tpu.memory_space<vmem>>
        %get3A_414 = tpu.memref_squeeze %get3A_413 : memref<1x128xi32, #tpu.memory_space<vmem>> -> memref<128xi32, #tpu.memory_space<vmem>>
        %get3A_415 = arith.constant 64 : index
        %get3A_416 = tpu.vector_load %get3A_414[%get3A_415] {strides = array<i32>} : memref<128xi32, #tpu.memory_space<vmem>>, vector<16xi32>,
        %get3A_417 = vector.shape_cast %get3A_416 : vector<16xi32> to vector<16xi32>
        %and3A_418 = arith.constant 65535 : i32
        %and3A_419 = vector.broadcast %and3A_418 : i32 to vector<16xi32>
        %and3A_420 = arith.andi %get3A_417, %and3A_419 : vector<16xi32>
        %swap3A_421 = arith.constant 1 : i32
        %swap3A_422 = arith.index_cast %swap3A_421 : i32 to index
        %swap3A_423 = arith.constant 64 : index
        %swap3A_424 = tpu.vector_load %arg6[%swap3A_422, %swap3A_423] {strides = array<i32>} : memref<2x128xi32, #tpu.memory_space<vmem>>, vector<1x16xi32>,
        %swap3A_425 = vector.shape_cast %swap3A_424 : vector<1x16xi32> to vector<16xi32>
        %swap3A_426 = vector.shape_cast %and3A_420 : vector<16xi32> to vector<1x16xi32>
        tpu.vector_store %arg6[%swap3A_422, %swap3A_423], %swap3A_426 {strides = array<i32>} : memref<2x128xi32, #tpu.memory_space<vmem>>, vector<1x16xi32>,
        %shift_right_logical3A_427 = arith.constant 16 : i32
        %shift_right_logical3A_428 = vector.broadcast %shift_right_logical3A_427 : i32 to vector<16xi32>
        %shift_right_logical3A_429 = arith.shrui %get3A_417, %shift_right_logical3A_428 : vector<16xi32>
        %swap3A_430 = arith.constant 1 : i32
        %swap3A_431 = arith.index_cast %swap3A_430 : i32 to index
        %swap3A_432 = arith.constant 64 : index
        %swap3A_433 = tpu.vector_load %arg7[%swap3A_431, %swap3A_432] {strides = array<i32>} : memref<2x128xi32, #tpu.memory_space<vmem>>, vector<1x16xi32>,
        %swap3A_434 = vector.shape_cast %swap3A_433 : vector<1x16xi32> to vector<16xi32>
        %swap3A_435 = vector.shape_cast %shift_right_logical3A_429 : vector<16xi32> to vector<1x16xi32>
        tpu.vector_store %arg7[%swap3A_431, %swap3A_432], %swap3A_435 {strides = array<i32>} : memref<2x128xi32, #tpu.memory_space<vmem>>, vector<1x16xi32>,
        %get3A_436 = arith.constant 0 : i32
        %get3A_437 = tpu.memref_slice %arg5[%add3A_245, %get3A_436] : memref<80x128xi32, #tpu.memory_space<vmem>> -> memref<1x128xi32, #tpu.memory_space<vmem>>
        %get3A_438 = tpu.memref_squeeze %get3A_437 : memref<1x128xi32, #tpu.memory_space<vmem>> -> memref<128xi32, #tpu.memory_space<vmem>>
        %get3A_439 = arith.constant 80 : index
        %get3A_440 = tpu.vector_load %get3A_438[%get3A_439] {strides = array<i32>} : memref<128xi32, #tpu.memory_space<vmem>>, vector<16xi32>,
        %get3A_441 = vector.shape_cast %get3A_440 : vector<16xi32> to vector<16xi32>
        %and3A_442 = arith.constant 65535 : i32
        %and3A_443 = vector.broadcast %and3A_442 : i32 to vector<16xi32>
        %and3A_444 = arith.andi %get3A_441, %and3A_443 : vector<16xi32>
        %swap3A_445 = arith.constant 1 : i32
        %swap3A_446 = arith.index_cast %swap3A_445 : i32 to index
        %swap3A_447 = arith.constant 80 : index
        %swap3A_448 = tpu.vector_load %arg6[%swap3A_446, %swap3A_447] {strides = array<i32>} : memref<2x128xi32, #tpu.memory_space<vmem>>, vector<1x16xi32>,
        %swap3A_449 = vector.shape_cast %swap3A_448 : vector<1x16xi32> to vector<16xi32>
        %swap3A_450 = vector.shape_cast %and3A_444 : vector<16xi32> to vector<1x16xi32>
        tpu.vector_store %arg6[%swap3A_446, %swap3A_447], %swap3A_450 {strides = array<i32>} : memref<2x128xi32, #tpu.memory_space<vmem>>, vector<1x16xi32>,
        %shift_right_logical3A_451 = arith.constant 16 : i32
        %shift_right_logical3A_452 = vector.broadcast %shift_right_logical3A_451 : i32 to vector<16xi32>
        %shift_right_logical3A_453 = arith.shrui %get3A_441, %shift_right_logical3A_452 : vector<16xi32>
        %swap3A_454 = arith.constant 1 : i32
        %swap3A_455 = arith.index_cast %swap3A_454 : i32 to index
        %swap3A_456 = arith.constant 80 : index
        %swap3A_457 = tpu.vector_load %arg7[%swap3A_455, %swap3A_456] {strides = array<i32>} : memref<2x128xi32, #tpu.memory_space<vmem>>, vector<1x16xi32>,
        %swap3A_458 = vector.shape_cast %swap3A_457 : vector<1x16xi32> to vector<16xi32>
        %swap3A_459 = vector.shape_cast %shift_right_logical3A_453 : vector<16xi32> to vector<1x16xi32>
        tpu.vector_store %arg7[%swap3A_455, %swap3A_456], %swap3A_459 {strides = array<i32>} : memref<2x128xi32, #tpu.memory_space<vmem>>, vector<1x16xi32>,
        %get3A_460 = arith.constant 0 : i32
        %get3A_461 = tpu.memref_slice %arg5[%add3A_245, %get3A_460] : memref<80x128xi32, #tpu.memory_space<vmem>> -> memref<1x128xi32, #tpu.memory_space<vmem>>
        %get3A_462 = tpu.memref_squeeze %get3A_461 : memref<1x128xi32, #tpu.memory_space<vmem>> -> memref<128xi32, #tpu.memory_space<vmem>>
        %get3A_463 = arith.constant 96 : index
        %get3A_464 = tpu.vector_load %get3A_462[%get3A_463] {strides = array<i32>} : memref<128xi32, #tpu.memory_space<vmem>>, vector<16xi32>,
        %get3A_465 = vector.shape_cast %get3A_464 : vector<16xi32> to vector<16xi32>
        %and3A_466 = arith.constant 65535 : i32
        %and3A_467 = vector.broadcast %and3A_466 : i32 to vector<16xi32>
        %and3A_468 = arith.andi %get3A_465, %and3A_467 : vector<16xi32>
        %swap3A_469 = arith.constant 1 : i32
        %swap3A_470 = arith.index_cast %swap3A_469 : i32 to index
        %swap3A_471 = arith.constant 96 : index
        %swap3A_472 = tpu.vector_load %arg6[%swap3A_470, %swap3A_471] {strides = array<i32>} : memref<2x128xi32, #tpu.memory_space<vmem>>, vector<1x16xi32>,
        %swap3A_473 = vector.shape_cast %swap3A_472 : vector<1x16xi32> to vector<16xi32>
        %swap3A_474 = vector.shape_cast %and3A_468 : vector<16xi32> to vector<1x16xi32>
        tpu.vector_store %arg6[%swap3A_470, %swap3A_471], %swap3A_474 {strides = array<i32>} : memref<2x128xi32, #tpu.memory_space<vmem>>, vector<1x16xi32>,
        %shift_right_logical3A_475 = arith.constant 16 : i32
        %shift_right_logical3A_476 = vector.broadcast %shift_right_logical3A_475 : i32 to vector<16xi32>
        %shift_right_logical3A_477 = arith.shrui %get3A_465, %shift_right_logical3A_476 : vector<16xi32>
        %swap3A_478 = arith.constant 1 : i32
        %swap3A_479 = arith.index_cast %swap3A_478 : i32 to index
        %swap3A_480 = arith.constant 96 : index
        %swap3A_481 = tpu.vector_load %arg7[%swap3A_479, %swap3A_480] {strides = array<i32>} : memref<2x128xi32, #tpu.memory_space<vmem>>, vector<1x16xi32>,
        %swap3A_482 = vector.shape_cast %swap3A_481 : vector<1x16xi32> to vector<16xi32>
        %swap3A_483 = vector.shape_cast %shift_right_logical3A_477 : vector<16xi32> to vector<1x16xi32>
        tpu.vector_store %arg7[%swap3A_479, %swap3A_480], %swap3A_483 {strides = array<i32>} : memref<2x128xi32, #tpu.memory_space<vmem>>, vector<1x16xi32>,
        %get3A_484 = arith.constant 0 : i32
        %get3A_485 = tpu.memref_slice %arg5[%add3A_245, %get3A_484] : memref<80x128xi32, #tpu.memory_space<vmem>> -> memref<1x128xi32, #tpu.memory_space<vmem>>
        %get3A_486 = tpu.memref_squeeze %get3A_485 : memref<1x128xi32, #tpu.memory_space<vmem>> -> memref<128xi32, #tpu.memory_space<vmem>>
        %get3A_487 = arith.constant 112 : index
        %get3A_488 = tpu.vector_load %get3A_486[%get3A_487] {strides = array<i32>} : memref<128xi32, #tpu.memory_space<vmem>>, vector<16xi32>,
        %get3A_489 = vector.shape_cast %get3A_488 : vector<16xi32> to vector<16xi32>
        %and3A_490 = arith.constant 65535 : i32
        %and3A_491 = vector.broadcast %and3A_490 : i32 to vector<16xi32>
        %and3A_492 = arith.andi %get3A_489, %and3A_491 : vector<16xi32>
        %swap3A_493 = arith.constant 1 : i32
        %swap3A_494 = arith.index_cast %swap3A_493 : i32 to index
        %swap3A_495 = arith.constant 112 : index
        %swap3A_496 = tpu.vector_load %arg6[%swap3A_494, %swap3A_495] {strides = array<i32>} : memref<2x128xi32, #tpu.memory_space<vmem>>, vector<1x16xi32>,
        %swap3A_497 = vector.shape_cast %swap3A_496 : vector<1x16xi32> to vector<16xi32>
        %swap3A_498 = vector.shape_cast %and3A_492 : vector<16xi32> to vector<1x16xi32>
        tpu.vector_store %arg6[%swap3A_494, %swap3A_495], %swap3A_498 {strides = array<i32>} : memref<2x128xi32, #tpu.memory_space<vmem>>, vector<1x16xi32>,
        %shift_right_logical3A_499 = arith.constant 16 : i32
        %shift_right_logical3A_500 = vector.broadcast %shift_right_logical3A_499 : i32 to vector<16xi32>
        %shift_right_logical3A_501 = arith.shrui %get3A_489, %shift_right_logical3A_500 : vector<16xi32>
        %swap3A_502 = arith.constant 1 : i32
        %swap3A_503 = arith.index_cast %swap3A_502 : i32 to index
        %swap3A_504 = arith.constant 112 : index
        %swap3A_505 = tpu.vector_load %arg7[%swap3A_503, %swap3A_504] {strides = array<i32>} : memref<2x128xi32, #tpu.memory_space<vmem>>, vector<1x16xi32>,
        %swap3A_506 = vector.shape_cast %swap3A_505 : vector<1x16xi32> to vector<16xi32>
        %swap3A_507 = vector.shape_cast %shift_right_logical3A_501 : vector<16xi32> to vector<1x16xi32>
        tpu.vector_store %arg7[%swap3A_503, %swap3A_504], %swap3A_507 {strides = array<i32>} : memref<2x128xi32, #tpu.memory_space<vmem>>, vector<1x16xi32>,
        %dma_start3A_508 = arith.constant 1 : i32
        %dma_start3A_509 = arith.constant 1 : i32
        %dma_start3A_510 = arith.constant 0 : i32
        %dma_start3A_511 = arith.constant 0 : i32
        %dma_start3A_512 = tpu.memref_slice %arg8[%dma_start3A_509, %dma_start3A_510, %dma_start3A_511] : memref<2x128x128xf32, #tpu.memory_space<vmem>> -> memref<1x128x128xf32, #tpu.memory_space<vmem>>
        %dma_start3A_513 = tpu.memref_squeeze %dma_start3A_512 : memref<1x128x128xf32, #tpu.memory_space<vmem>> -> memref<128x128xf32, #tpu.memory_space<vmem>>
        %dma_start3A_514 = arith.constant 0 : i32
        %dma_start3A_515 = tpu.memref_slice %arg6[%dma_start3A_508, %dma_start3A_514] : memref<2x128xi32, #tpu.memory_space<vmem>> -> memref<1x128xi32, #tpu.memory_space<vmem>>
        %dma_start3A_516 = tpu.memref_squeeze %dma_start3A_515 : memref<1x128xi32, #tpu.memory_space<vmem>> -> memref<128xi32, #tpu.memory_space<vmem>>
        %dma_start3A_517 = arith.constant 0 : i32
        %dma_start3A_518 = arith.constant 0 : i32
        %dma_start3A_519 = tpu.memref_slice %arg2[%dma_start3A_517, %dma_start3A_518] : memref<20480x128xf32, #tpu.memory_space<hbm>> -> memref<20480x128xf32, #tpu.memory_space<hbm>>
        tpu.enqueue_indirect_dma source(%dma_start3A_519 : memref<20480x128xf32, #tpu.memory_space<hbm>>) target(%dma_start3A_513 : memref<128x128xf32, #tpu.memory_space<vmem>>) offsets(%dma_start3A_516 : memref<128xi32, #tpu.memory_space<vmem>>) semaphore(%arg11 : memref<!tpu.dma_semaphore, #tpu.memory_space<semaphore_mem>>)
      } else {
      }
      %dma_wait3A_252 = arith.constant 0 : i32
      %dma_wait3A_253 = arith.constant 0 : i32
      %dma_wait3A_254 = arith.constant 0 : i32
      %dma_wait3A_255 = arith.constant 0 : i32
      %dma_wait3A_256 = tpu.memref_slice %arg8[%dma_wait3A_253, %dma_wait3A_254, %dma_wait3A_255] : memref<2x128x128xf32, #tpu.memory_space<vmem>> -> memref<1x128x128xf32, #tpu.memory_space<vmem>>
      %dma_wait3A_257 = tpu.memref_squeeze %dma_wait3A_256 : memref<1x128x128xf32, #tpu.memory_space<vmem>> -> memref<128x128xf32, #tpu.memory_space<vmem>>
      %dma_wait3A_258 = arith.constant 0 : i32
      %dma_wait3A_259 = tpu.memref_slice %arg6[%dma_wait3A_252, %dma_wait3A_258] : memref<2x128xi32, #tpu.memory_space<vmem>> -> memref<1x128xi32, #tpu.memory_space<vmem>>
      %dma_wait3A_260 = tpu.memref_squeeze %dma_wait3A_259 : memref<1x128xi32, #tpu.memory_space<vmem>> -> memref<128xi32, #tpu.memory_space<vmem>>
      %dma_wait3A_261 = arith.constant 0 : i32
      %dma_wait3A_262 = arith.constant 0 : i32
      %dma_wait3A_263 = tpu.memref_slice %arg2[%dma_wait3A_261, %dma_wait3A_262] : memref<20480x128xf32, #tpu.memory_space<hbm>> -> memref<20480x128xf32, #tpu.memory_space<hbm>>
      tpu.wait_indirect_dma semaphore(%arg10 : memref<!tpu.dma_semaphore, #tpu.memory_space<semaphore_mem>>) src(%dma_wait3A_263 : memref<20480x128xf32, #tpu.memory_space<hbm>>) dst(%dma_wait3A_257 : memref<128x128xf32, #tpu.memory_space<vmem>>)
      %dma_start3A_264 = arith.constant 0 : i32
      %dma_start3A_265 = arith.constant 0 : i32
      %dma_start3A_266 = arith.constant 0 : i32
      %dma_start3A_267 = arith.constant 0 : i32
      %dma_start3A_268 = tpu.memref_slice %arg8[%dma_start3A_264, %dma_start3A_266, %dma_start3A_267] : memref<2x128x128xf32, #tpu.memory_space<vmem>> -> memref<1x128x128xf32, #tpu.memory_space<vmem>>
      %dma_start3A_269 = tpu.memref_squeeze %dma_start3A_268 : memref<1x128x128xf32, #tpu.memory_space<vmem>> -> memref<128x128xf32, #tpu.memory_space<vmem>>
      %dma_start3A_270 = arith.constant 0 : i32
      %dma_start3A_271 = tpu.memref_slice %arg7[%dma_start3A_265, %dma_start3A_270] : memref<2x128xi32, #tpu.memory_space<vmem>> -> memref<1x128xi32, #tpu.memory_space<vmem>>
      %dma_start3A_272 = tpu.memref_squeeze %dma_start3A_271 : memref<1x128xi32, #tpu.memory_space<vmem>> -> memref<128xi32, #tpu.memory_space<vmem>>
      %dma_start3A_273 = arith.constant 0 : i32
      %dma_start3A_274 = arith.constant 0 : i32
      %dma_start3A_275 = tpu.memref_slice %arg9[%dma_start3A_273, %dma_start3A_274] : memref<10240x128xf32, #tpu.memory_space<vmem_shared>> -> memref<10240x128xf32, #tpu.memory_space<vmem_shared>>
      tpu.enqueue_indirect_dma source(%dma_start3A_269 : memref<128x128xf32, #tpu.memory_space<vmem>>) target(%dma_start3A_275 : memref<10240x128xf32, #tpu.memory_space<vmem_shared>>) offsets(%dma_start3A_272 : memref<128xi32, #tpu.memory_space<vmem>>) semaphore(%arg12 : memref<!tpu.dma_semaphore, #tpu.memory_space<semaphore_mem>>) {add = true}
      %mul3A_276 = arith.constant 2 : i32
      %mul3A_277 = arith.muli %mul3A_276, %scan3A_239 : i32
      %add3A_278 = arith.constant 1 : i32
      %add3A_279 = arith.addi %mul3A_277, %add3A_278 : i32
      %add3A_280 = arith.constant 1 : i32
      %add3A_281 = arith.addi %add3A_279, %add3A_280 : i32
      %ge3A_282 = arith.constant 1 : i32
      %ge3A_283 = arith.cmpi sge, %add3A_279, %ge3A_282 : i32
      %convert_element_type3A_284 = arith.extui %ge3A_283 : i1 to i32
      %cond3A_285 = arith.constant 0 : i32
      %cond3A_286 = arith.cmpi ne, %convert_element_type3A_284, %cond3A_285 : i32
      scf.if %cond3A_286 {
        %dma_wait3A_316 = arith.constant 0 : i32
        %dma_wait3A_317 = arith.constant 0 : i32
        %dma_wait3A_318 = arith.constant 0 : i32
        %dma_wait3A_319 = arith.constant 0 : i32
        %dma_wait3A_320 = tpu.memref_slice %arg8[%dma_wait3A_316, %dma_wait3A_318, %dma_wait3A_319] : memref<2x128x128xf32, #tpu.memory_space<vmem>> -> memref<1x128x128xf32, #tpu.memory_space<vmem>>
        %dma_wait3A_321 = tpu.memref_squeeze %dma_wait3A_320 : memref<1x128x128xf32, #tpu.memory_space<vmem>> -> memref<128x128xf32, #tpu.memory_space<vmem>>
        %dma_wait3A_322 = arith.constant 0 : i32
        %dma_wait3A_323 = tpu.memref_slice %arg7[%dma_wait3A_317, %dma_wait3A_322] : memref<2x128xi32, #tpu.memory_space<vmem>> -> memref<1x128xi32, #tpu.memory_space<vmem>>
        %dma_wait3A_324 = tpu.memref_squeeze %dma_wait3A_323 : memref<1x128xi32, #tpu.memory_space<vmem>> -> memref<128xi32, #tpu.memory_space<vmem>>
        %dma_wait3A_325 = arith.constant 0 : i32
        %dma_wait3A_326 = arith.constant 0 : i32
        %dma_wait3A_327 = tpu.memref_slice %arg9[%dma_wait3A_325, %dma_wait3A_326] : memref<10240x128xf32, #tpu.memory_space<vmem_shared>> -> memref<10240x128xf32, #tpu.memory_space<vmem_shared>>
        tpu.wait_indirect_dma semaphore(%arg12 : memref<!tpu.dma_semaphore, #tpu.memory_space<semaphore_mem>>) src(%dma_wait3A_321 : memref<128x128xf32, #tpu.memory_space<vmem>>) dst(%dma_wait3A_327 : memref<10240x128xf32, #tpu.memory_space<vmem_shared>>)
      } else {
      }
      %lt3A_287 = arith.constant 80 : i32
      %lt3A_288 = arith.cmpi slt, %add3A_281, %lt3A_287 : i32
      %convert_element_type3A_289 = arith.extui %lt3A_288 : i1 to i32
      %cond3A_290 = arith.constant 0 : i32
      %cond3A_291 = arith.cmpi ne, %convert_element_type3A_289, %cond3A_290 : i32
      scf.if %cond3A_291 {
        %get3A_316 = arith.constant 0 : i32
        %get3A_317 = tpu.memref_slice %arg5[%add3A_281, %get3A_316] : memref<80x128xi32, #tpu.memory_space<vmem>> -> memref<1x128xi32, #tpu.memory_space<vmem>>
        %get3A_318 = tpu.memref_squeeze %get3A_317 : memref<1x128xi32, #tpu.memory_space<vmem>> -> memref<128xi32, #tpu.memory_space<vmem>>
        %get3A_319 = arith.constant 0 : index
        %get3A_320 = tpu.vector_load %get3A_318[%get3A_319] {strides = array<i32>} : memref<128xi32, #tpu.memory_space<vmem>>, vector<16xi32>,
        %get3A_321 = vector.shape_cast %get3A_320 : vector<16xi32> to vector<16xi32>
        %and3A_322 = arith.constant 65535 : i32
        %and3A_323 = vector.broadcast %and3A_322 : i32 to vector<16xi32>
        %and3A_324 = arith.andi %get3A_321, %and3A_323 : vector<16xi32>
        %swap3A_325 = arith.constant 0 : i32
        %swap3A_326 = arith.index_cast %swap3A_325 : i32 to index
        %swap3A_327 = arith.constant 0 : index
        %swap3A_328 = tpu.vector_load %arg6[%swap3A_326, %swap3A_327] {strides = array<i32>} : memref<2x128xi32, #tpu.memory_space<vmem>>, vector<1x16xi32>,
        %swap3A_329 = vector.shape_cast %swap3A_328 : vector<1x16xi32> to vector<16xi32>
        %swap3A_330 = vector.shape_cast %and3A_324 : vector<16xi32> to vector<1x16xi32>
        tpu.vector_store %arg6[%swap3A_326, %swap3A_327], %swap3A_330 {strides = array<i32>} : memref<2x128xi32, #tpu.memory_space<vmem>>, vector<1x16xi32>,
        %shift_right_logical3A_331 = arith.constant 16 : i32
        %shift_right_logical3A_332 = vector.broadcast %shift_right_logical3A_331 : i32 to vector<16xi32>
        %shift_right_logical3A_333 = arith.shrui %get3A_321, %shift_right_logical3A_332 : vector<16xi32>
        %swap3A_334 = arith.constant 0 : i32
        %swap3A_335 = arith.index_cast %swap3A_334 : i32 to index
        %swap3A_336 = arith.constant 0 : index
        %swap3A_337 = tpu.vector_load %arg7[%swap3A_335, %swap3A_336] {strides = array<i32>} : memref<2x128xi32, #tpu.memory_space<vmem>>, vector<1x16xi32>,
        %swap3A_338 = vector.shape_cast %swap3A_337 : vector<1x16xi32> to vector<16xi32>
        %swap3A_339 = vector.shape_cast %shift_right_logical3A_333 : vector<16xi32> to vector<1x16xi32>
        tpu.vector_store %arg7[%swap3A_335, %swap3A_336], %swap3A_339 {strides = array<i32>} : memref<2x128xi32, #tpu.memory_space<vmem>>, vector<1x16xi32>,
        %get3A_340 = arith.constant 0 : i32
        %get3A_341 = tpu.memref_slice %arg5[%add3A_281, %get3A_340] : memref<80x128xi32, #tpu.memory_space<vmem>> -> memref<1x128xi32, #tpu.memory_space<vmem>>
        %get3A_342 = tpu.memref_squeeze %get3A_341 : memref<1x128xi32, #tpu.memory_space<vmem>> -> memref<128xi32, #tpu.memory_space<vmem>>
        %get3A_343 = arith.constant 16 : index
        %get3A_344 = tpu.vector_load %get3A_342[%get3A_343] {strides = array<i32>} : memref<128xi32, #tpu.memory_space<vmem>>, vector<16xi32>,
        %get3A_345 = vector.shape_cast %get3A_344 : vector<16xi32> to vector<16xi32>
        %and3A_346 = arith.constant 65535 : i32
        %and3A_347 = vector.broadcast %and3A_346 : i32 to vector<16xi32>
        %and3A_348 = arith.andi %get3A_345, %and3A_347 : vector<16xi32>
        %swap3A_349 = arith.constant 0 : i32
        %swap3A_350 = arith.index_cast %swap3A_349 : i32 to index
        %swap3A_351 = arith.constant 16 : index
        %swap3A_352 = tpu.vector_load %arg6[%swap3A_350, %swap3A_351] {strides = array<i32>} : memref<2x128xi32, #tpu.memory_space<vmem>>, vector<1x16xi32>,
        %swap3A_353 = vector.shape_cast %swap3A_352 : vector<1x16xi32> to vector<16xi32>
        %swap3A_354 = vector.shape_cast %and3A_348 : vector<16xi32> to vector<1x16xi32>
        tpu.vector_store %arg6[%swap3A_350, %swap3A_351], %swap3A_354 {strides = array<i32>} : memref<2x128xi32, #tpu.memory_space<vmem>>, vector<1x16xi32>,
        %shift_right_logical3A_355 = arith.constant 16 : i32
        %shift_right_logical3A_356 = vector.broadcast %shift_right_logical3A_355 : i32 to vector<16xi32>
        %shift_right_logical3A_357 = arith.shrui %get3A_345, %shift_right_logical3A_356 : vector<16xi32>
        %swap3A_358 = arith.constant 0 : i32
        %swap3A_359 = arith.index_cast %swap3A_358 : i32 to index
        %swap3A_360 = arith.constant 16 : index
        %swap3A_361 = tpu.vector_load %arg7[%swap3A_359, %swap3A_360] {strides = array<i32>} : memref<2x128xi32, #tpu.memory_space<vmem>>, vector<1x16xi32>,
        %swap3A_362 = vector.shape_cast %swap3A_361 : vector<1x16xi32> to vector<16xi32>
        %swap3A_363 = vector.shape_cast %shift_right_logical3A_357 : vector<16xi32> to vector<1x16xi32>
        tpu.vector_store %arg7[%swap3A_359, %swap3A_360], %swap3A_363 {strides = array<i32>} : memref<2x128xi32, #tpu.memory_space<vmem>>, vector<1x16xi32>,
        %get3A_364 = arith.constant 0 : i32
        %get3A_365 = tpu.memref_slice %arg5[%add3A_281, %get3A_364] : memref<80x128xi32, #tpu.memory_space<vmem>> -> memref<1x128xi32, #tpu.memory_space<vmem>>
        %get3A_366 = tpu.memref_squeeze %get3A_365 : memref<1x128xi32, #tpu.memory_space<vmem>> -> memref<128xi32, #tpu.memory_space<vmem>>
        %get3A_367 = arith.constant 32 : index
        %get3A_368 = tpu.vector_load %get3A_366[%get3A_367] {strides = array<i32>} : memref<128xi32, #tpu.memory_space<vmem>>, vector<16xi32>,
        %get3A_369 = vector.shape_cast %get3A_368 : vector<16xi32> to vector<16xi32>
        %and3A_370 = arith.constant 65535 : i32
        %and3A_371 = vector.broadcast %and3A_370 : i32 to vector<16xi32>
        %and3A_372 = arith.andi %get3A_369, %and3A_371 : vector<16xi32>
        %swap3A_373 = arith.constant 0 : i32
        %swap3A_374 = arith.index_cast %swap3A_373 : i32 to index
        %swap3A_375 = arith.constant 32 : index
        %swap3A_376 = tpu.vector_load %arg6[%swap3A_374, %swap3A_375] {strides = array<i32>} : memref<2x128xi32, #tpu.memory_space<vmem>>, vector<1x16xi32>,
        %swap3A_377 = vector.shape_cast %swap3A_376 : vector<1x16xi32> to vector<16xi32>
        %swap3A_378 = vector.shape_cast %and3A_372 : vector<16xi32> to vector<1x16xi32>
        tpu.vector_store %arg6[%swap3A_374, %swap3A_375], %swap3A_378 {strides = array<i32>} : memref<2x128xi32, #tpu.memory_space<vmem>>, vector<1x16xi32>,
        %shift_right_logical3A_379 = arith.constant 16 : i32
        %shift_right_logical3A_380 = vector.broadcast %shift_right_logical3A_379 : i32 to vector<16xi32>
        %shift_right_logical3A_381 = arith.shrui %get3A_369, %shift_right_logical3A_380 : vector<16xi32>
        %swap3A_382 = arith.constant 0 : i32
        %swap3A_383 = arith.index_cast %swap3A_382 : i32 to index
        %swap3A_384 = arith.constant 32 : index
        %swap3A_385 = tpu.vector_load %arg7[%swap3A_383, %swap3A_384] {strides = array<i32>} : memref<2x128xi32, #tpu.memory_space<vmem>>, vector<1x16xi32>,
        %swap3A_386 = vector.shape_cast %swap3A_385 : vector<1x16xi32> to vector<16xi32>
        %swap3A_387 = vector.shape_cast %shift_right_logical3A_381 : vector<16xi32> to vector<1x16xi32>
        tpu.vector_store %arg7[%swap3A_383, %swap3A_384], %swap3A_387 {strides = array<i32>} : memref<2x128xi32, #tpu.memory_space<vmem>>, vector<1x16xi32>,
        %get3A_388 = arith.constant 0 : i32
        %get3A_389 = tpu.memref_slice %arg5[%add3A_281, %get3A_388] : memref<80x128xi32, #tpu.memory_space<vmem>> -> memref<1x128xi32, #tpu.memory_space<vmem>>
        %get3A_390 = tpu.memref_squeeze %get3A_389 : memref<1x128xi32, #tpu.memory_space<vmem>> -> memref<128xi32, #tpu.memory_space<vmem>>
        %get3A_391 = arith.constant 48 : index
        %get3A_392 = tpu.vector_load %get3A_390[%get3A_391] {strides = array<i32>} : memref<128xi32, #tpu.memory_space<vmem>>, vector<16xi32>,
        %get3A_393 = vector.shape_cast %get3A_392 : vector<16xi32> to vector<16xi32>
        %and3A_394 = arith.constant 65535 : i32
        %and3A_395 = vector.broadcast %and3A_394 : i32 to vector<16xi32>
        %and3A_396 = arith.andi %get3A_393, %and3A_395 : vector<16xi32>
        %swap3A_397 = arith.constant 0 : i32
        %swap3A_398 = arith.index_cast %swap3A_397 : i32 to index
        %swap3A_399 = arith.constant 48 : index
        %swap3A_400 = tpu.vector_load %arg6[%swap3A_398, %swap3A_399] {strides = array<i32>} : memref<2x128xi32, #tpu.memory_space<vmem>>, vector<1x16xi32>,
        %swap3A_401 = vector.shape_cast %swap3A_400 : vector<1x16xi32> to vector<16xi32>
        %swap3A_402 = vector.shape_cast %and3A_396 : vector<16xi32> to vector<1x16xi32>
        tpu.vector_store %arg6[%swap3A_398, %swap3A_399], %swap3A_402 {strides = array<i32>} : memref<2x128xi32, #tpu.memory_space<vmem>>, vector<1x16xi32>,
        %shift_right_logical3A_403 = arith.constant 16 : i32
        %shift_right_logical3A_404 = vector.broadcast %shift_right_logical3A_403 : i32 to vector<16xi32>
        %shift_right_logical3A_405 = arith.shrui %get3A_393, %shift_right_logical3A_404 : vector<16xi32>
        %swap3A_406 = arith.constant 0 : i32
        %swap3A_407 = arith.index_cast %swap3A_406 : i32 to index
        %swap3A_408 = arith.constant 48 : index
        %swap3A_409 = tpu.vector_load %arg7[%swap3A_407, %swap3A_408] {strides = array<i32>} : memref<2x128xi32, #tpu.memory_space<vmem>>, vector<1x16xi32>,
        %swap3A_410 = vector.shape_cast %swap3A_409 : vector<1x16xi32> to vector<16xi32>
        %swap3A_411 = vector.shape_cast %shift_right_logical3A_405 : vector<16xi32> to vector<1x16xi32>
        tpu.vector_store %arg7[%swap3A_407, %swap3A_408], %swap3A_411 {strides = array<i32>} : memref<2x128xi32, #tpu.memory_space<vmem>>, vector<1x16xi32>,
        %get3A_412 = arith.constant 0 : i32
        %get3A_413 = tpu.memref_slice %arg5[%add3A_281, %get3A_412] : memref<80x128xi32, #tpu.memory_space<vmem>> -> memref<1x128xi32, #tpu.memory_space<vmem>>
        %get3A_414 = tpu.memref_squeeze %get3A_413 : memref<1x128xi32, #tpu.memory_space<vmem>> -> memref<128xi32, #tpu.memory_space<vmem>>
        %get3A_415 = arith.constant 64 : index
        %get3A_416 = tpu.vector_load %get3A_414[%get3A_415] {strides = array<i32>} : memref<128xi32, #tpu.memory_space<vmem>>, vector<16xi32>,
        %get3A_417 = vector.shape_cast %get3A_416 : vector<16xi32> to vector<16xi32>
        %and3A_418 = arith.constant 65535 : i32
        %and3A_419 = vector.broadcast %and3A_418 : i32 to vector<16xi32>
        %and3A_420 = arith.andi %get3A_417, %and3A_419 : vector<16xi32>
        %swap3A_421 = arith.constant 0 : i32
        %swap3A_422 = arith.index_cast %swap3A_421 : i32 to index
        %swap3A_423 = arith.constant 64 : index
        %swap3A_424 = tpu.vector_load %arg6[%swap3A_422, %swap3A_423] {strides = array<i32>} : memref<2x128xi32, #tpu.memory_space<vmem>>, vector<1x16xi32>,
        %swap3A_425 = vector.shape_cast %swap3A_424 : vector<1x16xi32> to vector<16xi32>
        %swap3A_426 = vector.shape_cast %and3A_420 : vector<16xi32> to vector<1x16xi32>
        tpu.vector_store %arg6[%swap3A_422, %swap3A_423], %swap3A_426 {strides = array<i32>} : memref<2x128xi32, #tpu.memory_space<vmem>>, vector<1x16xi32>,
        %shift_right_logical3A_427 = arith.constant 16 : i32
        %shift_right_logical3A_428 = vector.broadcast %shift_right_logical3A_427 : i32 to vector<16xi32>
        %shift_right_logical3A_429 = arith.shrui %get3A_417, %shift_right_logical3A_428 : vector<16xi32>
        %swap3A_430 = arith.constant 0 : i32
        %swap3A_431 = arith.index_cast %swap3A_430 : i32 to index
        %swap3A_432 = arith.constant 64 : index
        %swap3A_433 = tpu.vector_load %arg7[%swap3A_431, %swap3A_432] {strides = array<i32>} : memref<2x128xi32, #tpu.memory_space<vmem>>, vector<1x16xi32>,
        %swap3A_434 = vector.shape_cast %swap3A_433 : vector<1x16xi32> to vector<16xi32>
        %swap3A_435 = vector.shape_cast %shift_right_logical3A_429 : vector<16xi32> to vector<1x16xi32>
        tpu.vector_store %arg7[%swap3A_431, %swap3A_432], %swap3A_435 {strides = array<i32>} : memref<2x128xi32, #tpu.memory_space<vmem>>, vector<1x16xi32>,
        %get3A_436 = arith.constant 0 : i32
        %get3A_437 = tpu.memref_slice %arg5[%add3A_281, %get3A_436] : memref<80x128xi32, #tpu.memory_space<vmem>> -> memref<1x128xi32, #tpu.memory_space<vmem>>
        %get3A_438 = tpu.memref_squeeze %get3A_437 : memref<1x128xi32, #tpu.memory_space<vmem>> -> memref<128xi32, #tpu.memory_space<vmem>>
        %get3A_439 = arith.constant 80 : index
        %get3A_440 = tpu.vector_load %get3A_438[%get3A_439] {strides = array<i32>} : memref<128xi32, #tpu.memory_space<vmem>>, vector<16xi32>,
        %get3A_441 = vector.shape_cast %get3A_440 : vector<16xi32> to vector<16xi32>
        %and3A_442 = arith.constant 65535 : i32
        %and3A_443 = vector.broadcast %and3A_442 : i32 to vector<16xi32>
        %and3A_444 = arith.andi %get3A_441, %and3A_443 : vector<16xi32>
        %swap3A_445 = arith.constant 0 : i32
        %swap3A_446 = arith.index_cast %swap3A_445 : i32 to index
        %swap3A_447 = arith.constant 80 : index
        %swap3A_448 = tpu.vector_load %arg6[%swap3A_446, %swap3A_447] {strides = array<i32>} : memref<2x128xi32, #tpu.memory_space<vmem>>, vector<1x16xi32>,
        %swap3A_449 = vector.shape_cast %swap3A_448 : vector<1x16xi32> to vector<16xi32>
        %swap3A_450 = vector.shape_cast %and3A_444 : vector<16xi32> to vector<1x16xi32>
        tpu.vector_store %arg6[%swap3A_446, %swap3A_447], %swap3A_450 {strides = array<i32>} : memref<2x128xi32, #tpu.memory_space<vmem>>, vector<1x16xi32>,
        %shift_right_logical3A_451 = arith.constant 16 : i32
        %shift_right_logical3A_452 = vector.broadcast %shift_right_logical3A_451 : i32 to vector<16xi32>
        %shift_right_logical3A_453 = arith.shrui %get3A_441, %shift_right_logical3A_452 : vector<16xi32>
        %swap3A_454 = arith.constant 0 : i32
        %swap3A_455 = arith.index_cast %swap3A_454 : i32 to index
        %swap3A_456 = arith.constant 80 : index
        %swap3A_457 = tpu.vector_load %arg7[%swap3A_455, %swap3A_456] {strides = array<i32>} : memref<2x128xi32, #tpu.memory_space<vmem>>, vector<1x16xi32>,
        %swap3A_458 = vector.shape_cast %swap3A_457 : vector<1x16xi32> to vector<16xi32>
        %swap3A_459 = vector.shape_cast %shift_right_logical3A_453 : vector<16xi32> to vector<1x16xi32>
        tpu.vector_store %arg7[%swap3A_455, %swap3A_456], %swap3A_459 {strides = array<i32>} : memref<2x128xi32, #tpu.memory_space<vmem>>, vector<1x16xi32>,
        %get3A_460 = arith.constant 0 : i32
        %get3A_461 = tpu.memref_slice %arg5[%add3A_281, %get3A_460] : memref<80x128xi32, #tpu.memory_space<vmem>> -> memref<1x128xi32, #tpu.memory_space<vmem>>
        %get3A_462 = tpu.memref_squeeze %get3A_461 : memref<1x128xi32, #tpu.memory_space<vmem>> -> memref<128xi32, #tpu.memory_space<vmem>>
        %get3A_463 = arith.constant 96 : index
        %get3A_464 = tpu.vector_load %get3A_462[%get3A_463] {strides = array<i32>} : memref<128xi32, #tpu.memory_space<vmem>>, vector<16xi32>,
        %get3A_465 = vector.shape_cast %get3A_464 : vector<16xi32> to vector<16xi32>
        %and3A_466 = arith.constant 65535 : i32
        %and3A_467 = vector.broadcast %and3A_466 : i32 to vector<16xi32>
        %and3A_468 = arith.andi %get3A_465, %and3A_467 : vector<16xi32>
        %swap3A_469 = arith.constant 0 : i32
        %swap3A_470 = arith.index_cast %swap3A_469 : i32 to index
        %swap3A_471 = arith.constant 96 : index
        %swap3A_472 = tpu.vector_load %arg6[%swap3A_470, %swap3A_471] {strides = array<i32>} : memref<2x128xi32, #tpu.memory_space<vmem>>, vector<1x16xi32>,
        %swap3A_473 = vector.shape_cast %swap3A_472 : vector<1x16xi32> to vector<16xi32>
        %swap3A_474 = vector.shape_cast %and3A_468 : vector<16xi32> to vector<1x16xi32>
        tpu.vector_store %arg6[%swap3A_470, %swap3A_471], %swap3A_474 {strides = array<i32>} : memref<2x128xi32, #tpu.memory_space<vmem>>, vector<1x16xi32>,
        %shift_right_logical3A_475 = arith.constant 16 : i32
        %shift_right_logical3A_476 = vector.broadcast %shift_right_logical3A_475 : i32 to vector<16xi32>
        %shift_right_logical3A_477 = arith.shrui %get3A_465, %shift_right_logical3A_476 : vector<16xi32>
        %swap3A_478 = arith.constant 0 : i32
        %swap3A_479 = arith.index_cast %swap3A_478 : i32 to index
        %swap3A_480 = arith.constant 96 : index
        %swap3A_481 = tpu.vector_load %arg7[%swap3A_479, %swap3A_480] {strides = array<i32>} : memref<2x128xi32, #tpu.memory_space<vmem>>, vector<1x16xi32>,
        %swap3A_482 = vector.shape_cast %swap3A_481 : vector<1x16xi32> to vector<16xi32>
        %swap3A_483 = vector.shape_cast %shift_right_logical3A_477 : vector<16xi32> to vector<1x16xi32>
        tpu.vector_store %arg7[%swap3A_479, %swap3A_480], %swap3A_483 {strides = array<i32>} : memref<2x128xi32, #tpu.memory_space<vmem>>, vector<1x16xi32>,
        %get3A_484 = arith.constant 0 : i32
        %get3A_485 = tpu.memref_slice %arg5[%add3A_281, %get3A_484] : memref<80x128xi32, #tpu.memory_space<vmem>> -> memref<1x128xi32, #tpu.memory_space<vmem>>
        %get3A_486 = tpu.memref_squeeze %get3A_485 : memref<1x128xi32, #tpu.memory_space<vmem>> -> memref<128xi32, #tpu.memory_space<vmem>>
        %get3A_487 = arith.constant 112 : index
        %get3A_488 = tpu.vector_load %get3A_486[%get3A_487] {strides = array<i32>} : memref<128xi32, #tpu.memory_space<vmem>>, vector<16xi32>,
        %get3A_489 = vector.shape_cast %get3A_488 : vector<16xi32> to vector<16xi32>
        %and3A_490 = arith.constant 65535 : i32
        %and3A_491 = vector.broadcast %and3A_490 : i32 to vector<16xi32>
        %and3A_492 = arith.andi %get3A_489, %and3A_491 : vector<16xi32>
        %swap3A_493 = arith.constant 0 : i32
        %swap3A_494 = arith.index_cast %swap3A_493 : i32 to index
        %swap3A_495 = arith.constant 112 : index
        %swap3A_496 = tpu.vector_load %arg6[%swap3A_494, %swap3A_495] {strides = array<i32>} : memref<2x128xi32, #tpu.memory_space<vmem>>, vector<1x16xi32>,
        %swap3A_497 = vector.shape_cast %swap3A_496 : vector<1x16xi32> to vector<16xi32>
        %swap3A_498 = vector.shape_cast %and3A_492 : vector<16xi32> to vector<1x16xi32>
        tpu.vector_store %arg6[%swap3A_494, %swap3A_495], %swap3A_498 {strides = array<i32>} : memref<2x128xi32, #tpu.memory_space<vmem>>, vector<1x16xi32>,
        %shift_right_logical3A_499 = arith.constant 16 : i32
        %shift_right_logical3A_500 = vector.broadcast %shift_right_logical3A_499 : i32 to vector<16xi32>
        %shift_right_logical3A_501 = arith.shrui %get3A_489, %shift_right_logical3A_500 : vector<16xi32>
        %swap3A_502 = arith.constant 0 : i32
        %swap3A_503 = arith.index_cast %swap3A_502 : i32 to index
        %swap3A_504 = arith.constant 112 : index
        %swap3A_505 = tpu.vector_load %arg7[%swap3A_503, %swap3A_504] {strides = array<i32>} : memref<2x128xi32, #tpu.memory_space<vmem>>, vector<1x16xi32>,
        %swap3A_506 = vector.shape_cast %swap3A_505 : vector<1x16xi32> to vector<16xi32>
        %swap3A_507 = vector.shape_cast %shift_right_logical3A_501 : vector<16xi32> to vector<1x16xi32>
        tpu.vector_store %arg7[%swap3A_503, %swap3A_504], %swap3A_507 {strides = array<i32>} : memref<2x128xi32, #tpu.memory_space<vmem>>, vector<1x16xi32>,
        %dma_start3A_508 = arith.constant 0 : i32
        %dma_start3A_509 = arith.constant 0 : i32
        %dma_start3A_510 = arith.constant 0 : i32
        %dma_start3A_511 = arith.constant 0 : i32
        %dma_start3A_512 = tpu.memref_slice %arg8[%dma_start3A_509, %dma_start3A_510, %dma_start3A_511] : memref<2x128x128xf32, #tpu.memory_space<vmem>> -> memref<1x128x128xf32, #tpu.memory_space<vmem>>
        %dma_start3A_513 = tpu.memref_squeeze %dma_start3A_512 : memref<1x128x128xf32, #tpu.memory_space<vmem>> -> memref<128x128xf32, #tpu.memory_space<vmem>>
        %dma_start3A_514 = arith.constant 0 : i32
        %dma_start3A_515 = tpu.memref_slice %arg6[%dma_start3A_508, %dma_start3A_514] : memref<2x128xi32, #tpu.memory_space<vmem>> -> memref<1x128xi32, #tpu.memory_space<vmem>>
        %dma_start3A_516 = tpu.memref_squeeze %dma_start3A_515 : memref<1x128xi32, #tpu.memory_space<vmem>> -> memref<128xi32, #tpu.memory_space<vmem>>
        %dma_start3A_517 = arith.constant 0 : i32
        %dma_start3A_518 = arith.constant 0 : i32
        %dma_start3A_519 = tpu.memref_slice %arg2[%dma_start3A_517, %dma_start3A_518] : memref<20480x128xf32, #tpu.memory_space<hbm>> -> memref<20480x128xf32, #tpu.memory_space<hbm>>
        tpu.enqueue_indirect_dma source(%dma_start3A_519 : memref<20480x128xf32, #tpu.memory_space<hbm>>) target(%dma_start3A_513 : memref<128x128xf32, #tpu.memory_space<vmem>>) offsets(%dma_start3A_516 : memref<128xi32, #tpu.memory_space<vmem>>) semaphore(%arg10 : memref<!tpu.dma_semaphore, #tpu.memory_space<semaphore_mem>>)
      } else {
      }
      %dma_wait3A_292 = arith.constant 1 : i32
      %dma_wait3A_293 = arith.constant 1 : i32
      %dma_wait3A_294 = arith.constant 0 : i32
      %dma_wait3A_295 = arith.constant 0 : i32
      %dma_wait3A_296 = tpu.memref_slice %arg8[%dma_wait3A_293, %dma_wait3A_294, %dma_wait3A_295] : memref<2x128x128xf32, #tpu.memory_space<vmem>> -> memref<1x128x128xf32, #tpu.memory_space<vmem>>
      %dma_wait3A_297 = tpu.memref_squeeze %dma_wait3A_296 : memref<1x128x128xf32, #tpu.memory_space<vmem>> -> memref<128x128xf32, #tpu.memory_space<vmem>>
      %dma_wait3A_298 = arith.constant 0 : i32
      %dma_wait3A_299 = tpu.memref_slice %arg6[%dma_wait3A_292, %dma_wait3A_298] : memref<2x128xi32, #tpu.memory_space<vmem>> -> memref<1x128xi32, #tpu.memory_space<vmem>>
      %dma_wait3A_300 = tpu.memref_squeeze %dma_wait3A_299 : memref<1x128xi32, #tpu.memory_space<vmem>> -> memref<128xi32, #tpu.memory_space<vmem>>
      %dma_wait3A_301 = arith.constant 0 : i32
      %dma_wait3A_302 = arith.constant 0 : i32
      %dma_wait3A_303 = tpu.memref_slice %arg2[%dma_wait3A_301, %dma_wait3A_302] : memref<20480x128xf32, #tpu.memory_space<hbm>> -> memref<20480x128xf32, #tpu.memory_space<hbm>>
      tpu.wait_indirect_dma semaphore(%arg11 : memref<!tpu.dma_semaphore, #tpu.memory_space<semaphore_mem>>) src(%dma_wait3A_303 : memref<20480x128xf32, #tpu.memory_space<hbm>>) dst(%dma_wait3A_297 : memref<128x128xf32, #tpu.memory_space<vmem>>)
      %dma_start3A_304 = arith.constant 1 : i32
      %dma_start3A_305 = arith.constant 1 : i32
      %dma_start3A_306 = arith.constant 0 : i32
      %dma_start3A_307 = arith.constant 0 : i32
      %dma_start3A_308 = tpu.memref_slice %arg8[%dma_start3A_304, %dma_start3A_306, %dma_start3A_307] : memref<2x128x128xf32, #tpu.memory_space<vmem>> -> memref<1x128x128xf32, #tpu.memory_space<vmem>>
      %dma_start3A_309 = tpu.memref_squeeze %dma_start3A_308 : memref<1x128x128xf32, #tpu.memory_space<vmem>> -> memref<128x128xf32, #tpu.memory_space<vmem>>
      %dma_start3A_310 = arith.constant 0 : i32
      %dma_start3A_311 = tpu.memref_slice %arg7[%dma_start3A_305, %dma_start3A_310] : memref<2x128xi32, #tpu.memory_space<vmem>> -> memref<1x128xi32, #tpu.memory_space<vmem>>
      %dma_start3A_312 = tpu.memref_squeeze %dma_start3A_311 : memref<1x128xi32, #tpu.memory_space<vmem>> -> memref<128xi32, #tpu.memory_space<vmem>>
      %dma_start3A_313 = arith.constant 0 : i32
      %dma_start3A_314 = arith.constant 0 : i32
      %dma_start3A_315 = tpu.memref_slice %arg9[%dma_start3A_313, %dma_start3A_314] : memref<10240x128xf32, #tpu.memory_space<vmem_shared>> -> memref<10240x128xf32, #tpu.memory_space<vmem_shared>>
      tpu.enqueue_indirect_dma source(%dma_start3A_309 : memref<128x128xf32, #tpu.memory_space<vmem>>) target(%dma_start3A_315 : memref<10240x128xf32, #tpu.memory_space<vmem_shared>>) offsets(%dma_start3A_312 : memref<128xi32, #tpu.memory_space<vmem>>) semaphore(%arg13 : memref<!tpu.dma_semaphore, #tpu.memory_space<semaphore_mem>>) {add = true}
    }
    %scan3A_219 = arith.constant 40 : i32
    %dma_wait3A = arith.constant 1 : i32
    %dma_wait3A_220 = arith.constant 1 : i32
    %dma_wait3A_221 = arith.constant 0 : i32
    %dma_wait3A_222 = arith.constant 0 : i32
    %dma_wait3A_223 = tpu.memref_slice %arg8[%dma_wait3A, %dma_wait3A_221, %dma_wait3A_222] : memref<2x128x128xf32, #tpu.memory_space<vmem>> -> memref<1x128x128xf32, #tpu.memory_space<vmem>>
    %dma_wait3A_224 = tpu.memref_squeeze %dma_wait3A_223 : memref<1x128x128xf32, #tpu.memory_space<vmem>> -> memref<128x128xf32, #tpu.memory_space<vmem>>
    %dma_wait3A_225 = arith.constant 0 : i32
    %dma_wait3A_226 = tpu.memref_slice %arg7[%dma_wait3A_220, %dma_wait3A_225] : memref<2x128xi32, #tpu.memory_space<vmem>> -> memref<1x128xi32, #tpu.memory_space<vmem>>
    %dma_wait3A_227 = tpu.memref_squeeze %dma_wait3A_226 : memref<1x128xi32, #tpu.memory_space<vmem>> -> memref<128xi32, #tpu.memory_space<vmem>>
    %dma_wait3A_228 = arith.constant 0 : i32
    %dma_wait3A_229 = arith.constant 0 : i32
    %dma_wait3A_230 = tpu.memref_slice %arg9[%dma_wait3A_228, %dma_wait3A_229] : memref<10240x128xf32, #tpu.memory_space<vmem_shared>> -> memref<10240x128xf32, #tpu.memory_space<vmem_shared>>
    tpu.wait_indirect_dma semaphore(%arg13 : memref<!tpu.dma_semaphore, #tpu.memory_space<semaphore_mem>>) src(%dma_wait3A_224 : memref<128x128xf32, #tpu.memory_space<vmem>>) dst(%dma_wait3A_230 : memref<10240x128xf32, #tpu.memory_space<vmem_shared>>)
    %barrier3A_231 = arith.constant 0 : index
    tpu.barrier barrier_id(%barrier3A_231)
    %mul3A_232 = arith.constant 640 : i32
    %mul3A_233 = arith.muli %arg1, %mul3A_232 : i32
    %mul3A_234 = arith.constant 10240 : i32
    %mul3A_235 = arith.muli %arg0, %mul3A_234 : i32
    %mul3A_236 = arith.constant 640 : i32
    %mul3A_237 = arith.muli %arg1, %mul3A_236 : i32
    %add3A_238 = arith.addi %mul3A_235, %mul3A_237 : i32
    "tpu.region"() ({
      %run_scoped3A = tpu.sem_alloc : memref<!tpu.dma_semaphore, #tpu.memory_space<semaphore_mem>>
      %dma_start3A_239 = arith.constant 0 : i32
      %dma_start3A_240 = tpu.memref_slice %arg4[%add3A_238, %dma_start3A_239] : memref<20480x128xf32, #tpu.memory_space<hbm>> -> memref<640x128xf32, #tpu.memory_space<hbm>>
      %dma_start3A_241 = arith.constant 0 : i32
      %dma_start3A_242 = tpu.memref_slice %arg9[%mul3A_233, %dma_start3A_241] : memref<10240x128xf32, #tpu.memory_space<vmem_shared>> -> memref<640x128xf32, #tpu.memory_space<vmem_shared>>
      tpu.enqueue_dma source(%dma_start3A_242 : memref<640x128xf32, #tpu.memory_space<vmem_shared>>) target(%dma_start3A_240 : memref<640x128xf32, #tpu.memory_space<hbm>>) target_semaphore(%run_scoped3A : memref<!tpu.dma_semaphore, #tpu.memory_space<semaphore_mem>>)
      %dma_wait3A_243 = arith.constant 0 : i32
      %dma_wait3A_244 = tpu.memref_slice %arg4[%add3A_238, %dma_wait3A_243] : memref<20480x128xf32, #tpu.memory_space<hbm>> -> memref<640x128xf32, #tpu.memory_space<hbm>>
      %dma_wait3A_245 = arith.constant 0 : i32
      %dma_wait3A_246 = tpu.memref_slice %arg9[%mul3A_233, %dma_wait3A_245] : memref<10240x128xf32, #tpu.memory_space<vmem_shared>> -> memref<640x128xf32, #tpu.memory_space<vmem_shared>>
      tpu.wait_dma2 semaphore(%run_scoped3A : memref<!tpu.dma_semaphore, #tpu.memory_space<semaphore_mem>>) src(%dma_wait3A_246 : memref<640x128xf32, #tpu.memory_space<vmem_shared>>) dst(%dma_wait3A_244 : memref<640x128xf32, #tpu.memory_space<hbm>>)
      tpu.yield
    }) : () -> ()
    return
  }
}

module attributes {stable_mosaic.version = 14 : i64} {
  func.func @_dis_body(%arg0: memref<10000x1xf32, #tpu.memory_space<vmem>>, %arg1: memref<10000x1xf32, #tpu.memory_space<vmem>>, %arg2: memref<10000x1xf32, #tpu.memory_space<vmem>>) attributes {dimension_semantics = [], scalar_prefetch = 0 : i64, scratch_operands = 0 : i64, tpu.core_type = #tpu.core_type<tc>} {
    %get3A = arith.constant 0 : index
    %get3A_0 = arith.constant 0 : index
    %get3A_1 = vector.load %arg0[%get3A, %get3A_0] : memref<10000x1xf32, #tpu.memory_space<vmem>>, vector<10000x1xf32>
    %get3A_2 = arith.constant 0 : index
    %get3A_3 = arith.constant 0 : index
    %get3A_4 = vector.load %arg1[%get3A_2, %get3A_3] : memref<10000x1xf32, #tpu.memory_space<vmem>>, vector<10000x1xf32>
    %add3A = arith.addf %get3A_1, %get3A_4 : vector<10000x1xf32>
    %add3A_5 = arith.constant 1.000000e+00 : f32
    %add3A_6 = vector.broadcast %add3A_5 : f32 to vector<10000x1xf32>
    %add3A_7 = arith.addf %add3A, %add3A_6 : vector<10000x1xf32>
    %rsqrt3A = math.rsqrt %add3A_7 : vector<10000x1xf32>
    %swap3A = arith.constant 0 : index
    %swap3A_8 = arith.constant 0 : index
    %swap3A_9 = vector.load %arg2[%swap3A, %swap3A_8] : memref<10000x1xf32, #tpu.memory_space<vmem>>, vector<10000x1xf32>
    tpu.vector_store %arg2[%swap3A, %swap3A_8], %rsqrt3A {strides = array<i32>} : memref<10000x1xf32, #tpu.memory_space<vmem>>, vector<10000x1xf32>,
    return
  }
}

module attributes {stable_mosaic.version = 14 : i64} {
  func.func @_lin1_body(%arg0: i32, %arg1: i32, %arg2: memref<640x256xf32, #tpu.memory_space<vmem>>, %arg3: memref<128x256xf32, #tpu.memory_space<vmem>>, %arg4: memref<1x1x128xf32, #tpu.memory_space<vmem>>, %arg5: memref<640x1xf32, #tpu.memory_space<vmem>>, %arg6: memref<640x128xf32, #tpu.memory_space<vmem>>) attributes {dimension_semantics = [#tpu.dimension_semantics<arbitrary>, #tpu.dimension_semantics<arbitrary>], iteration_bounds = array<i64: 2, 16>, scalar_prefetch = 0 : i64, scratch_operands = 0 : i64, tpu.core_type = #tpu.core_type<tc>, window_params = [{transform_indices = @transform_0, window_bounds = array<i64: 640, 256>}, {transform_indices = @transform_1, window_bounds = array<i64: 128, 256>}, {transform_indices = @transform_2, window_bounds = array<i64: 1, 1, 128>}, {transform_indices = @transform_3, window_bounds = array<i64: 640, 1>}, {transform_indices = @transform_4, window_bounds = array<i64: 640, 128>}]} {
    %get3A = arith.constant 0 : index
    %get3A_0 = arith.constant 0 : index
    %get3A_1 = vector.load %arg2[%get3A, %get3A_0] : memref<640x256xf32, #tpu.memory_space<vmem>>, vector<640x256xf32>
    %get3A_2 = arith.constant 0 : index
    %get3A_3 = arith.constant 0 : index
    %get3A_4 = vector.load %arg3[%get3A_2, %get3A_3] : memref<128x256xf32, #tpu.memory_space<vmem>>, vector<128x256xf32>
    %dot_general3A = arith.constant dense<0.000000e+00> : vector<640x128xf32>
    %dot_general3A_5 = tpu.matmul %get3A_1, %get3A_4, %dot_general3A {dimension_numbers = #tpu.dot_dimension_numbers<[1], [1], [0], [0], [0, 0, 1, 0], [], []>, transpose_lhs_hint = false} : vector<640x256xf32>, vector<128x256xf32>, vector<640x128xf32> -> vector<640x128xf32>
    %get3A_6 = arith.constant 0 : index
    %get3A_7 = arith.constant 0 : index
    %get3A_8 = vector.load %arg5[%get3A_6, %get3A_7] : memref<640x1xf32, #tpu.memory_space<vmem>>, vector<640x1xf32>
    %get3A_9 = arith.constant 0 : index
    %get3A_10 = arith.constant 0 : index
    %get3A_11 = arith.constant 0 : index
    %get3A_12 = vector.load %arg4[%get3A_9, %get3A_10, %get3A_11] : memref<1x1x128xf32, #tpu.memory_space<vmem>>, vector<1x1x128xf32>
    %squeeze3A = vector.shape_cast %get3A_12 : vector<1x1x128xf32> to vector<1x128xf32>
    %add3A = vector.broadcast %squeeze3A : vector<1x128xf32> to vector<640x128xf32>
    %add3A_13 = arith.addf %dot_general3A_5, %add3A : vector<640x128xf32>
    %mul3A = vector.broadcast %get3A_8 : vector<640x1xf32> to vector<640x128xf32>
    %mul3A_14 = arith.mulf %mul3A, %add3A_13 : vector<640x128xf32>
    %swap3A = arith.constant 0 : index
    %swap3A_15 = arith.constant 0 : index
    %swap3A_16 = vector.load %arg6[%swap3A, %swap3A_15] : memref<640x128xf32, #tpu.memory_space<vmem>>, vector<640x128xf32>
    tpu.vector_store %arg6[%swap3A, %swap3A_15], %mul3A_14 {strides = array<i32>} : memref<640x128xf32, #tpu.memory_space<vmem>>, vector<640x128xf32>,
    return
  }
  func.func @transform_0(%arg0: i32, %arg1: i32) -> (i32, i32) {
    %c0_i32 = arith.constant 0 : i32
    %c0_i32_0 = arith.constant 0 : i32
    return %arg1, %c0_i32 : i32, i32
  }
  func.func @transform_1(%arg0: i32, %arg1: i32) -> (i32, i32) {
    %c0_i32 = arith.constant 0 : i32
    %c0_i32_0 = arith.constant 0 : i32
    return %arg0, %c0_i32 : i32, i32
  }
  func.func @transform_2(%arg0: i32, %arg1: i32) -> (i32, i32, i32) {
    %c0_i32 = arith.constant 0 : i32
    %c0_i32_0 = arith.constant 0 : i32
    %c0_i32_1 = arith.constant 0 : i32
    return %arg0, %c0_i32, %c0_i32_0 : i32, i32, i32
  }
  func.func @transform_3(%arg0: i32, %arg1: i32) -> (i32, i32) {
    %c0_i32 = arith.constant 0 : i32
    %c0_i32_0 = arith.constant 0 : i32
    return %arg1, %c0_i32 : i32, i32
  }
  func.func @transform_4(%arg0: i32, %arg1: i32) -> (i32, i32) {
    %mul3A = arith.constant 16 : i32
    %mul3A_0 = arith.muli %arg0, %mul3A : i32
    %add3A = arith.addi %mul3A_0, %arg1 : i32
    %c0_i32 = arith.constant 0 : i32
    %c0_i32_1 = arith.constant 0 : i32
    return %add3A, %c0_i32 : i32, i32
  }
}

module attributes {stable_mosaic.version = 14 : i64} {
  func.func @_lin2_body(%arg0: i32, %arg1: i32, %arg2: memref<640x128xf32, #tpu.memory_space<vmem>>, %arg3: memref<640x128xf32, #tpu.memory_space<vmem>>, %arg4: memref<128x256xf32, #tpu.memory_space<vmem>>, %arg5: memref<1x1x128xf32, #tpu.memory_space<vmem>>, %arg6: memref<640x1xf32, #tpu.memory_space<vmem>>, %arg7: memref<640x128xf32, #tpu.memory_space<vmem>>) attributes {dimension_semantics = [#tpu.dimension_semantics<arbitrary>, #tpu.dimension_semantics<arbitrary>], iteration_bounds = array<i64: 2, 16>, scalar_prefetch = 0 : i64, scratch_operands = 0 : i64, tpu.core_type = #tpu.core_type<tc>, window_params = [{transform_indices = @transform_0, window_bounds = array<i64: 640, 128>}, {transform_indices = @transform_1, window_bounds = array<i64: 640, 128>}, {transform_indices = @transform_2, window_bounds = array<i64: 128, 256>}, {transform_indices = @transform_3, window_bounds = array<i64: 1, 1, 128>}, {transform_indices = @transform_4, window_bounds = array<i64: 640, 1>}, {transform_indices = @transform_5, window_bounds = array<i64: 640, 128>}]} {
    %get3A = arith.constant 0 : index
    %get3A_0 = arith.constant 0 : index
    %get3A_1 = vector.load %arg6[%get3A, %get3A_0] : memref<640x1xf32, #tpu.memory_space<vmem>>, vector<640x1xf32>
    %get3A_2 = arith.constant 0 : index
    %get3A_3 = arith.constant 0 : index
    %get3A_4 = vector.load %arg2[%get3A_2, %get3A_3] : memref<640x128xf32, #tpu.memory_space<vmem>>, vector<640x128xf32>
    %mul3A = vector.broadcast %get3A_1 : vector<640x1xf32> to vector<640x128xf32>
    %mul3A_5 = arith.mulf %mul3A, %get3A_4 : vector<640x128xf32>
    %max3A = arith.constant 0.000000e+00 : f32
    %max3A_6 = vector.broadcast %max3A : f32 to vector<640x128xf32>
    %max3A_7 = arith.maximumf %mul3A_5, %max3A_6 : vector<640x128xf32>
    %get3A_8 = arith.constant 0 : index
    %get3A_9 = arith.constant 0 : index
    %get3A_10 = vector.load %arg3[%get3A_8, %get3A_9] : memref<640x128xf32, #tpu.memory_space<vmem>>, vector<640x128xf32>
    %mul3A_11 = vector.broadcast %get3A_1 : vector<640x1xf32> to vector<640x128xf32>
    %mul3A_12 = arith.mulf %mul3A_11, %get3A_10 : vector<640x128xf32>
    %max3A_13 = arith.constant 0.000000e+00 : f32
    %max3A_14 = vector.broadcast %max3A_13 : f32 to vector<640x128xf32>
    %max3A_15 = arith.maximumf %mul3A_12, %max3A_14 : vector<640x128xf32>
    %get3A_16 = arith.constant 0 : index
    %get3A_17 = arith.constant 0 : index
    %get3A_18 = vector.load %arg4[%get3A_16, %get3A_17] : memref<128x256xf32, #tpu.memory_space<vmem>>, vector<128x256xf32>
    %slice3A = vector.extract_strided_slice %get3A_18 {offsets = [0, 0], sizes = [128, 128], strides = [1, 1]} : vector<128x256xf32> to vector<128x128xf32>
    %dot_general3A = arith.constant dense<0.000000e+00> : vector<640x128xf32>
    %dot_general3A_19 = tpu.matmul %max3A_7, %slice3A, %dot_general3A {dimension_numbers = #tpu.dot_dimension_numbers<[1], [1], [0], [0], [0, 0, 1, 0], [], []>, transpose_lhs_hint = false} : vector<640x128xf32>, vector<128x128xf32>, vector<640x128xf32> -> vector<640x128xf32>
    %slice3A_20 = vector.extract_strided_slice %get3A_18 {offsets = [0, 128], sizes = [128, 128], strides = [1, 1]} : vector<128x256xf32> to vector<128x128xf32>
    %dot_general3A_21 = arith.constant dense<0.000000e+00> : vector<640x128xf32>
    %dot_general3A_22 = tpu.matmul %max3A_15, %slice3A_20, %dot_general3A_21 {dimension_numbers = #tpu.dot_dimension_numbers<[1], [1], [0], [0], [0, 0, 1, 0], [], []>, transpose_lhs_hint = false} : vector<640x128xf32>, vector<128x128xf32>, vector<640x128xf32> -> vector<640x128xf32>
    %add3A = arith.addf %dot_general3A_19, %dot_general3A_22 : vector<640x128xf32>
    %get3A_23 = arith.constant 0 : index
    %get3A_24 = arith.constant 0 : index
    %get3A_25 = arith.constant 0 : index
    %get3A_26 = vector.load %arg5[%get3A_23, %get3A_24, %get3A_25] : memref<1x1x128xf32, #tpu.memory_space<vmem>>, vector<1x1x128xf32>
    %squeeze3A = vector.shape_cast %get3A_26 : vector<1x1x128xf32> to vector<1x128xf32>
    %add3A_27 = vector.broadcast %squeeze3A : vector<1x128xf32> to vector<640x128xf32>
    %add3A_28 = arith.addf %add3A, %add3A_27 : vector<640x128xf32>
    %mul3A_29 = vector.broadcast %get3A_1 : vector<640x1xf32> to vector<640x128xf32>
    %mul3A_30 = arith.mulf %mul3A_29, %add3A_28 : vector<640x128xf32>
    %swap3A = arith.constant 0 : index
    %swap3A_31 = arith.constant 0 : index
    %swap3A_32 = vector.load %arg7[%swap3A, %swap3A_31] : memref<640x128xf32, #tpu.memory_space<vmem>>, vector<640x128xf32>
    tpu.vector_store %arg7[%swap3A, %swap3A_31], %mul3A_30 {strides = array<i32>} : memref<640x128xf32, #tpu.memory_space<vmem>>, vector<640x128xf32>,
    return
  }
  func.func @transform_0(%arg0: i32, %arg1: i32) -> (i32, i32) {
    %c0_i32 = arith.constant 0 : i32
    %c0_i32_0 = arith.constant 0 : i32
    return %arg1, %c0_i32 : i32, i32
  }
  func.func @transform_1(%arg0: i32, %arg1: i32) -> (i32, i32) {
    %add3A = arith.constant 16 : i32
    %add3A_0 = arith.addi %add3A, %arg1 : i32
    %c0_i32 = arith.constant 0 : i32
    %c0_i32_1 = arith.constant 0 : i32
    return %add3A_0, %c0_i32 : i32, i32
  }
  func.func @transform_2(%arg0: i32, %arg1: i32) -> (i32, i32) {
    %c0_i32 = arith.constant 0 : i32
    %c0_i32_0 = arith.constant 0 : i32
    return %arg0, %c0_i32 : i32, i32
  }
  func.func @transform_3(%arg0: i32, %arg1: i32) -> (i32, i32, i32) {
    %c0_i32 = arith.constant 0 : i32
    %c0_i32_0 = arith.constant 0 : i32
    %c0_i32_1 = arith.constant 0 : i32
    return %arg0, %c0_i32, %c0_i32_0 : i32, i32, i32
  }
  func.func @transform_4(%arg0: i32, %arg1: i32) -> (i32, i32) {
    %c0_i32 = arith.constant 0 : i32
    %c0_i32_0 = arith.constant 0 : i32
    return %arg1, %c0_i32 : i32, i32
  }
  func.func @transform_5(%arg0: i32, %arg1: i32) -> (i32, i32) {
    %mul3A = arith.constant 16 : i32
    %mul3A_0 = arith.muli %arg0, %mul3A : i32
    %add3A = arith.addi %mul3A_0, %arg1 : i32
    %c0_i32 = arith.constant 0 : i32
    %c0_i32_1 = arith.constant 0 : i32
    return %add3A, %c0_i32 : i32, i32
  }
}

module attributes {stable_mosaic.version = 14 : i64} {
  func.func @_final_body(%arg0: i32, %arg1: memref<640x128xf32, #tpu.memory_space<vmem>>, %arg2: memref<640x128xf32, #tpu.memory_space<vmem>>, %arg3: memref<640x1xf32, #tpu.memory_space<vmem>>, %arg4: memref<640x256xf32, #tpu.memory_space<vmem>>) attributes {dimension_semantics = [#tpu.dimension_semantics<arbitrary>], iteration_bounds = array<i64: 16>, scalar_prefetch = 0 : i64, scratch_operands = 0 : i64, tpu.core_type = #tpu.core_type<tc>, window_params = [{transform_indices = @transform_0, window_bounds = array<i64: 640, 128>}, {transform_indices = @transform_1, window_bounds = array<i64: 640, 128>}, {transform_indices = @transform_2, window_bounds = array<i64: 640, 1>}, {transform_indices = @transform_3, window_bounds = array<i64: 640, 256>}]} {
    %get3A = arith.constant 0 : index
    %get3A_0 = arith.constant 0 : index
    %get3A_1 = vector.load %arg3[%get3A, %get3A_0] : memref<640x1xf32, #tpu.memory_space<vmem>>, vector<640x1xf32>
    %get3A_2 = arith.constant 0 : index
    %get3A_3 = arith.constant 0 : index
    %get3A_4 = vector.load %arg1[%get3A_2, %get3A_3] : memref<640x128xf32, #tpu.memory_space<vmem>>, vector<640x128xf32>
    %mul3A = vector.broadcast %get3A_1 : vector<640x1xf32> to vector<640x128xf32>
    %mul3A_5 = arith.mulf %mul3A, %get3A_4 : vector<640x128xf32>
    %swap3A = arith.constant 0 : index
    %swap3A_6 = arith.constant 0 : index
    %swap3A_7 = vector.load %arg4[%swap3A, %swap3A_6] : memref<640x256xf32, #tpu.memory_space<vmem>>, vector<640x128xf32>
    tpu.vector_store %arg4[%swap3A, %swap3A_6], %mul3A_5 {strides = array<i32>} : memref<640x256xf32, #tpu.memory_space<vmem>>, vector<640x128xf32>,
    %get3A_8 = arith.constant 0 : index
    %get3A_9 = arith.constant 0 : index
    %get3A_10 = vector.load %arg2[%get3A_8, %get3A_9] : memref<640x128xf32, #tpu.memory_space<vmem>>, vector<640x128xf32>
    %mul3A_11 = vector.broadcast %get3A_1 : vector<640x1xf32> to vector<640x128xf32>
    %mul3A_12 = arith.mulf %mul3A_11, %get3A_10 : vector<640x128xf32>
    %swap3A_13 = arith.constant 0 : index
    %swap3A_14 = arith.constant 128 : index
    %swap3A_15 = vector.load %arg4[%swap3A_13, %swap3A_14] : memref<640x256xf32, #tpu.memory_space<vmem>>, vector<640x128xf32>
    tpu.vector_store %arg4[%swap3A_13, %swap3A_14], %mul3A_12 {strides = array<i32>} : memref<640x256xf32, #tpu.memory_space<vmem>>, vector<640x128xf32>,
    return
  }
  func.func @transform_0(%arg0: i32) -> (i32, i32) {
    %c0_i32 = arith.constant 0 : i32
    %c0_i32_0 = arith.constant 0 : i32
    return %arg0, %c0_i32 : i32, i32
  }
  func.func @transform_1(%arg0: i32) -> (i32, i32) {
    %add3A = arith.constant 16 : i32
    %add3A_0 = arith.addi %add3A, %arg0 : i32
    %c0_i32 = arith.constant 0 : i32
    %c0_i32_1 = arith.constant 0 : i32
    return %add3A_0, %c0_i32 : i32, i32
  }
  func.func @transform_2(%arg0: i32) -> (i32, i32) {
    %c0_i32 = arith.constant 0 : i32
    %c0_i32_0 = arith.constant 0 : i32
    return %arg0, %c0_i32 : i32, i32
  }
  func.func @transform_3(%arg0: i32) -> (i32, i32) {
    %c0_i32 = arith.constant 0 : i32
    %c0_i32_0 = arith.constant 0 : i32
    return %arg0, %c0_i32 : i32, i32
  }
}

</mosaic_0001>

<sc_bundles>
// kernel: kernel.12.cloned.1.call-start
scs
__scs_entry_jumppad:
0x0: {  	(pc) =	sbr.rel $0x88, $3  }
0x1: {  	(tag) =	ssettag $0x0;
	lr =	simm.s32 $0x1  }
0x2: {  	[smem:$0x3F9B] =	sst lr;
	_ =	strace $0xD0000000  }
0x3: {  	_ = 	snop  }
0x4: {  	_ = 	snop  }
0x5: {  	_ = 	snop  }
0x6: {  	_ = 	snop  }
0x7: {  	_ = 	snop  }
__scs_overlays_trampoline_lowered:
0x8: {  	[smem:$0x3FAA] =	sst s0  }
0x9: {  	[smem:$0x3FAB] =	sst s1  }
0xa: {  	[smem:$0x3FAC] =	sst s2  }
0xb: {  	[smem:$0x3FAD] =	sst s3  }
0xc: {  	[smem:$0x3FAE] =	sst s4  }
0xd: {  	[smem:$0x3FAF] =	sst s5  }
0xe: {  	[smem:$0x3FB0] =	sst s6  }
0xf: {  	[smem:$0x3FB1] =	sst s7  }
0x10: {  	[smem:$0x3FB2] =	sst s8  }
0x11: {  	[smem:$0x3FB3] =	sst s9;
	s0 =	simm.s32 @!p0 $0x0  }
0x12: {  	s1 =	sld [smem:$0x3F99];
	s0 =	simm.s32 @p0 $0x1  }
0x13: {  	[smem:$0x3FB4] =	sst s0;
	s0 =	simm.s32 @!p1 $0x0  }
0x14: {  	s2 =	sld [smem:$0x3F98];
	s0 =	simm.s32 @p1 $0x1  }
0x15: {  	[smem:$0x3FB5] =	sst s0;
	s0 =	simm.s32 @!p2 $0x0  }
0x16: {  	s3 =	sld [smem:$0x3FDB];
	s0 =	simm.s32 @p2 $0x1  }
0x17: {  	s4 =	simm.s32 $0x1BF5;
	[smem:$0x3FB7] =	sst s0  }
0x18: {  	s0 =	sld [smem:$0x3F9A];
	_ =	swait.ge [sflag:s4], $0x0  }
0x19: {  	s7 =	sld [smem:$0x3F9B]  }
0x1a: {  	s8 =	sadd.s32 $0xFFFFE003, lr  }
0x1b: {  	s9 =	sadd.s32 $0xFFFFFEF7, lr;
	s5 =	simm.s32 $0xFFFFFFFF;
	p2 =	slt.u32 s8, $0xFFFFF086  }
0x1c: {  	p1 =	slt.u32 s9, $0xF7A;
	s5 =	simm.s32 @!p2 $0x0  }
0x1d: {  	s5 =	simm.s32 @p1 $0x1;
	p0 =	seq.s32 s7, s2  }
0x1e: {  	s7 =	smul.u32 @!p0 $0xF7A, s2;
	p2 =	seq.s32 @!p0 s5, $0x0  }
0x1f: {  	s9 =	smul.u32 $0xF7A, s1;
	s8 =	simm.s32 @!p0 $0x1BF5;
	p2 =	por !p2, p0  }
0x20: {  	[sflag:s8] =	ssyncset.s32 @!p0 $0xFFFFF086;
	s6 =	sadd.s32 @!p0 s3, s7;
	s7 =	simm.s32 @!p0 $0x108  }
0x21: {  	s3 =	sadd.s32 s3, s9;
	s6 =	sadd.s32 @!p0 $0x88, s6;
	s7 =	simm.s32 @p2 $0x1082  }
0x22: {  	[simem:s7], [sflag:s8] =	dma.local @!p0 [hbm:s6], $0xF7A  }
0x23: {  	s9 =	sor.u32 $0xD0000000, s2;
	s6 =	simm.s32 $0x108;
	_ =	swait.ge @!p0 [sflag:s8], $0x0  }
0x24: {  	s3 =	sadd.s32 $0x88, s3;
	s6 =	simm.s32 @!p1 $0x1082;
	[sflag:s4] =	ssyncset.s32 $0xFFFFF086  }
0x25: {  	[simem:s6], [sflag:s4] =	dma.local [hbm:s3], $0xF7A  }
0x26: {  	[smem:$0x3F9B] =	sst s1;
	(tag) =	ssettag s2;
	_ =	strace s9  }
0x27: {  	s1 =	sld [smem:$0x3FAB]  }
0x28: {  	s2 =	sld [smem:$0x3FAC]  }
0x29: {  	s4 =	sld [smem:$0x3FAE]  }
0x2a: {  	p0 =	seq.s32 s5, $0x0;
	s5 =	sld [smem:$0x3FAF]  }
0x2b: {  	s6 =	sld [smem:$0x3FB0]  }
0x2c: {  	s7 =	sld [smem:$0x3FB1]  }
0x2d: {  	s3 =	simm.s32 $0x108;
	s8 =	sld [smem:$0x3FB2]  }
0x2e: {  	s3 =	simm.s32 @!p0 $0x1082;
	s9 =	sld [smem:$0x3FB3]  }
0x2f: {  	lr =	sadd.s32 s0, s3;
	s0 =	sld [smem:$0x3FAA]  }
0x30: {  	s3 =	sld [smem:$0x3FAD]  }
0x31: {  	[smem:$0x3FB6] =	sst s10  }
0x32: {  	s10 =	sld [smem:$0x3FB4];
	_ =	sdelay $0x3  }
0x33: {  	p0 =	seq.s32 s10, $0x1;
	s10 =	sld [smem:$0x3FB6];
	_ =	sdelay $0x3  }
0x34: {  	[smem:$0x3FB6] =	sst s10  }
0x35: {  	s10 =	sld [smem:$0x3FB5];
	_ =	sdelay $0x3  }
0x36: {  	p1 =	seq.s32 s10, $0x1;
	s10 =	sld [smem:$0x3FB6];
	_ =	sdelay $0x3  }
0x37: {  	[smem:$0x3FB6] =	sst s10  }
0x38: {  	s10 =	sld [smem:$0x3FB7]  }
0x39: {  	_ = 	snop;
	(pc) =	sbr.ind lr, $3  }
0x3a: {  	_ = 	snop  }
0x3b: {  	_ = 	snop  }
0x3c: {  	p2 =	seq.s32 s10, $0x1;
	s10 =	sld [smem:$0x3FB6]  }
0x3d: {  	_ =	shalt  }
0x3e: {  	_ =	shalt  }
0x3f: {  	_ =	shalt  }
0x40: {  	_ =	shalt  }
0x41: {  	_ =	shalt  }
0x42: {  	_ =	shalt  }
0x43: {  	_ =	shalt  }
0x44: {  	_ =	shalt  }
0x45: {  	_ =	shalt  }
0x46: {  	_ =	shalt  }
0x47: {  	_ =	shalt  }
0x48: {  	_ =	shalt  }
0x49: {  	_ =	shalt  }
0x4a: {  	_ =	shalt  }
0x4b: {  	_ =	shalt  }
0x4c: {  	_ =	shalt  }
0x4d: {  	_ =	shalt  }
0x4e: {  	_ =	shalt  }
0x4f: {  	_ =	shalt  }
0x50: {  	_ =	shalt  }
0x51: {  	_ =	shalt  }
0x52: {  	_ =	shalt  }
0x53: {  	_ =	shalt  }
0x54: {  	_ =	shalt  }
0x55: {  	_ =	shalt  }
0x56: {  	_ =	shalt  }
0x57: {  	_ =	shalt  }
0x58: {  	_ =	shalt  }
0x59: {  	_ =	shalt  }
0x5a: {  	_ =	shalt  }
0x5b: {  	_ =	shalt  }
0x5c: {  	_ =	shalt  }
0x5d: {  	_ =	shalt  }
0x5e: {  	_ =	shalt  }
0x5f: {  	_ =	shalt  }
0x60: {  	_ =	shalt  }
0x61: {  	_ =	shalt  }
0x62: {  	_ =	shalt  }
0x63: {  	_ =	shalt  }
0x64: {  	_ =	shalt  }
0x65: {  	_ =	shalt  }
0x66: {  	_ =	shalt  }
0x67: {  	_ =	shalt  }
0x68: {  	_ =	shalt  }
0x69: {  	_ =	shalt  }
0x6a: {  	_ =	shalt  }
0x6b: {  	_ =	shalt  }
0x6c: {  	_ =	shalt  }
0x6d: {  	_ =	shalt  }
0x6e: {  	_ =	shalt  }
0x6f: {  	_ =	shalt  }
0x70: {  	_ =	shalt  }
0x71: {  	_ =	shalt  }
0x72: {  	_ =	shalt  }
0x73: {  	_ =	shalt  }
0x74: {  	_ =	shalt  }
0x75: {  	_ =	shalt  }
0x76: {  	_ =	shalt  }
0x77: {  	_ =	shalt  }
0x78: {  	_ =	shalt  }
0x79: {  	_ =	shalt  }
0x7a: {  	_ =	shalt  }
0x7b: {  	_ =	shalt  }
0x7c: {  	_ =	shalt  }
0x7d: {  	_ =	shalt  }
0x7e: {  	_ =	shalt  }
0x7f: {  	_ =	shalt  }
0x80: {  	_ =	shalt  }
0x81: {  	_ =	shalt  }
0x82: {  	_ =	shalt  }
0x83: {  	_ =	shalt  }
0x84: {  	_ =	shalt  }
0x85: {  	_ =	shalt  }
0x86: {  	_ =	shalt  }
0x87: {  	_ =	shalt  }
.Lfunc_end0:
.L_simem_size_0:
called_computation.1_lowered:
.L_overlay_start_0:
0x88: {  	s2 =	sld [smem:$0x3FD9]  }
0x89: {  	s3 =	sld [smem:$0x3FFE];
	_ =	sdelay $0x1  }
0x8a: {  	s1 =	srdreg.scid  }
0x8b: {  	s0 =	sand.u32 $0x1, s1  }
0x8c: {  	s17 =	sshll.u32 s0, $0xA;
	s2 =	sadd.s32 s3, s2  }
0x8d: {  	s2 =	sadd.s32 s2, s17  }
0x8e: {  	[smem:$0x3FC2] =	sst s2  }
0x8f: {  	_ = 	snop  }
0x90: {  	s2 =	sld [smem:$0x3FD0];
	(tm) =	ssettm $0x1  }
0x91: {  	s18 =	sld [smem:$0x3FFB];
	_ =	sdelay $0x3  }
0x92: {  	_ =	strace s18  }
0x93: {  	s3 =	sld [smem:$0x3FFC];
	_ =	sdelay $0x3  }
0x94: {  	_ =	strace s3  }
0x95: {  	s3 =	sld [smem:$0x3FFD];
	_ =	sdelay $0x3  }
0x96: {  	_ =	strace s3  }
0x97: {  	_ =	strace $0x8FFFFFFF  }
0x98: {  	s19 =	sld [smem:$0x3FDB];
	_ =	sdelay $0x1  }
0x99: {  	s4 =	simm.s32 $_scs_section_size  }
0x9a: {  	s5 =	simm.s32 $_size__tile_overlayer_lowered;
	s6 =	simm.s32 $_tile_overlayer_lowered  }
0x9b: {  	s22 =	simm.s32 $0x1BFF;
	s21 =	sshll.u32 s6, $0x1;
	s3 =	sadd.s32 s4, s19  }
0x9c: {  	s7 =	simm.s32 $0x0;
	s20 =	sshll.u32 s5, $0x1;
	s5 =	sadd.s32 s21, s3  }
0x9d: {  	[timem:s7], [sflag:s22] =	dma.local [hbm:s5], s20  }
0x9e: {  	_ =	swait.ge [sflag:s22], s20  }
0x9f: {  	s4 =	ssub.s32 $0x0, s20;
	[sflag:s22] =	ssyncset.done $0x0  }
0xa0: {  	[sflag:s22] =	ssyncadd.s32 s4;
	_ =	sdelay $0x1  }
0xa1: {  	s23 =	simm.s32 $0x1B8B  }
0xa2: {  	_ =	swait.ge [sflag:s23], $0x1  }
0xa3: {  	[sflag:s23] =	ssyncset.done $0x0  }
0xa4: {  	s25 =	simm.s32 $0x1B8E;
	s24 =	sld [smem:$0x3FFE];
	[sflag:s23] =	ssyncadd.s32 $0xFFFFFFFF  }
0xa5: {  	s26 =	simm.s32 $execute0_lowered;
	[smem:$0x3FD2] =	sst s25  }
0xa6: {  	s5 =	sshll.u32 s26, $0x1;
	_ =	strace $0x80000049;
	[dreg:$0x1] =	wrdreg $0xFFFFFFFF  }
0xa7: {  	s28 =	simm.s32 $_size_execute0_lowered;
	s3 =	sadd.s32 s3, s5;
	[dreg:$0x0] =	wrdreg $0x0  }
0xa8: {  	s5 =	sshll.u32 s28, $0x1;
	[dreg:$0x2] =	wrdreg s3  }
0xa9: {  	[dreg:$0x3] =	wrdreg s5  }
0xaa: {  	[dreg:$0x4] =	wrdreg $0xC0  }
0xab: {  	_ =	task [dreg:s7], $0x5FFFF  }
0xac: {  	[dreg:$0x1] =	wrdreg $0xFFFFFFFF  }
0xad: {  	[dreg:$0x0] =	wrdreg $0x60  }
0xae: {  	[dreg:$0x2] =	wrdreg s24  }
0xaf: {  	[dreg:$0x3] =	wrdreg s2  }
0xb0: {  	[dreg:$0x4] =	wrdreg $0xAA000  }
0xb1: {  	[dreg:$0x5] =	wrdreg $0x9  }
0xb2: {  	_ =	task.clear_ibuf [dreg:s7], $0x6FFFF;
	_ =	strace $0x90000049  }
0xb3: {  	s29 =	simm.s32 $0x9;
	_ =	strace $0x8000004B  }
0xb4: {  	_ =	swait.ge [sflag:s29], $0x1  }
0xb5: {  	[sflag:s29] =	ssyncadd.s32 $0xFFFFFFFF  }
0xb6: {  	_ =	strace $0x9000004B  }
0xb7: {  	_ =	sfence  }
0xb8: {  	s30 =	sld [smem:$0x0];
	_ =	sdelay $0x2  }
0xb9: {  	s31 =	sshll.u32 s1, $0xD;
	s1 =	sshrl.u32 s1, $0x2  }
0xba: {  	s3 =	sand.u32 $0x4000, s31;
	s1 =	sadd.s32 s1, s30  }
0xbb: {  	s0 =	sor.u32 s3, s0;
	s1 =	sshll.u32 s1, $0x11  }
0xbc: {  	s0 =	sor.u32 s1, s0  }
0xbd: {  	s0 =	sadd.s32 $0x8F2B, s0  }
0xbe: {  	[sflag:s0] =	ssyncadd.remote.s32 $0x1  }
0xbf: {  	_ =	sfence.sel $0xFFFF  }
0xc0: {  	[dreg:$0x0] =	wrdreg $0xFFFFFFFF;
	(pc) =	sbr.abs _section_cstart, $3  }
0xc1: {  	[dreg:$0x1] =	wrdreg $0xFFFFFFFF  }
0xc2: {  	_ =	task.clear_ibuf [dreg:s7], $0x2FFFF;
	_ =	strace $0x9FFFFFFF  }
0xc3: {  	(tm) =	ssettm $0x7FFFFFFF  }
tec
execute0_lowered:
.L_overlay_start_1:
0x0: {  	(tag) =	ssettag $0x1  }
0x1: {  	s5 =	rddreg [dreg:$0x0]  }
0x2: {  	s7 =	rddreg [dreg:$0x1]  }
0x3: {  	s2 =	rddreg [dreg:$0x2]  }
0x4: {  	s0 =	srdreg.scid;
	s1 =	rddreg [dreg:$0x3];
	s3 =	simm.s32 $0x0  }
0x5: {  	s13 =	simm.s32 $0x2800;
	s14 =	simm.s32 $0x2A00;
	s15 =	simm.s32 $0x2880  }
0x6: {  	s16 =	simm.s32 $0x6A00;
	s17 =	simm.s32 $0x1;
	s18 =	simm.s32 $0x2900  }
0x7: {  	s19 =	simm.s32 $0x3;
	s20 =	simm.s32 $0x2;
	s21 =	simm.s32 $0x2980  }
0x8: {  	s22 =	simm.s32 $0x4;
	s6 =	sand.u32 $0x1, s0;
	s0 =	stileid.u32  }
0x9: {  	s23 =	simm.s32 $0x0;
	[smem:$0x7FF] =	sst s3;
	s4 =	smul.u32 $0x2800, s6  }
0xa: {  	s8 =	smul.u32 $0x280, s0;
	_ =	strace $0x8000004A;
	s9 =	ssub.s32 $0x2, s6  }
0xb: {  	s10 =	smul.u32 $0x50000, s0;
	s6 =	sshll.u32 s6, $0x4;
	s31 =	sshll.u32 s0, $0x6  }
0xc: {  	s28 =	sshrl.u32 s9, $0x1;
	s6 =	sor.u32 s0, s6;
	s8 =	sadd.s32 s8, s4  }
0xd: {  	s4 =	sadd.s32 $0x2000, s5;
	s9 =	ssub.s32 s9, s28;
	s29 =	sshrl.u32 s10, $0x2  }
0xe: {  	s30 =	smul.u32 $0x500, s6;
	s6 =	sor.u32 $0x1C05, s31;
	s8 =	sshll.u32 s8, $0x4  }
0xf: {  	s12 =	sadd.s32 s29, s2;
	s9 =	smax.u32 s9, $0x1;
	s11 =	sadd.s32 s8, s5  }
0x10: {  	s5 =	sadd.s32 s4, s8;
	s7 =	sadd.s32 s7, s30;
	s10 =	sshrl.u32 s12, $0x3  }
0x11: {  	s12 =	simm.s32 $0x80;
	s8 =	sadd.s32 $0x52000, s11;
	s11 =	simm.s32 $0x5  }
.LBB2_1:
0x12: {  	[spmem:s10], [sflag:s6] =	dma.local [hbm:s5], $0x2800  }
0x13: {  	_ =	swait.ge [sflag:s11], $0x2800  }
0x14: {  	[sflag:s11] =	ssyncset.done $0x0  }
0x15: {  	[sflag:s11] =	ssyncadd.s32 $0xFFFFD800  }
0x16: {  	[tilespmem:s3], [sflag:$0x5] =	stream.linear.gather [hbm4b:s7+s3], $0x2800, $0x38;
	[tilespmem:$0x1EA00] =	vst v63  }
0x17: {  	_ =	swait.ge [sflag:s11], $0x2800  }
0x18: {  	[sflag:s11] =	ssyncset.done $0x0  }
0x19: {  	[sflag:s11] =	ssyncadd.s32 $0xFFFFD800  }
0x1a: {  	[bflag:$0x0] =	sbarrier.arrive $0xFFFF  }
0x1b: {  	v0 =	vld [tilespmem:$0x0];
	_ =	sdelay $0x1  }
0x1c: {  	v1 =	vld [tilespmem:$0x10];
	_ =	sdelay $0x1  }
0x1d: {  	v2 =	vld [tilespmem:$0x20]  }
0x1e: {  	v3 =	vand.u32 $0xFFFF, v0  }
0x1f: {  	v0 =	vshrl.u32 v0, $0x10;
	[tilespmem:$0x2800] =	vst v3;
	v3 =	vld [tilespmem:$0x30]  }
0x20: {  	[tilespmem:$0x2900] =	vst v0;
	v0 =	vand.u32 $0xFFFF, v1  }
0x21: {  	[tilespmem:$0x2810] =	vst v0;
	v0 =	vshrl.u32 v1, $0x10;
	v1 =	vld [tilespmem:$0x40]  }
0x22: {  	[tilespmem:$0x2910] =	vst v0;
	v0 =	vand.u32 $0xFFFF, v2  }
0x23: {  	[tilespmem:$0x2820] =	vst v0;
	v0 =	vshrl.u32 v2, $0x10;
	v2 =	vld [tilespmem:$0x50]  }
0x24: {  	[tilespmem:$0x2920] =	vst v0;
	v0 =	vand.u32 $0xFFFF, v3  }
0x25: {  	[tilespmem:$0x2830] =	vst v0;
	v0 =	vshrl.u32 v3, $0x10;
	v3 =	vld [tilespmem:$0x60]  }
0x26: {  	[tilespmem:$0x2930] =	vst v0;
	v0 =	vand.u32 $0xFFFF, v1  }
0x27: {  	[tilespmem:$0x2840] =	vst v0;
	v0 =	vshrl.u32 v1, $0x10;
	v1 =	vld [tilespmem:$0x70]  }
0x28: {  	[tilespmem:$0x2940] =	vst v0;
	v0 =	vand.u32 $0xFFFF, v2  }
0x29: {  	[tilespmem:$0x2850] =	vst v0;
	v0 =	vshrl.u32 v2, $0x10  }
0x2a: {  	[tilespmem:$0x2950] =	vst v0;
	v0 =	vand.u32 $0xFFFF, v3  }
0x2b: {  	[tilespmem:$0x2860] =	vst v0;
	v0 =	vshrl.u32 v3, $0x10  }
0x2c: {  	[tilespmem:$0x2960] =	vst v0;
	v0 =	vand.u32 $0xFFFF, v1  }
0x2d: {  	p0 =	por $0x1, $0x1;
	[tilespmem:$0x2870] =	vst v0;
	v0 =	vshrl.u32 v1, $0x10  }
0x2e: {  	s24 =	simm.s32 @!p0 $0x4;
	[tilespmem:$0x2970] =	vst v0  }
0x2f: {  	[tilespmem:s14], [sflag:$0x1] =	stream.indirect.gather [hbm4b:s4+s12], $0x80, s13, s12, $0xb8;
	[tilespmem:$0x1EA00] =	vst v63  }
0x30: {  	_ =	swait.ge @!p0 [sflag:s24], $0x4000  }
0x31: {  	[sflag:s24] =	ssyncset.done @!p0 $0x0  }
0x32: {  	s31 =	simm.s32 $0x0;
	[sflag:s24] =	ssyncadd.s32 @!p0 $0xFFFFC000  }
0x33: {  	v0 =	vld [tilespmem:s31+$0x80];
	_ =	sdelay $0x4  }
0x34: {  	v1 =	vand.u32 $0xFFFF, v0  }
0x35: {  	v0 =	vshrl.u32 v0, $0x10;
	[tilespmem:$0x2880] =	vst v1  }
0x36: {  	[tilespmem:$0x2980] =	vst v0  }
0x37: {  	v0 =	vld [tilespmem:s31+$0x90];
	_ =	sdelay $0x4  }
0x38: {  	v1 =	vand.u32 $0xFFFF, v0  }
0x39: {  	v0 =	vshrl.u32 v0, $0x10;
	[tilespmem:$0x2890] =	vst v1  }
0x3a: {  	[tilespmem:$0x2990] =	vst v0  }
0x3b: {  	v0 =	vld [tilespmem:s31+$0xA0];
	_ =	sdelay $0x4  }
0x3c: {  	v1 =	vand.u32 $0xFFFF, v0  }
0x3d: {  	v0 =	vshrl.u32 v0, $0x10;
	[tilespmem:$0x28A0] =	vst v1  }
0x3e: {  	[tilespmem:$0x29A0] =	vst v0  }
0x3f: {  	v0 =	vld [tilespmem:s31+$0xB0];
	_ =	sdelay $0x4  }
0x40: {  	v1 =	vand.u32 $0xFFFF, v0  }
0x41: {  	v0 =	vshrl.u32 v0, $0x10;
	[tilespmem:$0x28B0] =	vst v1  }
0x42: {  	[tilespmem:$0x29B0] =	vst v0  }
0x43: {  	v0 =	vld [tilespmem:s31+$0xC0];
	_ =	sdelay $0x4  }
0x44: {  	v1 =	vand.u32 $0xFFFF, v0  }
0x45: {  	v0 =	vshrl.u32 v0, $0x10;
	[tilespmem:$0x28C0] =	vst v1  }
0x46: {  	[tilespmem:$0x29C0] =	vst v0  }
0x47: {  	v0 =	vld [tilespmem:s31+$0xD0];
	_ =	sdelay $0x4  }
0x48: {  	v1 =	vand.u32 $0xFFFF, v0  }
0x49: {  	v0 =	vshrl.u32 v0, $0x10;
	[tilespmem:$0x28D0] =	vst v1  }
0x4a: {  	[tilespmem:$0x29D0] =	vst v0  }
0x4b: {  	v0 =	vld [tilespmem:s31+$0xE0];
	_ =	sdelay $0x4  }
0x4c: {  	v1 =	vand.u32 $0xFFFF, v0  }
0x4d: {  	v0 =	vshrl.u32 v0, $0x10;
	[tilespmem:$0x28E0] =	vst v1  }
0x4e: {  	[tilespmem:$0x29E0] =	vst v0  }
0x4f: {  	v0 =	vld [tilespmem:s31+$0xF0];
	_ =	sdelay $0x4  }
0x50: {  	v1 =	vand.u32 $0xFFFF, v0  }
0x51: {  	v0 =	vshrl.u32 v0, $0x10;
	[tilespmem:$0x28F0] =	vst v1  }
0x52: {  	[tilespmem:$0x29F0] =	vst v0  }
0x53: {  	[tilespmem:s16], [sflag:$0x2] =	stream.indirect.gather [hbm4b:s4+s12], $0x80, s15, s12, $0xb8;
	[tilespmem:$0x1EA00] =	vst v63  }
0x54: {  	_ =	swait.ge [sflag:s17], $0x4000  }
0x55: {  	[sflag:s17] =	ssyncset.done $0x0  }
0x56: {  	[sflag:s17] =	ssyncadd.s32 $0xFFFFC000  }
0x57: {  	[spmem:s2] =	stream.indirect.scatter.add.f32 [tilespmem:s14], [sflag:$0x3], $0x80, s18, s12, $0xb8;
	[tilespmem:$0x1EA00] =	vst v63  }
0x58: {  	_ =	swait.ge [sflag:s19], $0x4000  }
0x59: {  	p1 =	por $0x0, $0x0;
	[sflag:s19] =	ssyncset.done $0x0  }
0x5a: {  	s26 =	simm.s32 @!p1 $0x0;
	[sflag:s19] =	ssyncadd.s32 $0xFFFFC000  }
0x5b: {  	v0 =	vld @!p1 [tilespmem:s26+$0x100];
	_ =	sdelay $0x4  }
0x5c: {  	v1 =	vand.u32 @!p1 $0xFFFF, v0  }
0x5d: {  	v0 =	vshrl.u32 @!p1 v0, $0x10;
	[tilespmem:$0x2800] =	vst @!p1 v1  }
0x5e: {  	[tilespmem:$0x2900] =	vst @!p1 v0  }
0x5f: {  	v0 =	vld @!p1 [tilespmem:s26+$0x110];
	_ =	sdelay $0x4  }
0x60: {  	v1 =	vand.u32 @!p1 $0xFFFF, v0  }
0x61: {  	v0 =	vshrl.u32 @!p1 v0, $0x10;
	[tilespmem:$0x2810] =	vst @!p1 v1  }
0x62: {  	[tilespmem:$0x2910] =	vst @!p1 v0  }
0x63: {  	v0 =	vld @!p1 [tilespmem:s26+$0x120];
	_ =	sdelay $0x4  }
0x64: {  	v1 =	vand.u32 @!p1 $0xFFFF, v0  }
0x65: {  	v0 =	vshrl.u32 @!p1 v0, $0x10;
	[tilespmem:$0x2820] =	vst @!p1 v1  }
0x66: {  	[tilespmem:$0x2920] =	vst @!p1 v0  }
0x67: {  	v0 =	vld @!p1 [tilespmem:s26+$0x130];
	_ =	sdelay $0x4  }
0x68: {  	v1 =	vand.u32 @!p1 $0xFFFF, v0  }
0x69: {  	v0 =	vshrl.u32 @!p1 v0, $0x10;
	[tilespmem:$0x2830] =	vst @!p1 v1  }
0x6a: {  	[tilespmem:$0x2930] =	vst @!p1 v0  }
0x6b: {  	v0 =	vld @!p1 [tilespmem:s26+$0x140];
	_ =	sdelay $0x4  }
0x6c: {  	v1 =	vand.u32 @!p1 $0xFFFF, v0  }
0x6d: {  	v0 =	vshrl.u32 @!p1 v0, $0x10;
	[tilespmem:$0x2840] =	vst @!p1 v1  }
0x6e: {  	[tilespmem:$0x2940] =	vst @!p1 v0  }
0x6f: {  	v0 =	vld @!p1 [tilespmem:s26+$0x150];
	_ =	sdelay $0x4  }
0x70: {  	v1 =	vand.u32 @!p1 $0xFFFF, v0  }
0x71: {  	v0 =	vshrl.u32 @!p1 v0, $0x10;
	[tilespmem:$0x2850] =	vst @!p1 v1  }
0x72: {  	[tilespmem:$0x2950] =	vst @!p1 v0  }
0x73: {  	s24 =	simm.s32 $0x400;
	v0 =	vld @!p1 [tilespmem:s26+$0x160]  }
.LBB2_2:
0x74: {  	_ =	sdelay $0x1  }
0x75: {  	s25 =	smov.u32 s24;
	s24 =	sadd.s32 $0x400, s24  }
0x76: {  	p0 =	sne.s32 s24, $0xA000  }
0x77: {  	v1 =	vand.u32 @!p1 $0xFFFF, v0;
	v0 =	vshrl.u32 @!p1 v0, $0x10  }
0x78: {  	[tilespmem:$0x2860] =	vst @!p1 v1  }
0x79: {  	[tilespmem:$0x2960] =	vst @!p1 v0  }
0x7a: {  	v0 =	vld @!p1 [tilespmem:s26+$0x170];
	_ =	sdelay $0x4  }
0x7b: {  	v1 =	vand.u32 @!p1 $0xFFFF, v0;
	v0 =	vshrl.u32 @!p1 v0, $0x10  }
0x7c: {  	[tilespmem:$0x2870] =	vst @!p1 v1  }
0x7d: {  	s28 =	simm.s32 @!p1 $0x2800;
	s29 =	simm.s32 @!p1 $0x2A00;
	s26 =	simm.s32 @!p1 $0x80;
	[tilespmem:$0x2970] =	vst @!p1 v0  }
0x7e: {  	[tilespmem:s29], [sflag:$0x1] =	stream.indirect.gather @!p1 [hbm4b:s4+s26], $0x80, s28, s26, $0xb8;
	[tilespmem:$0x1EA00] =	vst v63  }
0x7f: {  	_ =	swait.ge [sflag:s20], $0x4000  }
0x80: {  	p1 =	seq.s32 s25, $0x0;
	[sflag:s20] =	ssyncset.done $0x0  }
0x81: {  	s26 =	simm.s32 @!p1 $0x4;
	[sflag:s20] =	ssyncadd.s32 $0xFFFFC000  }
0x82: {  	[spmem:s2] =	stream.indirect.scatter.add.f32 [tilespmem:s16], [sflag:$0x4], $0x80, s21, s12, $0xb8;
	[tilespmem:$0x1EA00] =	vst v63  }
0x83: {  	_ =	swait.ge @!p1 [sflag:s26], $0x4000  }
0x84: {  	[sflag:s26] =	ssyncset.done @!p1 $0x0  }
0x85: {  	[sflag:s26] =	ssyncadd.s32 @!p1 $0xFFFFC000;
	s26 =	sshra.s32 s25, $0x2  }
0x86: {  	v0 =	vld [tilespmem:s26+$0x80];
	_ =	sdelay $0x4  }
0x87: {  	v1 =	vand.u32 $0xFFFF, v0;
	v0 =	vshrl.u32 v0, $0x10  }
0x88: {  	[tilespmem:$0x2880] =	vst v1  }
0x89: {  	[tilespmem:$0x2980] =	vst v0  }
0x8a: {  	v0 =	vld [tilespmem:s26+$0x90];
	_ =	sdelay $0x4  }
0x8b: {  	v1 =	vand.u32 $0xFFFF, v0;
	v0 =	vshrl.u32 v0, $0x10  }
0x8c: {  	[tilespmem:$0x2890] =	vst v1  }
0x8d: {  	[tilespmem:$0x2990] =	vst v0  }
0x8e: {  	v0 =	vld [tilespmem:s26+$0xA0];
	_ =	sdelay $0x4  }
0x8f: {  	v1 =	vand.u32 $0xFFFF, v0;
	v0 =	vshrl.u32 v0, $0x10  }
0x90: {  	[tilespmem:$0x28A0] =	vst v1  }
0x91: {  	[tilespmem:$0x29A0] =	vst v0  }
0x92: {  	v0 =	vld [tilespmem:s26+$0xB0];
	_ =	sdelay $0x4  }
0x93: {  	v1 =	vand.u32 $0xFFFF, v0;
	v0 =	vshrl.u32 v0, $0x10  }
0x94: {  	[tilespmem:$0x28B0] =	vst v1  }
0x95: {  	[tilespmem:$0x29B0] =	vst v0  }
0x96: {  	v0 =	vld [tilespmem:s26+$0xC0];
	_ =	sdelay $0x4  }
0x97: {  	v1 =	vand.u32 $0xFFFF, v0;
	v0 =	vshrl.u32 v0, $0x10  }
0x98: {  	[tilespmem:$0x28C0] =	vst v1  }
0x99: {  	[tilespmem:$0x29C0] =	vst v0  }
0x9a: {  	v0 =	vld [tilespmem:s26+$0xD0];
	_ =	sdelay $0x4  }
0x9b: {  	v1 =	vand.u32 $0xFFFF, v0;
	v0 =	vshrl.u32 v0, $0x10  }
0x9c: {  	[tilespmem:$0x28D0] =	vst v1  }
0x9d: {  	[tilespmem:$0x29D0] =	vst v0  }
0x9e: {  	v0 =	vld [tilespmem:s26+$0xE0];
	_ =	sdelay $0x4  }
0x9f: {  	v1 =	vand.u32 $0xFFFF, v0;
	v0 =	vshrl.u32 v0, $0x10  }
0xa0: {  	[tilespmem:$0x28E0] =	vst v1  }
0xa1: {  	[tilespmem:$0x29E0] =	vst v0  }
0xa2: {  	v0 =	vld [tilespmem:s26+$0xF0];
	_ =	sdelay $0x4  }
0xa3: {  	v1 =	vand.u32 $0xFFFF, v0;
	v0 =	vshrl.u32 v0, $0x10  }
0xa4: {  	[tilespmem:$0x28F0] =	vst v1  }
0xa5: {  	[tilespmem:$0x29F0] =	vst v0  }
0xa6: {  	[tilespmem:s16], [sflag:$0x2] =	stream.indirect.gather [hbm4b:s4+s12], $0x80, s15, s12, $0xb8;
	[tilespmem:$0x1EA00] =	vst v63  }
0xa7: {  	_ =	swait.ge [sflag:s17], $0x4000  }
0xa8: {  	[sflag:s17] =	ssyncset.done $0x0  }
0xa9: {  	[sflag:s17] =	ssyncadd.s32 $0xFFFFC000  }
0xaa: {  	[spmem:s2] =	stream.indirect.scatter.add.f32 [tilespmem:s14], [sflag:$0x3], $0x80, s18, s12, $0xb8;
	[tilespmem:$0x1EA00] =	vst v63  }
0xab: {  	_ =	swait.ge [sflag:s19], $0x4000  }
0xac: {  	p1 =	seq.s32 s25, $0x9C00;
	[sflag:s19] =	ssyncset.done $0x0  }
0xad: {  	s26 =	sshra.s32 @!p1 s25, $0x2;
	[sflag:s19] =	ssyncadd.s32 $0xFFFFC000  }
0xae: {  	v0 =	vld @!p1 [tilespmem:s26+$0x100];
	_ =	sdelay $0x4  }
0xaf: {  	v1 =	vand.u32 @!p1 $0xFFFF, v0;
	v0 =	vshrl.u32 @!p1 v0, $0x10  }
0xb0: {  	[tilespmem:$0x2800] =	vst @!p1 v1  }
0xb1: {  	[tilespmem:$0x2900] =	vst @!p1 v0  }
0xb2: {  	v0 =	vld @!p1 [tilespmem:s26+$0x110];
	_ =	sdelay $0x4  }
0xb3: {  	v1 =	vand.u32 @!p1 $0xFFFF, v0;
	v0 =	vshrl.u32 @!p1 v0, $0x10  }
0xb4: {  	[tilespmem:$0x2810] =	vst @!p1 v1  }
0xb5: {  	[tilespmem:$0x2910] =	vst @!p1 v0  }
0xb6: {  	v0 =	vld @!p1 [tilespmem:s26+$0x120];
	_ =	sdelay $0x4  }
0xb7: {  	v1 =	vand.u32 @!p1 $0xFFFF, v0;
	v0 =	vshrl.u32 @!p1 v0, $0x10  }
0xb8: {  	[tilespmem:$0x2820] =	vst @!p1 v1  }
0xb9: {  	[tilespmem:$0x2920] =	vst @!p1 v0  }
0xba: {  	v0 =	vld @!p1 [tilespmem:s26+$0x130];
	_ =	sdelay $0x4  }
0xbb: {  	v1 =	vand.u32 @!p1 $0xFFFF, v0;
	v0 =	vshrl.u32 @!p1 v0, $0x10  }
0xbc: {  	[tilespmem:$0x2830] =	vst @!p1 v1  }
0xbd: {  	[tilespmem:$0x2930] =	vst @!p1 v0  }
0xbe: {  	v0 =	vld @!p1 [tilespmem:s26+$0x140];
	_ =	sdelay $0x4  }
0xbf: {  	v1 =	vand.u32 @!p1 $0xFFFF, v0;
	v0 =	vshrl.u32 @!p1 v0, $0x10  }
0xc0: {  	[tilespmem:$0x2840] =	vst @!p1 v1  }
0xc1: {  	[tilespmem:$0x2940] =	vst @!p1 v0  }
0xc2: {  	v0 =	vld @!p1 [tilespmem:s26+$0x150];
	_ =	sdelay $0x3  }
.Ltmp0:
0xc3: {  	(pc) =	sbr.rel @p0 .LBB2_2-.Ltmp0, $4  }
0xc4: {  	v1 =	vand.u32 @!p1 $0xFFFF, v0;
	v0 =	vshrl.u32 @!p1 v0, $0x10  }
0xc5: {  	[tilespmem:$0x2850] =	vst @!p1 v1  }
0xc6: {  	[tilespmem:$0x2950] =	vst @!p1 v0  }
0xc7: {  	v0 =	vld @!p1 [tilespmem:s26+$0x160]  }
0xc8: {  	_ =	sdelay $0x3  }
0xc9: {  	v1 =	vand.u32 @!p1 $0xFFFF, v0  }
0xca: {  	v0 =	vshrl.u32 @!p1 v0, $0x10;
	[tilespmem:$0x2860] =	vst @!p1 v1  }
0xcb: {  	[tilespmem:$0x2960] =	vst @!p1 v0  }
0xcc: {  	v0 =	vld @!p1 [tilespmem:s26+$0x170];
	_ =	sdelay $0x4  }
0xcd: {  	v1 =	vand.u32 @!p1 $0xFFFF, v0  }
0xce: {  	v0 =	vshrl.u32 @!p1 v0, $0x10;
	[tilespmem:$0x2870] =	vst @!p1 v1  }
0xcf: {  	s24 =	simm.s32 @!p1 $0x80;
	s25 =	simm.s32 @!p1 $0x2800;
	s26 =	simm.s32 @!p1 $0x2A00;
	[tilespmem:$0x2970] =	vst @!p1 v0  }
0xd0: {  	[tilespmem:s26], [sflag:$0x1] =	stream.indirect.gather @!p1 [hbm4b:s4+s24], $0x80, s25, s24, $0xb8;
	[tilespmem:$0x1EA00] =	vst v63  }
0xd1: {  	_ =	swait.ge [sflag:s20], $0x4000  }
0xd2: {  	[sflag:s20] =	ssyncset.done $0x0  }
0xd3: {  	[sflag:s20] =	ssyncadd.s32 $0xFFFFC000  }
0xd4: {  	[spmem:s2] =	stream.indirect.scatter.add.f32 [tilespmem:s16], [sflag:$0x4], $0x80, s21, s12, $0xb8;
	[tilespmem:$0x1EA00] =	vst v63  }
0xd5: {  	_ =	swait.ge [sflag:s22], $0x4000  }
0xd6: {  	s23 =	sadd.s32 $0x1, s23;
	[sflag:s22] =	ssyncset.done $0x0  }
0xd7: {  	p0 =	sne.s32 s23, s9;
	[sflag:s22] =	ssyncadd.s32 $0xFFFFC000  }
.Ltmp1:
0xd8: {  	[bflag:$0x0] =	sbarrier.arrive $0xFFFF;
	(pc) =	sbr.rel @p0 .LBB2_1-.Ltmp1, $4  }
0xd9: {  	[hbm:s8], [sflag:s6] =	dma.local [spmem:s10], $0x2800  }
0xda: {  	_ =	swait.ge [sflag:s11], $0x2800  }
0xdb: {  	[sflag:s11] =	ssyncset.done $0x0  }
0xdc: {  	[sflag:s11] =	ssyncadd.s32 $0xFFFFD800  }
0xdd: {  	_ =	sfence.sel $0x180000  }
0xde: {  	[bflag:$0x0] =	sbarrier.arrive $0xFFFF  }
0xdf: {  	p0 =	sne.s32 s0, $0x0;
	_ =	strace $0x9000004A  }
0xe0: {  	s0 =	sadd.s32 @!p0 $0x100000, s1;
	[bflag:$0x2] =	sbarrier.arrive $0xFFFF  }
0xe1: {  	[sflag:s0] =	ssyncadd.tile.s32 @!p0 $0x1;
	_ =	shalt  }
.Lfunc_end2:
_tile_overlayer_lowered:
.L_overlay_start_2:
0xe2: {  	(tag) =	ssettag $0x2  }
0xe3: {  	s0 =	rddreg [dreg:$0x0];
	s2 =	stileid.u32  }
0xe4: {  	s1 =	rddreg [dreg:$0x1];
	p0 =	sne.s32 s2, $0x0  }
0xe5: {  	s3 =	rddreg [dreg:$0x2];
	[bflag:$0x3] =	sbarrier.arrive $0xFFFF;
	s2 =	simm.s32 @!p0 $0x1C05  }
0xe6: {  	[timem:s3], [sflag:s2] =	dma.local @!p0 [hbm:s0], s1  }
0xe7: {  	s0 =	simm.s32 @!p0 $0x5  }
0xe8: {  	_ =	swait.ge @!p0 [sflag:s0], s1  }
0xe9: {  	s1 =	ssub.s32 @!p0 $0x0, s1;
	[sflag:s0] =	ssyncset.done @!p0 $0x0  }
0xea: {  	[sflag:s0] =	ssyncadd.s32 @!p0 s1  }
0xeb: {  	[bflag:$0x3] =	sbarrier.arrive $0xFFFF  }
0xec: {  	_ =	shalt  }

// kernel: kernel.15.cloned.1.call-start
scs
__scs_entry_jumppad:
0x0: {  	(pc) =	sbr.rel $0x88, $3  }
0x1: {  	(tag) =	ssettag $0x0;
	lr =	simm.s32 $0x1  }
0x2: {  	[smem:$0x3F9B] =	sst lr;
	_ =	strace $0xD0000000  }
0x3: {  	_ = 	snop  }
0x4: {  	_ = 	snop  }
0x5: {  	_ = 	snop  }
0x6: {  	_ = 	snop  }
0x7: {  	_ = 	snop  }
__scs_overlays_trampoline_lowered:
0x8: {  	[smem:$0x3FAA] =	sst s0  }
0x9: {  	[smem:$0x3FAB] =	sst s1  }
0xa: {  	[smem:$0x3FAC] =	sst s2  }
0xb: {  	[smem:$0x3FAD] =	sst s3  }
0xc: {  	[smem:$0x3FAE] =	sst s4  }
0xd: {  	[smem:$0x3FAF] =	sst s5  }
0xe: {  	[smem:$0x3FB0] =	sst s6  }
0xf: {  	[smem:$0x3FB1] =	sst s7  }
0x10: {  	[smem:$0x3FB2] =	sst s8  }
0x11: {  	[smem:$0x3FB3] =	sst s9;
	s0 =	simm.s32 @!p0 $0x0  }
0x12: {  	s1 =	sld [smem:$0x3F99];
	s0 =	simm.s32 @p0 $0x1  }
0x13: {  	[smem:$0x3FB4] =	sst s0;
	s0 =	simm.s32 @!p1 $0x0  }
0x14: {  	s2 =	sld [smem:$0x3F98];
	s0 =	simm.s32 @p1 $0x1  }
0x15: {  	[smem:$0x3FB5] =	sst s0;
	s0 =	simm.s32 @!p2 $0x0  }
0x16: {  	s3 =	sld [smem:$0x3FDB];
	s0 =	simm.s32 @p2 $0x1  }
0x17: {  	s4 =	simm.s32 $0x1BF5;
	[smem:$0x3FB7] =	sst s0  }
0x18: {  	s0 =	sld [smem:$0x3F9A];
	_ =	swait.ge [sflag:s4], $0x0  }
0x19: {  	s7 =	sld [smem:$0x3F9B]  }
0x1a: {  	s8 =	sadd.s32 $0xFFFFE003, lr  }
0x1b: {  	s9 =	sadd.s32 $0xFFFFFEF7, lr;
	s5 =	simm.s32 $0xFFFFFFFF;
	p2 =	slt.u32 s8, $0xFFFFF086  }
0x1c: {  	p1 =	slt.u32 s9, $0xF7A;
	s5 =	simm.s32 @!p2 $0x0  }
0x1d: {  	s5 =	simm.s32 @p1 $0x1;
	p0 =	seq.s32 s7, s2  }
0x1e: {  	s7 =	smul.u32 @!p0 $0xF7A, s2;
	p2 =	seq.s32 @!p0 s5, $0x0  }
0x1f: {  	s9 =	smul.u32 $0xF7A, s1;
	s8 =	simm.s32 @!p0 $0x1BF5;
	p2 =	por !p2, p0  }
0x20: {  	[sflag:s8] =	ssyncset.s32 @!p0 $0xFFFFF086;
	s6 =	sadd.s32 @!p0 s3, s7;
	s7 =	simm.s32 @!p0 $0x108  }
0x21: {  	s3 =	sadd.s32 s3, s9;
	s6 =	sadd.s32 @!p0 $0x88, s6;
	s7 =	simm.s32 @p2 $0x1082  }
0x22: {  	[simem:s7], [sflag:s8] =	dma.local @!p0 [hbm:s6], $0xF7A  }
0x23: {  	s9 =	sor.u32 $0xD0000000, s2;
	s6 =	simm.s32 $0x108;
	_ =	swait.ge @!p0 [sflag:s8], $0x0  }
0x24: {  	s3 =	sadd.s32 $0x88, s3;
	s6 =	simm.s32 @!p1 $0x1082;
	[sflag:s4] =	ssyncset.s32 $0xFFFFF086  }
0x25: {  	[simem:s6], [sflag:s4] =	dma.local [hbm:s3], $0xF7A  }
0x26: {  	[smem:$0x3F9B] =	sst s1;
	(tag) =	ssettag s2;
	_ =	strace s9  }
0x27: {  	s1 =	sld [smem:$0x3FAB]  }
0x28: {  	s2 =	sld [smem:$0x3FAC]  }
0x29: {  	s4 =	sld [smem:$0x3FAE]  }
0x2a: {  	p0 =	seq.s32 s5, $0x0;
	s5 =	sld [smem:$0x3FAF]  }
0x2b: {  	s6 =	sld [smem:$0x3FB0]  }
0x2c: {  	s7 =	sld [smem:$0x3FB1]  }
0x2d: {  	s3 =	simm.s32 $0x108;
	s8 =	sld [smem:$0x3FB2]  }
0x2e: {  	s3 =	simm.s32 @!p0 $0x1082;
	s9 =	sld [smem:$0x3FB3]  }
0x2f: {  	lr =	sadd.s32 s0, s3;
	s0 =	sld [smem:$0x3FAA]  }
0x30: {  	s3 =	sld [smem:$0x3FAD]  }
0x31: {  	[smem:$0x3FB6] =	sst s10  }
0x32: {  	s10 =	sld [smem:$0x3FB4];
	_ =	sdelay $0x3  }
0x33: {  	p0 =	seq.s32 s10, $0x1;
	s10 =	sld [smem:$0x3FB6];
	_ =	sdelay $0x3  }
0x34: {  	[smem:$0x3FB6] =	sst s10  }
0x35: {  	s10 =	sld [smem:$0x3FB5];
	_ =	sdelay $0x3  }
0x36: {  	p1 =	seq.s32 s10, $0x1;
	s10 =	sld [smem:$0x3FB6];
	_ =	sdelay $0x3  }
0x37: {  	[smem:$0x3FB6] =	sst s10  }
0x38: {  	s10 =	sld [smem:$0x3FB7]  }
0x39: {  	_ = 	snop;
	(pc) =	sbr.ind lr, $3  }
0x3a: {  	_ = 	snop  }
0x3b: {  	_ = 	snop  }
0x3c: {  	p2 =	seq.s32 s10, $0x1;
	s10 =	sld [smem:$0x3FB6]  }
0x3d: {  	_ =	shalt  }
0x3e: {  	_ =	shalt  }
0x3f: {  	_ =	shalt  }
0x40: {  	_ =	shalt  }
0x41: {  	_ =	shalt  }
0x42: {  	_ =	shalt  }
0x43: {  	_ =	shalt  }
0x44: {  	_ =	shalt  }
0x45: {  	_ =	shalt  }
0x46: {  	_ =	shalt  }
0x47: {  	_ =	shalt  }
0x48: {  	_ =	shalt  }
0x49: {  	_ =	shalt  }
0x4a: {  	_ =	shalt  }
0x4b: {  	_ =	shalt  }
0x4c: {  	_ =	shalt  }
0x4d: {  	_ =	shalt  }
0x4e: {  	_ =	shalt  }
0x4f: {  	_ =	shalt  }
0x50: {  	_ =	shalt  }
0x51: {  	_ =	shalt  }
0x52: {  	_ =	shalt  }
0x53: {  	_ =	shalt  }
0x54: {  	_ =	shalt  }
0x55: {  	_ =	shalt  }
0x56: {  	_ =	shalt  }
0x57: {  	_ =	shalt  }
0x58: {  	_ =	shalt  }
0x59: {  	_ =	shalt  }
0x5a: {  	_ =	shalt  }
0x5b: {  	_ =	shalt  }
0x5c: {  	_ =	shalt  }
0x5d: {  	_ =	shalt  }
0x5e: {  	_ =	shalt  }
0x5f: {  	_ =	shalt  }
0x60: {  	_ =	shalt  }
0x61: {  	_ =	shalt  }
0x62: {  	_ =	shalt  }
0x63: {  	_ =	shalt  }
0x64: {  	_ =	shalt  }
0x65: {  	_ =	shalt  }
0x66: {  	_ =	shalt  }
0x67: {  	_ =	shalt  }
0x68: {  	_ =	shalt  }
0x69: {  	_ =	shalt  }
0x6a: {  	_ =	shalt  }
0x6b: {  	_ =	shalt  }
0x6c: {  	_ =	shalt  }
0x6d: {  	_ =	shalt  }
0x6e: {  	_ =	shalt  }
0x6f: {  	_ =	shalt  }
0x70: {  	_ =	shalt  }
0x71: {  	_ =	shalt  }
0x72: {  	_ =	shalt  }
0x73: {  	_ =	shalt  }
0x74: {  	_ =	shalt  }
0x75: {  	_ =	shalt  }
0x76: {  	_ =	shalt  }
0x77: {  	_ =	shalt  }
0x78: {  	_ =	shalt  }
0x79: {  	_ =	shalt  }
0x7a: {  	_ =	shalt  }
0x7b: {  	_ =	shalt  }
0x7c: {  	_ =	shalt  }
0x7d: {  	_ =	shalt  }
0x7e: {  	_ =	shalt  }
0x7f: {  	_ =	shalt  }
0x80: {  	_ =	shalt  }
0x81: {  	_ =	shalt  }
0x82: {  	_ =	shalt  }
0x83: {  	_ =	shalt  }
0x84: {  	_ =	shalt  }
0x85: {  	_ =	shalt  }
0x86: {  	_ =	shalt  }
0x87: {  	_ =	shalt  }
.Lfunc_end0:
.L_simem_size_0:
called_computation.2_lowered:
.L_overlay_start_0:
0x88: {  	s2 =	sld [smem:$0x3FD9]  }
0x89: {  	s3 =	sld [smem:$0x3FFE];
	_ =	sdelay $0x1  }
0x8a: {  	s1 =	srdreg.scid  }
0x8b: {  	s0 =	sand.u32 $0x1, s1  }
0x8c: {  	s17 =	sshll.u32 s0, $0xA;
	s2 =	sadd.s32 s3, s2  }
0x8d: {  	s2 =	sadd.s32 s2, s17  }
0x8e: {  	[smem:$0x3FC2] =	sst s2  }
0x8f: {  	_ = 	snop  }
0x90: {  	s2 =	sld [smem:$0x3FD0];
	(tm) =	ssettm $0x1  }
0x91: {  	s18 =	sld [smem:$0x3FFB];
	_ =	sdelay $0x3  }
0x92: {  	_ =	strace s18  }
0x93: {  	s3 =	sld [smem:$0x3FFC];
	_ =	sdelay $0x3  }
0x94: {  	_ =	strace s3  }
0x95: {  	s3 =	sld [smem:$0x3FFD];
	_ =	sdelay $0x3  }
0x96: {  	_ =	strace s3  }
0x97: {  	_ =	strace $0x8FFFFFFF  }
0x98: {  	s19 =	sld [smem:$0x3FDB];
	_ =	sdelay $0x1  }
0x99: {  	s4 =	simm.s32 $_scs_section_size  }
0x9a: {  	s5 =	simm.s32 $_size__tile_overlayer_lowered;
	s6 =	simm.s32 $_tile_overlayer_lowered  }
0x9b: {  	s22 =	simm.s32 $0x1BFF;
	s21 =	sshll.u32 s6, $0x1;
	s3 =	sadd.s32 s4, s19  }
0x9c: {  	s7 =	simm.s32 $0x0;
	s20 =	sshll.u32 s5, $0x1;
	s5 =	sadd.s32 s21, s3  }
0x9d: {  	[timem:s7], [sflag:s22] =	dma.local [hbm:s5], s20  }
0x9e: {  	_ =	swait.ge [sflag:s22], s20  }
0x9f: {  	s4 =	ssub.s32 $0x0, s20;
	[sflag:s22] =	ssyncset.done $0x0  }
0xa0: {  	[sflag:s22] =	ssyncadd.s32 s4;
	_ =	sdelay $0x1  }
0xa1: {  	s23 =	simm.s32 $0x1B8B  }
0xa2: {  	_ =	swait.ge [sflag:s23], $0x1  }
0xa3: {  	[sflag:s23] =	ssyncset.done $0x0  }
0xa4: {  	s25 =	simm.s32 $0x1B8E;
	s24 =	sld [smem:$0x3FFE];
	[sflag:s23] =	ssyncadd.s32 $0xFFFFFFFF  }
0xa5: {  	s26 =	simm.s32 $execute0_lowered;
	[smem:$0x3FD2] =	sst s25  }
0xa6: {  	s5 =	sshll.u32 s26, $0x1;
	_ =	strace $0x8000004C;
	[dreg:$0x1] =	wrdreg $0xFFFFFFFF  }
0xa7: {  	s28 =	simm.s32 $_size_execute0_lowered;
	s3 =	sadd.s32 s3, s5;
	[dreg:$0x0] =	wrdreg $0x0  }
0xa8: {  	s5 =	sshll.u32 s28, $0x1;
	[dreg:$0x2] =	wrdreg s3  }
0xa9: {  	[dreg:$0x3] =	wrdreg s5  }
0xaa: {  	[dreg:$0x4] =	wrdreg $0xC0  }
0xab: {  	_ =	task [dreg:s7], $0x5FFFF  }
0xac: {  	[dreg:$0x1] =	wrdreg $0xFFFFFFFF  }
0xad: {  	[dreg:$0x0] =	wrdreg $0x60  }
0xae: {  	[dreg:$0x2] =	wrdreg s24  }
0xaf: {  	[dreg:$0x3] =	wrdreg s2  }
0xb0: {  	[dreg:$0x4] =	wrdreg $0xAA000  }
0xb1: {  	[dreg:$0x5] =	wrdreg $0x9  }
0xb2: {  	_ =	task.clear_ibuf [dreg:s7], $0x6FFFF;
	_ =	strace $0x9000004C  }
0xb3: {  	s29 =	simm.s32 $0x9;
	_ =	strace $0x8000004E  }
0xb4: {  	_ =	swait.ge [sflag:s29], $0x1  }
0xb5: {  	[sflag:s29] =	ssyncadd.s32 $0xFFFFFFFF  }
0xb6: {  	_ =	strace $0x9000004E  }
0xb7: {  	_ =	sfence  }
0xb8: {  	s30 =	sld [smem:$0x0];
	_ =	sdelay $0x2  }
0xb9: {  	s31 =	sshll.u32 s1, $0xD;
	s1 =	sshrl.u32 s1, $0x2  }
0xba: {  	s3 =	sand.u32 $0x4000, s31;
	s1 =	sadd.s32 s1, s30  }
0xbb: {  	s0 =	sor.u32 s3, s0;
	s1 =	sshll.u32 s1, $0x11  }
0xbc: {  	s0 =	sor.u32 s1, s0  }
0xbd: {  	s0 =	sadd.s32 $0x8F2B, s0  }
0xbe: {  	[sflag:s0] =	ssyncadd.remote.s32 $0x1  }
0xbf: {  	_ =	sfence.sel $0xFFFF  }
0xc0: {  	[dreg:$0x0] =	wrdreg $0xFFFFFFFF;
	(pc) =	sbr.abs _section_cstart, $3  }
0xc1: {  	[dreg:$0x1] =	wrdreg $0xFFFFFFFF  }
0xc2: {  	_ =	task.clear_ibuf [dreg:s7], $0x2FFFF;
	_ =	strace $0x9FFFFFFF  }
0xc3: {  	(tm) =	ssettm $0x7FFFFFFF  }
tec
execute0_lowered:
.L_overlay_start_1:
0x0: {  	(tag) =	ssettag $0x1  }
0x1: {  	s5 =	rddreg [dreg:$0x0]  }
0x2: {  	s7 =	rddreg [dreg:$0x1]  }
0x3: {  	s2 =	rddreg [dreg:$0x2]  }
0x4: {  	s0 =	srdreg.scid;
	s1 =	rddreg [dreg:$0x3];
	s3 =	simm.s32 $0x0  }
0x5: {  	s13 =	simm.s32 $0x2800;
	s14 =	simm.s32 $0x2A00;
	s15 =	simm.s32 $0x2880  }
0x6: {  	s16 =	simm.s32 $0x6A00;
	s17 =	simm.s32 $0x1;
	s18 =	simm.s32 $0x2900  }
0x7: {  	s19 =	simm.s32 $0x3;
	s20 =	simm.s32 $0x2;
	s21 =	simm.s32 $0x2980  }
0x8: {  	s22 =	simm.s32 $0x4;
	s6 =	sand.u32 $0x1, s0;
	s0 =	stileid.u32  }
0x9: {  	s23 =	simm.s32 $0x0;
	[smem:$0x7FF] =	sst s3;
	s4 =	smul.u32 $0x2800, s6  }
0xa: {  	s8 =	smul.u32 $0x280, s0;
	_ =	strace $0x8000004D;
	s9 =	ssub.s32 $0x2, s6  }
0xb: {  	s10 =	smul.u32 $0x50000, s0;
	s6 =	sshll.u32 s6, $0x4;
	s31 =	sshll.u32 s0, $0x6  }
0xc: {  	s28 =	sshrl.u32 s9, $0x1;
	s6 =	sor.u32 s0, s6;
	s8 =	sadd.s32 s8, s4  }
0xd: {  	s4 =	sadd.s32 $0x2000, s5;
	s9 =	ssub.s32 s9, s28;
	s29 =	sshrl.u32 s10, $0x2  }
0xe: {  	s30 =	smul.u32 $0x500, s6;
	s6 =	sor.u32 $0x1C05, s31;
	s8 =	sshll.u32 s8, $0x4  }
0xf: {  	s12 =	sadd.s32 s29, s2;
	s9 =	smax.u32 s9, $0x1;
	s11 =	sadd.s32 s8, s5  }
0x10: {  	s5 =	sadd.s32 s4, s8;
	s7 =	sadd.s32 s7, s30;
	s10 =	sshrl.u32 s12, $0x3  }
0x11: {  	s12 =	simm.s32 $0x80;
	s8 =	sadd.s32 $0x52000, s11;
	s11 =	simm.s32 $0x5  }
.LBB2_1:
0x12: {  	[spmem:s10], [sflag:s6] =	dma.local [hbm:s5], $0x2800  }
0x13: {  	_ =	swait.ge [sflag:s11], $0x2800  }
0x14: {  	[sflag:s11] =	ssyncset.done $0x0  }
0x15: {  	[sflag:s11] =	ssyncadd.s32 $0xFFFFD800  }
0x16: {  	[tilespmem:s3], [sflag:$0x5] =	stream.linear.gather [hbm4b:s7+s3], $0x2800, $0x38;
	[tilespmem:$0x1EA00] =	vst v63  }
0x17: {  	_ =	swait.ge [sflag:s11], $0x2800  }
0x18: {  	[sflag:s11] =	ssyncset.done $0x0  }
0x19: {  	[sflag:s11] =	ssyncadd.s32 $0xFFFFD800  }
0x1a: {  	[bflag:$0x0] =	sbarrier.arrive $0xFFFF  }
0x1b: {  	v0 =	vld [tilespmem:$0x0];
	_ =	sdelay $0x1  }
0x1c: {  	v1 =	vld [tilespmem:$0x10];
	_ =	sdelay $0x1  }
0x1d: {  	v2 =	vld [tilespmem:$0x20]  }
0x1e: {  	v3 =	vand.u32 $0xFFFF, v0  }
0x1f: {  	v0 =	vshrl.u32 v0, $0x10;
	[tilespmem:$0x2800] =	vst v3;
	v3 =	vld [tilespmem:$0x30]  }
0x20: {  	[tilespmem:$0x2900] =	vst v0;
	v0 =	vand.u32 $0xFFFF, v1  }
0x21: {  	[tilespmem:$0x2810] =	vst v0;
	v0 =	vshrl.u32 v1, $0x10;
	v1 =	vld [tilespmem:$0x40]  }
0x22: {  	[tilespmem:$0x2910] =	vst v0;
	v0 =	vand.u32 $0xFFFF, v2  }
0x23: {  	[tilespmem:$0x2820] =	vst v0;
	v0 =	vshrl.u32 v2, $0x10;
	v2 =	vld [tilespmem:$0x50]  }
0x24: {  	[tilespmem:$0x2920] =	vst v0;
	v0 =	vand.u32 $0xFFFF, v3  }
0x25: {  	[tilespmem:$0x2830] =	vst v0;
	v0 =	vshrl.u32 v3, $0x10;
	v3 =	vld [tilespmem:$0x60]  }
0x26: {  	[tilespmem:$0x2930] =	vst v0;
	v0 =	vand.u32 $0xFFFF, v1  }
0x27: {  	[tilespmem:$0x2840] =	vst v0;
	v0 =	vshrl.u32 v1, $0x10;
	v1 =	vld [tilespmem:$0x70]  }
0x28: {  	[tilespmem:$0x2940] =	vst v0;
	v0 =	vand.u32 $0xFFFF, v2  }
0x29: {  	[tilespmem:$0x2850] =	vst v0;
	v0 =	vshrl.u32 v2, $0x10  }
0x2a: {  	[tilespmem:$0x2950] =	vst v0;
	v0 =	vand.u32 $0xFFFF, v3  }
0x2b: {  	[tilespmem:$0x2860] =	vst v0;
	v0 =	vshrl.u32 v3, $0x10  }
0x2c: {  	[tilespmem:$0x2960] =	vst v0;
	v0 =	vand.u32 $0xFFFF, v1  }
0x2d: {  	p0 =	por $0x1, $0x1;
	[tilespmem:$0x2870] =	vst v0;
	v0 =	vshrl.u32 v1, $0x10  }
0x2e: {  	s24 =	simm.s32 @!p0 $0x4;
	[tilespmem:$0x2970] =	vst v0  }
0x2f: {  	[tilespmem:s14], [sflag:$0x1] =	stream.indirect.gather [hbm4b:s4+s12], $0x80, s13, s12, $0xb8;
	[tilespmem:$0x1EA00] =	vst v63  }
0x30: {  	_ =	swait.ge @!p0 [sflag:s24], $0x4000  }
0x31: {  	[sflag:s24] =	ssyncset.done @!p0 $0x0  }
0x32: {  	s31 =	simm.s32 $0x0;
	[sflag:s24] =	ssyncadd.s32 @!p0 $0xFFFFC000  }
0x33: {  	v0 =	vld [tilespmem:s31+$0x80];
	_ =	sdelay $0x4  }
0x34: {  	v1 =	vand.u32 $0xFFFF, v0  }
0x35: {  	v0 =	vshrl.u32 v0, $0x10;
	[tilespmem:$0x2880] =	vst v1  }
0x36: {  	[tilespmem:$0x2980] =	vst v0  }
0x37: {  	v0 =	vld [tilespmem:s31+$0x90];
	_ =	sdelay $0x4  }
0x38: {  	v1 =	vand.u32 $0xFFFF, v0  }
0x39: {  	v0 =	vshrl.u32 v0, $0x10;
	[tilespmem:$0x2890] =	vst v1  }
0x3a: {  	[tilespmem:$0x2990] =	vst v0  }
0x3b: {  	v0 =	vld [tilespmem:s31+$0xA0];
	_ =	sdelay $0x4  }
0x3c: {  	v1 =	vand.u32 $0xFFFF, v0  }
0x3d: {  	v0 =	vshrl.u32 v0, $0x10;
	[tilespmem:$0x28A0] =	vst v1  }
0x3e: {  	[tilespmem:$0x29A0] =	vst v0  }
0x3f: {  	v0 =	vld [tilespmem:s31+$0xB0];
	_ =	sdelay $0x4  }
0x40: {  	v1 =	vand.u32 $0xFFFF, v0  }
0x41: {  	v0 =	vshrl.u32 v0, $0x10;
	[tilespmem:$0x28B0] =	vst v1  }
0x42: {  	[tilespmem:$0x29B0] =	vst v0  }
0x43: {  	v0 =	vld [tilespmem:s31+$0xC0];
	_ =	sdelay $0x4  }
0x44: {  	v1 =	vand.u32 $0xFFFF, v0  }
0x45: {  	v0 =	vshrl.u32 v0, $0x10;
	[tilespmem:$0x28C0] =	vst v1  }
0x46: {  	[tilespmem:$0x29C0] =	vst v0  }
0x47: {  	v0 =	vld [tilespmem:s31+$0xD0];
	_ =	sdelay $0x4  }
0x48: {  	v1 =	vand.u32 $0xFFFF, v0  }
0x49: {  	v0 =	vshrl.u32 v0, $0x10;
	[tilespmem:$0x28D0] =	vst v1  }
0x4a: {  	[tilespmem:$0x29D0] =	vst v0  }
0x4b: {  	v0 =	vld [tilespmem:s31+$0xE0];
	_ =	sdelay $0x4  }
0x4c: {  	v1 =	vand.u32 $0xFFFF, v0  }
0x4d: {  	v0 =	vshrl.u32 v0, $0x10;
	[tilespmem:$0x28E0] =	vst v1  }
0x4e: {  	[tilespmem:$0x29E0] =	vst v0  }
0x4f: {  	v0 =	vld [tilespmem:s31+$0xF0];
	_ =	sdelay $0x4  }
0x50: {  	v1 =	vand.u32 $0xFFFF, v0  }
0x51: {  	v0 =	vshrl.u32 v0, $0x10;
	[tilespmem:$0x28F0] =	vst v1  }
0x52: {  	[tilespmem:$0x29F0] =	vst v0  }
0x53: {  	[tilespmem:s16], [sflag:$0x2] =	stream.indirect.gather [hbm4b:s4+s12], $0x80, s15, s12, $0xb8;
	[tilespmem:$0x1EA00] =	vst v63  }
0x54: {  	_ =	swait.ge [sflag:s17], $0x4000  }
0x55: {  	[sflag:s17] =	ssyncset.done $0x0  }
0x56: {  	[sflag:s17] =	ssyncadd.s32 $0xFFFFC000  }
0x57: {  	[spmem:s2] =	stream.indirect.scatter.add.f32 [tilespmem:s14], [sflag:$0x3], $0x80, s18, s12, $0xb8;
	[tilespmem:$0x1EA00] =	vst v63  }
0x58: {  	_ =	swait.ge [sflag:s19], $0x4000  }
0x59: {  	p1 =	por $0x0, $0x0;
	[sflag:s19] =	ssyncset.done $0x0  }
0x5a: {  	s26 =	simm.s32 @!p1 $0x0;
	[sflag:s19] =	ssyncadd.s32 $0xFFFFC000  }
0x5b: {  	v0 =	vld @!p1 [tilespmem:s26+$0x100];
	_ =	sdelay $0x4  }
0x5c: {  	v1 =	vand.u32 @!p1 $0xFFFF, v0  }
0x5d: {  	v0 =	vshrl.u32 @!p1 v0, $0x10;
	[tilespmem:$0x2800] =	vst @!p1 v1  }
0x5e: {  	[tilespmem:$0x2900] =	vst @!p1 v0  }
0x5f: {  	v0 =	vld @!p1 [tilespmem:s26+$0x110];
	_ =	sdelay $0x4  }
0x60: {  	v1 =	vand.u32 @!p1 $0xFFFF, v0  }
0x61: {  	v0 =	vshrl.u32 @!p1 v0, $0x10;
	[tilespmem:$0x2810] =	vst @!p1 v1  }
0x62: {  	[tilespmem:$0x2910] =	vst @!p1 v0  }
0x63: {  	v0 =	vld @!p1 [tilespmem:s26+$0x120];
	_ =	sdelay $0x4  }
0x64: {  	v1 =	vand.u32 @!p1 $0xFFFF, v0  }
0x65: {  	v0 =	vshrl.u32 @!p1 v0, $0x10;
	[tilespmem:$0x2820] =	vst @!p1 v1  }
0x66: {  	[tilespmem:$0x2920] =	vst @!p1 v0  }
0x67: {  	v0 =	vld @!p1 [tilespmem:s26+$0x130];
	_ =	sdelay $0x4  }
0x68: {  	v1 =	vand.u32 @!p1 $0xFFFF, v0  }
0x69: {  	v0 =	vshrl.u32 @!p1 v0, $0x10;
	[tilespmem:$0x2830] =	vst @!p1 v1  }
0x6a: {  	[tilespmem:$0x2930] =	vst @!p1 v0  }
0x6b: {  	v0 =	vld @!p1 [tilespmem:s26+$0x140];
	_ =	sdelay $0x4  }
0x6c: {  	v1 =	vand.u32 @!p1 $0xFFFF, v0  }
0x6d: {  	v0 =	vshrl.u32 @!p1 v0, $0x10;
	[tilespmem:$0x2840] =	vst @!p1 v1  }
0x6e: {  	[tilespmem:$0x2940] =	vst @!p1 v0  }
0x6f: {  	v0 =	vld @!p1 [tilespmem:s26+$0x150];
	_ =	sdelay $0x4  }
0x70: {  	v1 =	vand.u32 @!p1 $0xFFFF, v0  }
0x71: {  	v0 =	vshrl.u32 @!p1 v0, $0x10;
	[tilespmem:$0x2850] =	vst @!p1 v1  }
0x72: {  	[tilespmem:$0x2950] =	vst @!p1 v0  }
0x73: {  	s24 =	simm.s32 $0x400;
	v0 =	vld @!p1 [tilespmem:s26+$0x160]  }
.LBB2_2:
0x74: {  	_ =	sdelay $0x1  }
0x75: {  	s25 =	smov.u32 s24;
	s24 =	sadd.s32 $0x400, s24  }
0x76: {  	p0 =	sne.s32 s24, $0xA000  }
0x77: {  	v1 =	vand.u32 @!p1 $0xFFFF, v0;
	v0 =	vshrl.u32 @!p1 v0, $0x10  }
0x78: {  	[tilespmem:$0x2860] =	vst @!p1 v1  }
0x79: {  	[tilespmem:$0x2960] =	vst @!p1 v0  }
0x7a: {  	v0 =	vld @!p1 [tilespmem:s26+$0x170];
	_ =	sdelay $0x4  }
0x7b: {  	v1 =	vand.u32 @!p1 $0xFFFF, v0;
	v0 =	vshrl.u32 @!p1 v0, $0x10  }
0x7c: {  	[tilespmem:$0x2870] =	vst @!p1 v1  }
0x7d: {  	s28 =	simm.s32 @!p1 $0x2800;
	s29 =	simm.s32 @!p1 $0x2A00;
	s26 =	simm.s32 @!p1 $0x80;
	[tilespmem:$0x2970] =	vst @!p1 v0  }
0x7e: {  	[tilespmem:s29], [sflag:$0x1] =	stream.indirect.gather @!p1 [hbm4b:s4+s26], $0x80, s28, s26, $0xb8;
	[tilespmem:$0x1EA00] =	vst v63  }
0x7f: {  	_ =	swait.ge [sflag:s20], $0x4000  }
0x80: {  	p1 =	seq.s32 s25, $0x0;
	[sflag:s20] =	ssyncset.done $0x0  }
0x81: {  	s26 =	simm.s32 @!p1 $0x4;
	[sflag:s20] =	ssyncadd.s32 $0xFFFFC000  }
0x82: {  	[spmem:s2] =	stream.indirect.scatter.add.f32 [tilespmem:s16], [sflag:$0x4], $0x80, s21, s12, $0xb8;
	[tilespmem:$0x1EA00] =	vst v63  }
0x83: {  	_ =	swait.ge @!p1 [sflag:s26], $0x4000  }
0x84: {  	[sflag:s26] =	ssyncset.done @!p1 $0x0  }
0x85: {  	[sflag:s26] =	ssyncadd.s32 @!p1 $0xFFFFC000;
	s26 =	sshra.s32 s25, $0x2  }
0x86: {  	v0 =	vld [tilespmem:s26+$0x80];
	_ =	sdelay $0x4  }
0x87: {  	v1 =	vand.u32 $0xFFFF, v0;
	v0 =	vshrl.u32 v0, $0x10  }
0x88: {  	[tilespmem:$0x2880] =	vst v1  }
0x89: {  	[tilespmem:$0x2980] =	vst v0  }
0x8a: {  	v0 =	vld [tilespmem:s26+$0x90];
	_ =	sdelay $0x4  }
0x8b: {  	v1 =	vand.u32 $0xFFFF, v0;
	v0 =	vshrl.u32 v0, $0x10  }
0x8c: {  	[tilespmem:$0x2890] =	vst v1  }
0x8d: {  	[tilespmem:$0x2990] =	vst v0  }
0x8e: {  	v0 =	vld [tilespmem:s26+$0xA0];
	_ =	sdelay $0x4  }
0x8f: {  	v1 =	vand.u32 $0xFFFF, v0;
	v0 =	vshrl.u32 v0, $0x10  }
0x90: {  	[tilespmem:$0x28A0] =	vst v1  }
0x91: {  	[tilespmem:$0x29A0] =	vst v0  }
0x92: {  	v0 =	vld [tilespmem:s26+$0xB0];
	_ =	sdelay $0x4  }
0x93: {  	v1 =	vand.u32 $0xFFFF, v0;
	v0 =	vshrl.u32 v0, $0x10  }
0x94: {  	[tilespmem:$0x28B0] =	vst v1  }
0x95: {  	[tilespmem:$0x29B0] =	vst v0  }
0x96: {  	v0 =	vld [tilespmem:s26+$0xC0];
	_ =	sdelay $0x4  }
0x97: {  	v1 =	vand.u32 $0xFFFF, v0;
	v0 =	vshrl.u32 v0, $0x10  }
0x98: {  	[tilespmem:$0x28C0] =	vst v1  }
0x99: {  	[tilespmem:$0x29C0] =	vst v0  }
0x9a: {  	v0 =	vld [tilespmem:s26+$0xD0];
	_ =	sdelay $0x4  }
0x9b: {  	v1 =	vand.u32 $0xFFFF, v0;
	v0 =	vshrl.u32 v0, $0x10  }
0x9c: {  	[tilespmem:$0x28D0] =	vst v1  }
0x9d: {  	[tilespmem:$0x29D0] =	vst v0  }
0x9e: {  	v0 =	vld [tilespmem:s26+$0xE0];
	_ =	sdelay $0x4  }
0x9f: {  	v1 =	vand.u32 $0xFFFF, v0;
	v0 =	vshrl.u32 v0, $0x10  }
0xa0: {  	[tilespmem:$0x28E0] =	vst v1  }
0xa1: {  	[tilespmem:$0x29E0] =	vst v0  }
0xa2: {  	v0 =	vld [tilespmem:s26+$0xF0];
	_ =	sdelay $0x4  }
0xa3: {  	v1 =	vand.u32 $0xFFFF, v0;
	v0 =	vshrl.u32 v0, $0x10  }
0xa4: {  	[tilespmem:$0x28F0] =	vst v1  }
0xa5: {  	[tilespmem:$0x29F0] =	vst v0  }
0xa6: {  	[tilespmem:s16], [sflag:$0x2] =	stream.indirect.gather [hbm4b:s4+s12], $0x80, s15, s12, $0xb8;
	[tilespmem:$0x1EA00] =	vst v63  }
0xa7: {  	_ =	swait.ge [sflag:s17], $0x4000  }
0xa8: {  	[sflag:s17] =	ssyncset.done $0x0  }
0xa9: {  	[sflag:s17] =	ssyncadd.s32 $0xFFFFC000  }
0xaa: {  	[spmem:s2] =	stream.indirect.scatter.add.f32 [tilespmem:s14], [sflag:$0x3], $0x80, s18, s12, $0xb8;
	[tilespmem:$0x1EA00] =	vst v63  }
0xab: {  	_ =	swait.ge [sflag:s19], $0x4000  }
0xac: {  	p1 =	seq.s32 s25, $0x9C00;
	[sflag:s19] =	ssyncset.done $0x0  }
0xad: {  	s26 =	sshra.s32 @!p1 s25, $0x2;
	[sflag:s19] =	ssyncadd.s32 $0xFFFFC000  }
0xae: {  	v0 =	vld @!p1 [tilespmem:s26+$0x100];
	_ =	sdelay $0x4  }
0xaf: {  	v1 =	vand.u32 @!p1 $0xFFFF, v0;
	v0 =	vshrl.u32 @!p1 v0, $0x10  }
0xb0: {  	[tilespmem:$0x2800] =	vst @!p1 v1  }
0xb1: {  	[tilespmem:$0x2900] =	vst @!p1 v0  }
0xb2: {  	v0 =	vld @!p1 [tilespmem:s26+$0x110];
	_ =	sdelay $0x4  }
0xb3: {  	v1 =	vand.u32 @!p1 $0xFFFF, v0;
	v0 =	vshrl.u32 @!p1 v0, $0x10  }
0xb4: {  	[tilespmem:$0x2810] =	vst @!p1 v1  }
0xb5: {  	[tilespmem:$0x2910] =	vst @!p1 v0  }
0xb6: {  	v0 =	vld @!p1 [tilespmem:s26+$0x120];
	_ =	sdelay $0x4  }
0xb7: {  	v1 =	vand.u32 @!p1 $0xFFFF, v0;
	v0 =	vshrl.u32 @!p1 v0, $0x10  }
0xb8: {  	[tilespmem:$0x2820] =	vst @!p1 v1  }
0xb9: {  	[tilespmem:$0x2920] =	vst @!p1 v0  }
0xba: {  	v0 =	vld @!p1 [tilespmem:s26+$0x130];
	_ =	sdelay $0x4  }
0xbb: {  	v1 =	vand.u32 @!p1 $0xFFFF, v0;
	v0 =	vshrl.u32 @!p1 v0, $0x10  }
0xbc: {  	[tilespmem:$0x2830] =	vst @!p1 v1  }
0xbd: {  	[tilespmem:$0x2930] =	vst @!p1 v0  }
0xbe: {  	v0 =	vld @!p1 [tilespmem:s26+$0x140];
	_ =	sdelay $0x4  }
0xbf: {  	v1 =	vand.u32 @!p1 $0xFFFF, v0;
	v0 =	vshrl.u32 @!p1 v0, $0x10  }
0xc0: {  	[tilespmem:$0x2840] =	vst @!p1 v1  }
0xc1: {  	[tilespmem:$0x2940] =	vst @!p1 v0  }
0xc2: {  	v0 =	vld @!p1 [tilespmem:s26+$0x150];
	_ =	sdelay $0x3  }
.Ltmp0:
0xc3: {  	(pc) =	sbr.rel @p0 .LBB2_2-.Ltmp0, $4  }
0xc4: {  	v1 =	vand.u32 @!p1 $0xFFFF, v0;
	v0 =	vshrl.u32 @!p1 v0, $0x10  }
0xc5: {  	[tilespmem:$0x2850] =	vst @!p1 v1  }
0xc6: {  	[tilespmem:$0x2950] =	vst @!p1 v0  }
0xc7: {  	v0 =	vld @!p1 [tilespmem:s26+$0x160]  }
0xc8: {  	_ =	sdelay $0x3  }
0xc9: {  	v1 =	vand.u32 @!p1 $0xFFFF, v0  }
0xca: {  	v0 =	vshrl.u32 @!p1 v0, $0x10;
	[tilespmem:$0x2860] =	vst @!p1 v1  }
0xcb: {  	[tilespmem:$0x2960] =	vst @!p1 v0  }
0xcc: {  	v0 =	vld @!p1 [tilespmem:s26+$0x170];
	_ =	sdelay $0x4  }
0xcd: {  	v1 =	vand.u32 @!p1 $0xFFFF, v0  }
0xce: {  	v0 =	vshrl.u32 @!p1 v0, $0x10;
	[tilespmem:$0x2870] =	vst @!p1 v1  }
0xcf: {  	s24 =	simm.s32 @!p1 $0x80;
	s25 =	simm.s32 @!p1 $0x2800;
	s26 =	simm.s32 @!p1 $0x2A00;
	[tilespmem:$0x2970] =	vst @!p1 v0  }
0xd0: {  	[tilespmem:s26], [sflag:$0x1] =	stream.indirect.gather @!p1 [hbm4b:s4+s24], $0x80, s25, s24, $0xb8;
	[tilespmem:$0x1EA00] =	vst v63  }
0xd1: {  	_ =	swait.ge [sflag:s20], $0x4000  }
0xd2: {  	[sflag:s20] =	ssyncset.done $0x0  }
0xd3: {  	[sflag:s20] =	ssyncadd.s32 $0xFFFFC000  }
0xd4: {  	[spmem:s2] =	stream.indirect.scatter.add.f32 [tilespmem:s16], [sflag:$0x4], $0x80, s21, s12, $0xb8;
	[tilespmem:$0x1EA00] =	vst v63  }
0xd5: {  	_ =	swait.ge [sflag:s22], $0x4000  }
0xd6: {  	s23 =	sadd.s32 $0x1, s23;
	[sflag:s22] =	ssyncset.done $0x0  }
0xd7: {  	p0 =	sne.s32 s23, s9;
	[sflag:s22] =	ssyncadd.s32 $0xFFFFC000  }
.Ltmp1:
0xd8: {  	[bflag:$0x0] =	sbarrier.arrive $0xFFFF;
	(pc) =	sbr.rel @p0 .LBB2_1-.Ltmp1, $4  }
0xd9: {  	[hbm:s8], [sflag:s6] =	dma.local [spmem:s10], $0x2800  }
0xda: {  	_ =	swait.ge [sflag:s11], $0x2800  }
0xdb: {  	[sflag:s11] =	ssyncset.done $0x0  }
0xdc: {  	[sflag:s11] =	ssyncadd.s32 $0xFFFFD800  }
0xdd: {  	_ =	sfence.sel $0x180000  }
0xde: {  	[bflag:$0x0] =	sbarrier.arrive $0xFFFF  }
0xdf: {  	p0 =	sne.s32 s0, $0x0;
	_ =	strace $0x9000004D  }
0xe0: {  	s0 =	sadd.s32 @!p0 $0x100000, s1;
	[bflag:$0x2] =	sbarrier.arrive $0xFFFF  }
0xe1: {  	[sflag:s0] =	ssyncadd.tile.s32 @!p0 $0x1;
	_ =	shalt  }
.Lfunc_end2:
_tile_overlayer_lowered:
.L_overlay_start_2:
0xe2: {  	(tag) =	ssettag $0x2  }
0xe3: {  	s0 =	rddreg [dreg:$0x0];
	s2 =	stileid.u32  }
0xe4: {  	s1 =	rddreg [dreg:$0x1];
	p0 =	sne.s32 s2, $0x0  }
0xe5: {  	s3 =	rddreg [dreg:$0x2];
	[bflag:$0x3] =	sbarrier.arrive $0xFFFF;
	s2 =	simm.s32 @!p0 $0x1C05  }
0xe6: {  	[timem:s3], [sflag:s2] =	dma.local @!p0 [hbm:s0], s1  }
0xe7: {  	s0 =	simm.s32 @!p0 $0x5  }
0xe8: {  	_ =	swait.ge @!p0 [sflag:s0], s1  }
0xe9: {  	s1 =	ssub.s32 @!p0 $0x0, s1;
	[sflag:s0] =	ssyncset.done @!p0 $0x0  }
0xea: {  	[sflag:s0] =	ssyncadd.s32 @!p0 s1  }
0xeb: {  	[bflag:$0x3] =	sbarrier.arrive $0xFFFF  }
0xec: {  	_ =	shalt  }

// kernel: kernel.9.cloned.1.call-start
scs
__scs_entry_jumppad:
0x0: {  	(pc) =	sbr.rel $0x88, $3  }
0x1: {  	(tag) =	ssettag $0x0;
	lr =	simm.s32 $0x1  }
0x2: {  	[smem:$0x3F9B] =	sst lr;
	_ =	strace $0xD0000000  }
0x3: {  	_ = 	snop  }
0x4: {  	_ = 	snop  }
0x5: {  	_ = 	snop  }
0x6: {  	_ = 	snop  }
0x7: {  	_ = 	snop  }
__scs_overlays_trampoline_lowered:
0x8: {  	[smem:$0x3FAA] =	sst s0  }
0x9: {  	[smem:$0x3FAB] =	sst s1  }
0xa: {  	[smem:$0x3FAC] =	sst s2  }
0xb: {  	[smem:$0x3FAD] =	sst s3  }
0xc: {  	[smem:$0x3FAE] =	sst s4  }
0xd: {  	[smem:$0x3FAF] =	sst s5  }
0xe: {  	[smem:$0x3FB0] =	sst s6  }
0xf: {  	[smem:$0x3FB1] =	sst s7  }
0x10: {  	[smem:$0x3FB2] =	sst s8  }
0x11: {  	[smem:$0x3FB3] =	sst s9;
	s0 =	simm.s32 @!p0 $0x0  }
0x12: {  	s1 =	sld [smem:$0x3F99];
	s0 =	simm.s32 @p0 $0x1  }
0x13: {  	[smem:$0x3FB4] =	sst s0;
	s0 =	simm.s32 @!p1 $0x0  }
0x14: {  	s2 =	sld [smem:$0x3F98];
	s0 =	simm.s32 @p1 $0x1  }
0x15: {  	[smem:$0x3FB5] =	sst s0;
	s0 =	simm.s32 @!p2 $0x0  }
0x16: {  	s3 =	sld [smem:$0x3FDB];
	s0 =	simm.s32 @p2 $0x1  }
0x17: {  	s4 =	simm.s32 $0x1BF5;
	[smem:$0x3FB7] =	sst s0  }
0x18: {  	s0 =	sld [smem:$0x3F9A];
	_ =	swait.ge [sflag:s4], $0x0  }
0x19: {  	s7 =	sld [smem:$0x3F9B]  }
0x1a: {  	s8 =	sadd.s32 $0xFFFFE003, lr  }
0x1b: {  	s9 =	sadd.s32 $0xFFFFFEF7, lr;
	s5 =	simm.s32 $0xFFFFFFFF;
	p2 =	slt.u32 s8, $0xFFFFF086  }
0x1c: {  	p1 =	slt.u32 s9, $0xF7A;
	s5 =	simm.s32 @!p2 $0x0  }
0x1d: {  	s5 =	simm.s32 @p1 $0x1;
	p0 =	seq.s32 s7, s2  }
0x1e: {  	s7 =	smul.u32 @!p0 $0xF7A, s2;
	p2 =	seq.s32 @!p0 s5, $0x0  }
0x1f: {  	s9 =	smul.u32 $0xF7A, s1;
	s8 =	simm.s32 @!p0 $0x1BF5;
	p2 =	por !p2, p0  }
0x20: {  	[sflag:s8] =	ssyncset.s32 @!p0 $0xFFFFF086;
	s6 =	sadd.s32 @!p0 s3, s7;
	s7 =	simm.s32 @!p0 $0x108  }
0x21: {  	s3 =	sadd.s32 s3, s9;
	s6 =	sadd.s32 @!p0 $0x88, s6;
	s7 =	simm.s32 @p2 $0x1082  }
0x22: {  	[simem:s7], [sflag:s8] =	dma.local @!p0 [hbm:s6], $0xF7A  }
0x23: {  	s9 =	sor.u32 $0xD0000000, s2;
	s6 =	simm.s32 $0x108;
	_ =	swait.ge @!p0 [sflag:s8], $0x0  }
0x24: {  	s3 =	sadd.s32 $0x88, s3;
	s6 =	simm.s32 @!p1 $0x1082;
	[sflag:s4] =	ssyncset.s32 $0xFFFFF086  }
0x25: {  	[simem:s6], [sflag:s4] =	dma.local [hbm:s3], $0xF7A  }
0x26: {  	[smem:$0x3F9B] =	sst s1;
	(tag) =	ssettag s2;
	_ =	strace s9  }
0x27: {  	s1 =	sld [smem:$0x3FAB]  }
0x28: {  	s2 =	sld [smem:$0x3FAC]  }
0x29: {  	s4 =	sld [smem:$0x3FAE]  }
0x2a: {  	p0 =	seq.s32 s5, $0x0;
	s5 =	sld [smem:$0x3FAF]  }
0x2b: {  	s6 =	sld [smem:$0x3FB0]  }
0x2c: {  	s7 =	sld [smem:$0x3FB1]  }
0x2d: {  	s3 =	simm.s32 $0x108;
	s8 =	sld [smem:$0x3FB2]  }
0x2e: {  	s3 =	simm.s32 @!p0 $0x1082;
	s9 =	sld [smem:$0x3FB3]  }
0x2f: {  	lr =	sadd.s32 s0, s3;
	s0 =	sld [smem:$0x3FAA]  }
0x30: {  	s3 =	sld [smem:$0x3FAD]  }
0x31: {  	[smem:$0x3FB6] =	sst s10  }
0x32: {  	s10 =	sld [smem:$0x3FB4];
	_ =	sdelay $0x3  }
0x33: {  	p0 =	seq.s32 s10, $0x1;
	s10 =	sld [smem:$0x3FB6];
	_ =	sdelay $0x3  }
0x34: {  	[smem:$0x3FB6] =	sst s10  }
0x35: {  	s10 =	sld [smem:$0x3FB5];
	_ =	sdelay $0x3  }
0x36: {  	p1 =	seq.s32 s10, $0x1;
	s10 =	sld [smem:$0x3FB6];
	_ =	sdelay $0x3  }
0x37: {  	[smem:$0x3FB6] =	sst s10  }
0x38: {  	s10 =	sld [smem:$0x3FB7]  }
0x39: {  	_ = 	snop;
	(pc) =	sbr.ind lr, $3  }
0x3a: {  	_ = 	snop  }
0x3b: {  	_ = 	snop  }
0x3c: {  	p2 =	seq.s32 s10, $0x1;
	s10 =	sld [smem:$0x3FB6]  }
0x3d: {  	_ =	shalt  }
0x3e: {  	_ =	shalt  }
0x3f: {  	_ =	shalt  }
0x40: {  	_ =	shalt  }
0x41: {  	_ =	shalt  }
0x42: {  	_ =	shalt  }
0x43: {  	_ =	shalt  }
0x44: {  	_ =	shalt  }
0x45: {  	_ =	shalt  }
0x46: {  	_ =	shalt  }
0x47: {  	_ =	shalt  }
0x48: {  	_ =	shalt  }
0x49: {  	_ =	shalt  }
0x4a: {  	_ =	shalt  }
0x4b: {  	_ =	shalt  }
0x4c: {  	_ =	shalt  }
0x4d: {  	_ =	shalt  }
0x4e: {  	_ =	shalt  }
0x4f: {  	_ =	shalt  }
0x50: {  	_ =	shalt  }
0x51: {  	_ =	shalt  }
0x52: {  	_ =	shalt  }
0x53: {  	_ =	shalt  }
0x54: {  	_ =	shalt  }
0x55: {  	_ =	shalt  }
0x56: {  	_ =	shalt  }
0x57: {  	_ =	shalt  }
0x58: {  	_ =	shalt  }
0x59: {  	_ =	shalt  }
0x5a: {  	_ =	shalt  }
0x5b: {  	_ =	shalt  }
0x5c: {  	_ =	shalt  }
0x5d: {  	_ =	shalt  }
0x5e: {  	_ =	shalt  }
0x5f: {  	_ =	shalt  }
0x60: {  	_ =	shalt  }
0x61: {  	_ =	shalt  }
0x62: {  	_ =	shalt  }
0x63: {  	_ =	shalt  }
0x64: {  	_ =	shalt  }
0x65: {  	_ =	shalt  }
0x66: {  	_ =	shalt  }
0x67: {  	_ =	shalt  }
0x68: {  	_ =	shalt  }
0x69: {  	_ =	shalt  }
0x6a: {  	_ =	shalt  }
0x6b: {  	_ =	shalt  }
0x6c: {  	_ =	shalt  }
0x6d: {  	_ =	shalt  }
0x6e: {  	_ =	shalt  }
0x6f: {  	_ =	shalt  }
0x70: {  	_ =	shalt  }
0x71: {  	_ =	shalt  }
0x72: {  	_ =	shalt  }
0x73: {  	_ =	shalt  }
0x74: {  	_ =	shalt  }
0x75: {  	_ =	shalt  }
0x76: {  	_ =	shalt  }
0x77: {  	_ =	shalt  }
0x78: {  	_ =	shalt  }
0x79: {  	_ =	shalt  }
0x7a: {  	_ =	shalt  }
0x7b: {  	_ =	shalt  }
0x7c: {  	_ =	shalt  }
0x7d: {  	_ =	shalt  }
0x7e: {  	_ =	shalt  }
0x7f: {  	_ =	shalt  }
0x80: {  	_ =	shalt  }
0x81: {  	_ =	shalt  }
0x82: {  	_ =	shalt  }
0x83: {  	_ =	shalt  }
0x84: {  	_ =	shalt  }
0x85: {  	_ =	shalt  }
0x86: {  	_ =	shalt  }
0x87: {  	_ =	shalt  }
.Lfunc_end0:
.L_simem_size_0:
called_computation_lowered:
.L_overlay_start_0:
0x88: {  	s2 =	sld [smem:$0x3FD9]  }
0x89: {  	s3 =	sld [smem:$0x3FFE];
	_ =	sdelay $0x1  }
0x8a: {  	s1 =	srdreg.scid  }
0x8b: {  	s0 =	sand.u32 $0x1, s1  }
0x8c: {  	s16 =	sshll.u32 s0, $0xA;
	s2 =	sadd.s32 s3, s2  }
0x8d: {  	s2 =	sadd.s32 s2, s16  }
0x8e: {  	[smem:$0x3FC2] =	sst s2  }
0x8f: {  	_ = 	snop  }
0x90: {  	(tm) =	ssettm $0x1  }
0x91: {  	s17 =	sld [smem:$0x3FFB];
	_ =	sdelay $0x3  }
0x92: {  	_ =	strace s17  }
0x93: {  	s2 =	sld [smem:$0x3FFC];
	_ =	sdelay $0x3  }
0x94: {  	_ =	strace s2  }
0x95: {  	s2 =	sld [smem:$0x3FFD];
	_ =	sdelay $0x3  }
0x96: {  	_ =	strace s2  }
0x97: {  	_ =	strace $0x8FFFFFFF  }
0x98: {  	s18 =	sld [smem:$0x3FDB];
	_ =	sdelay $0x1  }
0x99: {  	s19 =	simm.s32 $_scs_section_size  }
0x9a: {  	s4 =	simm.s32 $_size__tile_overlayer_lowered;
	s5 =	simm.s32 $_tile_overlayer_lowered  }
0x9b: {  	s22 =	simm.s32 $0x1BFF;
	s21 =	sshll.u32 s5, $0x1;
	s2 =	sadd.s32 s19, s18  }
0x9c: {  	s6 =	simm.s32 $0x0;
	s20 =	sshll.u32 s4, $0x1;
	s4 =	sadd.s32 s21, s2  }
0x9d: {  	[timem:s6], [sflag:s22] =	dma.local [hbm:s4], s20  }
0x9e: {  	_ =	swait.ge [sflag:s22], s20  }
0x9f: {  	s3 =	ssub.s32 $0x0, s20;
	[sflag:s22] =	ssyncset.done $0x0  }
0xa0: {  	[sflag:s22] =	ssyncadd.s32 s3;
	_ =	sdelay $0x1  }
0xa1: {  	s23 =	simm.s32 $0x1B8B  }
0xa2: {  	_ =	swait.ge [sflag:s23], $0x1  }
0xa3: {  	[sflag:s23] =	ssyncset.done $0x0  }
0xa4: {  	s25 =	simm.s32 $0x1B8E;
	s24 =	sld [smem:$0x3FFE];
	[sflag:s23] =	ssyncadd.s32 $0xFFFFFFFF  }
0xa5: {  	s26 =	simm.s32 $execute0_lowered;
	[smem:$0x3FD2] =	sst s25  }
0xa6: {  	s4 =	sshll.u32 s26, $0x1;
	_ =	strace $0x80000046;
	[dreg:$0x1] =	wrdreg $0xFFFFFFFF  }
0xa7: {  	s28 =	simm.s32 $_size_execute0_lowered;
	s2 =	sadd.s32 s2, s4;
	[dreg:$0x0] =	wrdreg $0x0  }
0xa8: {  	s4 =	sshll.u32 s28, $0x1;
	[dreg:$0x2] =	wrdreg s2  }
0xa9: {  	[dreg:$0x3] =	wrdreg s4  }
0xaa: {  	[dreg:$0x4] =	wrdreg $0xC0  }
0xab: {  	_ =	task [dreg:s6], $0x5FFFF  }
0xac: {  	[dreg:$0x1] =	wrdreg $0xFFFFFFFF  }
0xad: {  	[dreg:$0x0] =	wrdreg $0x60  }
0xae: {  	[dreg:$0x2] =	wrdreg s24  }
0xaf: {  	[dreg:$0x3] =	wrdreg $0x14800  }
0xb0: {  	[dreg:$0x4] =	wrdreg $0x9  }
0xb1: {  	_ =	task.clear_ibuf [dreg:s6], $0x5FFFF;
	_ =	strace $0x90000046  }
0xb2: {  	s29 =	simm.s32 $0x9;
	_ =	strace $0x80000048  }
0xb3: {  	_ =	swait.ge [sflag:s29], $0x1  }
0xb4: {  	[sflag:s29] =	ssyncadd.s32 $0xFFFFFFFF  }
0xb5: {  	_ =	strace $0x90000048  }
0xb6: {  	_ =	sfence  }
0xb7: {  	s30 =	sld [smem:$0x0];
	_ =	sdelay $0x2  }
0xb8: {  	s31 =	sshll.u32 s1, $0xD;
	s1 =	sshrl.u32 s1, $0x2  }
0xb9: {  	s3 =	sand.u32 $0x4000, s31;
	s1 =	sadd.s32 s1, s30  }
0xba: {  	s0 =	sor.u32 s3, s0;
	s1 =	sshll.u32 s1, $0x11  }
0xbb: {  	s0 =	sor.u32 s1, s0  }
0xbc: {  	s0 =	sadd.s32 $0x8F2B, s0  }
0xbd: {  	[sflag:s0] =	ssyncadd.remote.s32 $0x1  }
0xbe: {  	_ =	sfence.sel $0xFFFF  }
0xbf: {  	[dreg:$0x0] =	wrdreg $0xFFFFFFFF;
	(pc) =	sbr.abs _section_cstart, $3  }
0xc0: {  	[dreg:$0x1] =	wrdreg $0xFFFFFFFF  }
0xc1: {  	_ =	task.clear_ibuf [dreg:s6], $0x2FFFF;
	_ =	strace $0x9FFFFFFF  }
0xc2: {  	(tm) =	ssettm $0x7FFFFFFF  }
0xc3: {  	_ =	shalt  }
tec
execute0_lowered:
.L_overlay_start_1:
0x0: {  	(tag) =	ssettag $0x1  }
0x1: {  	s0 =	srdreg.scid;
	s5 =	rddreg [dreg:$0x0]  }
0x2: {  	s2 =	rddreg [dreg:$0x1];
	s3 =	simm.s32 $0x0;
	s12 =	simm.s32 $0x1400  }
0x3: {  	s13 =	simm.s32 $0x20;
	s4 =	sand.u32 $0x1, s0;
	s0 =	stileid.u32  }
0x4: {  	s14 =	simm.s32 $0x10;
	s15 =	simm.s32 $0x0;
	s7 =	smul.u32 $0x500, s0  }
0x5: {  	[smem:$0x7FF] =	sst s3;
	s1 =	sshll.u32 s4, $0x4;
	s8 =	smul.u32 $0x280, s0  }
0x6: {  	s9 =	sshll.u32 s4, $0x7;
	s4 =	ssub.s32 $0x2, s4;
	s1 =	sor.u32 s0, s1  }
0x7: {  	s31 =	sshll.u32 s0, $0x6;
	s30 =	sshrl.u32 s4, $0x1;
	s6 =	smul.u32 $0x280, s1  }
0x8: {  	s1 =	rddreg [dreg:$0x2];
	_ =	strace $0x80000047;
	s7 =	sor.u32 s9, s7  }
0x9: {  	s29 =	sshrl.u32 s8, $0x3;
	s10 =	ssub.s32 s4, s30;
	s11 =	sadd.s32 s8, s2  }
0xa: {  	s7 =	sshrl.u32 s7, $0x3;
	s9 =	sadd.s32 s29, s5;
	s8 =	smax.u32 s10, $0x1  }
0xb: {  	s10 =	simm.s32 $0x1;
	s6 =	sadd.s32 s6, s5;
	s7 =	sadd.s32 s7, s5  }
0xc: {  	s4 =	sadd.s32 $0x7000, s9;
	s5 =	sor.u32 $0x1C01, s31;
	s9 =	sshrl.u32 s11, $0x3  }
0xd: {  	v0 =	vimm.f32 $1.000000000e+00;
	s11 =	simm.s32 $0x80;
	s6 =	sadd.s32 $0x2000, s6;
	s7 =	sadd.s32 $0x7600, s7  }
.LBB2_1:
0xe: {  	[spmem:s9], [sflag:s5] =	dma.local [hbm:s4], $0x50  }
0xf: {  	_ =	swait.ge [sflag:s10], $0x50  }
0x10: {  	[sflag:s10] =	ssyncset.done $0x0  }
0x11: {  	[sflag:s10] =	ssyncadd.s32 $0xFFFFFFB0  }
0x12: {  	[tilespmem:s3], [sflag:$0x1] =	stream.linear.gather [hbm4b:s6+s3], $0x1400, $0x38;
	[tilespmem:$0x1700] =	vst v63  }
0x13: {  	_ =	swait.ge [sflag:s10], $0x1400  }
0x14: {  	[sflag:s10] =	ssyncset.done $0x0  }
0x15: {  	[sflag:s10] =	ssyncadd.s32 $0xFFFFEC00  }
0x16: {  	[tilespmem:$0x1400] =	vst v0  }
0x17: {  	[tilespmem:$0x1410] =	vst v0  }
0x18: {  	[tilespmem:$0x1420] =	vst v0  }
0x19: {  	[tilespmem:$0x1430] =	vst v0  }
0x1a: {  	[tilespmem:$0x1440] =	vst v0  }
0x1b: {  	[tilespmem:$0x1450] =	vst v0  }
0x1c: {  	[tilespmem:$0x1460] =	vst v0  }
0x1d: {  	[tilespmem:$0x1470] =	vst v0  }
0x1e: {  	s16 =	simm.s32 $0x0;
	[bflag:$0x0] =	sbarrier.arrive $0xFFFF  }
0x1f: {  	[spmem:s2] =	stream.indirect.scatter.add.f32 [tilespmem:s12], [sflag:$0x1], $0x1, s16, s11, $0xb8;
	[tilespmem:$0x1700] =	vst v63  }
0x20: {  	_ =	swait.ge [sflag:s10], $0x80  }
0x21: {  	s16 =	simm.s32 $0x200;
	[sflag:s10] =	ssyncset.done $0x0  }
.LBB2_2:
0x22: {  	s17 =	sshra.s32 s16, $0x2;
	[sflag:s10] =	ssyncadd.s32 $0xFFFFFF80;
	p0 =	sne.s32 s16, $0x4E00  }
0x23: {  	[spmem:s2] =	stream.indirect.scatter.add.f32 [tilespmem:s12], [sflag:$0x1], $0x1, s17, s11, $0xb8;
	[tilespmem:$0x1700] =	vst v63  }
.Ltmp0:
0x24: {  	_ = 	snop;
	(pc) =	sbr.rel @p0 .LBB2_2-.Ltmp0, $4  }
0x25: {  	_ = 	snop  }
0x26: {  	s16 =	sadd.s32 $0x200, s16  }
0x27: {  	_ =	swait.ge [sflag:s10], $0x80  }
0x28: {  	[sflag:s10] =	ssyncset.done $0x0  }
0x29: {  	s15 =	sadd.s32 $0x1, s15  }
0x2a: {  	[sflag:s10] =	ssyncadd.s32 $0xFFFFFF80;
	p0 =	sne.s32 s15, s8  }
.Ltmp1:
0x2b: {  	[bflag:$0x0] =	sbarrier.arrive $0xFFFF;
	(pc) =	sbr.rel @p0 .LBB2_1-.Ltmp1, $4  }
0x2c: {  	[hbm:s7@s13], [sflag:s5] =	dma.strided [spmem:s9@s14], $0x50, s10, $0x10   }
0x2d: {  	_ =	swait.ge [sflag:s10], $0x50  }
0x2e: {  	[sflag:s10] =	ssyncset.done $0x0  }
0x2f: {  	[sflag:s10] =	ssyncadd.s32 $0xFFFFFFB0  }
0x30: {  	_ =	sfence.sel $0x180000  }
0x31: {  	[bflag:$0x0] =	sbarrier.arrive $0xFFFF  }
0x32: {  	p0 =	sne.s32 s0, $0x0;
	_ =	strace $0x90000047  }
0x33: {  	s0 =	sadd.s32 @!p0 $0x100000, s1;
	[bflag:$0x2] =	sbarrier.arrive $0xFFFF  }
0x34: {  	[sflag:s0] =	ssyncadd.tile.s32 @!p0 $0x1;
	_ =	shalt  }
.Lfunc_end2:
_tile_overlayer_lowered:
.L_overlay_start_2:
0x35: {  	(tag) =	ssettag $0x2  }
0x36: {  	s0 =	rddreg [dreg:$0x0];
	s2 =	stileid.u32  }
0x37: {  	s1 =	rddreg [dreg:$0x1];
	p0 =	sne.s32 s2, $0x0  }
0x38: {  	s3 =	rddreg [dreg:$0x2];
	[bflag:$0x3] =	sbarrier.arrive $0xFFFF;
	s2 =	simm.s32 @!p0 $0x1C01  }
0x39: {  	[timem:s3], [sflag:s2] =	dma.local @!p0 [hbm:s0], s1  }
0x3a: {  	s0 =	simm.s32 @!p0 $0x1  }
0x3b: {  	_ =	swait.ge @!p0 [sflag:s0], s1  }
0x3c: {  	s1 =	ssub.s32 @!p0 $0x0, s1;
	[sflag:s0] =	ssyncset.done @!p0 $0x0  }
0x3d: {  	[sflag:s0] =	ssyncadd.s32 @!p0 s1  }
0x3e: {  	[bflag:$0x3] =	sbarrier.arrive $0xFFFF  }
0x3f: {  	_ =	shalt  }

</sc_bundles>
